<compile_context>
chip_gen: v7x
topology: tpu7x:2x2x1
jax: 0.10.2.dev20260603
libtpu: 0.0.44.dev20260713+nightly
codegen_flags: <defaults>
</compile_context>

<pallas_src>
import functools

import jax
import jax.numpy as jnp
from jax import lax
from jax.experimental import pallas as pl
from jax.experimental.pallas import tpu as pltpu
from jax.experimental.pallas import tpu_sc as plsc

_SUM_OF_FEATURES = 100000
_LINPUT = 256
_NUM_LS_BUCKETS = 60
_MAX_PLY = 60
_BUCKET_SIZE = _MAX_PLY // _NUM_LS_BUCKETS
_B = 16384
_N_ACTIVE = 26

_NC = 2
_NS = 16
_NW = _NC * _NS
_BPW = _B // _NW
_C = 4
_ROWS = _C * _N_ACTIVE
_RPAD = 112
_NCHUNK = _BPW // _C
_L = 16
_KCH = _LINPUT // _L

_LN = 128
_NLINES = _SUM_OF_FEATURES * 2

_mesh = plsc.VectorSubcoreMesh(
    core_axis_name="c", subcore_axis_name="s",
    num_cores=_NC, num_subcores=_NS)


@functools.partial(
    pl.kernel,
    out_type=jax.ShapeDtypeStruct((_B,), jnp.float32),
    mesh=_mesh,
    scratch_types=[
        pltpu.VMEM((_BPW * _N_ACTIVE // 128, 128), jnp.int32),
        pltpu.VMEM((3, 2, _RPAD), jnp.int32),
        pltpu.VMEM((_BPW,), jnp.int32),
        pltpu.VMEM((_NUM_LS_BUCKETS * _LINPUT,), jnp.float32),
        pltpu.VMEM((_LINPUT,), jnp.float32),
        pltpu.VMEM((_NUM_LS_BUCKETS,), jnp.float32),
        pltpu.VMEM((3, 2 * _ROWS, _LN), jnp.float32),
        pltpu.VMEM((_BPW + _L,), jnp.float32),
        pltpu.SemaphoreType.DMA,
    ],
    compiler_params=pltpu.CompilerParams(
        needs_layout_passes=False, use_tc_tiling_on_sc=False),
)
def _sc_forward(fi_hbm, ply_hbm, table_hbm, ib_hbm, w_hbm, ob_hbm, out_hbm,
                fi_raw_v, fi_v, ply_v, w_v, ib_v, ob_v, rows_v, out_v, sem):
    wid = lax.axis_index("s") * _NC + lax.axis_index("c")

    _FROWS = _BPW * _N_ACTIVE // 128
    pltpu.sync_copy(fi_hbm.at[pl.ds(wid * _FROWS, _FROWS)], fi_raw_v)
    pltpu.sync_copy(ply_hbm.at[pl.ds(wid * _BPW, _BPW)], ply_v)
    pltpu.sync_copy(w_hbm, w_v)
    pltpu.sync_copy(ib_hbm, ib_v)
    pltpu.sync_copy(ob_hbm, ob_v)

    lane = lax.iota(jnp.int32, _L)

    def prep_indices(chunk):
        slot = lax.rem(chunk, 3)
        for g in range(_RPAD // _L):
            q = jnp.minimum(chunk * _ROWS + (lane + g * _L),
                            _BPW * _N_ACTIVE - 1)
            v = plsc.load_gather(fi_raw_v, [q >> 7, q & 127])
            l0 = (v >> 3) * 16 + (v & 7)
            fi_v[slot, 0, pl.ds(g * _L, _L)] = l0
            fi_v[slot, 1, pl.ds(g * _L, _L)] = l0 + 8

    def issue(chunk, slot):
        islot = lax.rem(chunk, 3)
        for h in range(2):
            pltpu.async_copy(table_hbm.at[fi_v.at[islot, h, pl.ds(0, _ROWS)]],
                             rows_v.at[slot, pl.ds(h * _ROWS, _ROWS)], sem)

    def wait(chunk, slot):
        for h in range(2):
            pltpu.make_async_copy(
                table_hbm.at[fi_v.at[lax.rem(chunk, 3), h, pl.ds(0, _ROWS)]],
                rows_v.at[slot, pl.ds(h * _ROWS, _ROWS)], sem).wait()

    for c in range(2):
        prep_indices(c)
        issue(c, c)

    @pl.loop(0, _NCHUNK)
    def _chunk_body(chunk):
        slot = lax.rem(chunk, 3)
        wait(chunk, slot)

        @pl.when(chunk + 2 < _NCHUNK)
        def _():
            prep_indices(chunk + 2)
            issue(chunk + 2, lax.rem(chunk + 2, 3))

        buckets = []
        for b in range(_C):
            bidx = jnp.full((_L,), 0, jnp.int32) + (chunk * _C + b)
            plyb = plsc.load_gather(ply_v, [bidx])
            buckets.append(jnp.clip(plyb // _BUCKET_SIZE, 0, _NUM_LS_BUCKETS - 1))

        init = tuple(jnp.zeros((_L,), jnp.float32) for _ in range(_C))

        @pl.loop(0, _KCH, init_carry=init)
        def partials(k, carry):
            col = pl.ds(k * _L, _L)
            bias = ib_v[col]
            hbase = (k // 8) * _ROWS
            lcol = pl.ds(lax.rem(k, 8) * _L, _L)
            new = []
            for b in range(_C):
                base = b * _N_ACTIVE
                chains = [rows_v[slot, hbase + base + r, lcol]
                          for r in range(4)]
                for r in range(4, _N_ACTIVE):
                    chains[r % 4] = (chains[r % 4]
                                     + rows_v[slot, hbase + base + r, lcol])
                acc = (chains[0] + chains[1]) + (chains[2] + chains[3])
                acc = acc + bias
                acc = jnp.clip(acc, 0.0, 1.0)
                acc = acc * acc * jnp.float32(255.0 / 256.0)
                widx = buckets[b] * _LINPUT + (k * _L + lane)
                wch = plsc.load_gather(w_v, [widx])
                new.append(carry[b] + acc * wch)
            return tuple(new)

        vals = jnp.zeros((_L,), jnp.float32)
        for b in range(_C):
            rsum = jnp.sum(partials[b])
            ob = plsc.load_gather(ob_v, [buckets[b]])
            vals = vals + jnp.where(lane == b, rsum + ob, 0.0)

        out_v[pl.ds(chunk * _C, _L)] = vals

    pltpu.sync_copy(out_v.at[pl.ds(0, _BPW)],
                    out_hbm.at[pl.ds(wid * _BPW, _BPW)])


def kernel(feature_indices, mobility, ply, input_weight, input_bias,
           output_weight, output_bias):
    del mobility
    tbl = (input_weight.reshape(12500, 8, 2, _LN)
           .transpose(0, 2, 1, 3).reshape(_NLINES, _LN))
    w_flat = output_weight.reshape(-1)
    fi2 = feature_indices.reshape(_B * _N_ACTIVE // 128, 128)
    out = _sc_forward(fi2, ply.astype(jnp.int32), tbl, input_bias,
                      w_flat, output_bias)
    return out.reshape(_B, 1)

# --- scband reference (transcript-rebuilt; emitter-appended) ---
"""Pipeline reference for scband-reversi-wasml-model-47072841564550 (READ-ONLY COPY).

The authoritative reference and input builder live on the scoring server;
editing this copy changes nothing except your own understanding.
"""

import jax, jax.numpy as jnp
import numpy as np

SUM_OF_FEATURES = 100000
LINPUT = 256
NUM_LS_BUCKETS = 60
MAX_PLY = 60
BUCKET_SIZE = MAX_PLY // NUM_LS_BUCKETS
B = 16384
N_ACTIVE = 26


def setup_inputs(seed: int = 0) -> dict:
    key = jax.random.key(seed)
    k1, k2, k3, k4, k5, k6 = jax.random.split(key, 6)
    feature_indices = jax.random.randint(k1, (B, N_ACTIVE), 0, SUM_OF_FEATURES, dtype=jnp.int32)
    mobility = jax.random.normal(k2, (B,), dtype=jnp.float32)
    ply = jax.random.randint(k3, (B,), 0, MAX_PLY, dtype=jnp.int32)
    # SparseLinear weights: equivalent to Linear(SUM_OF_FEATURES, LINPUT) applied to a
    # multi-hot vector, i.e. an embedding table [SUM_OF_FEATURES, LINPUT] summed over
    # active indices plus a bias.
    input_weight = jax.random.normal(k4, (SUM_OF_FEATURES, LINPUT), dtype=jnp.float32) * 0.02
    input_bias = jnp.zeros((LINPUT,), dtype=jnp.float32)
    # LayerStacks output: Linear(LINPUT, 1 * NUM_LS_BUCKETS), bias zero-initialized,
    # first block repeated (replication does not change reference semantics).
    ow = jax.random.normal(k5, (1, LINPUT), dtype=jnp.float32) * 0.02
    output_weight = jnp.tile(ow, (NUM_LS_BUCKETS, 1))
    output_bias = jnp.zeros((NUM_LS_BUCKETS,), dtype=jnp.float32)
    return {
        'feature_indices': feature_indices,
        'mobility': mobility,
        'ply': ply,
        'input_weight': input_weight,
        'input_bias': input_bias,
        'output_weight': output_weight,
        'output_bias': output_bias,
    }


def reference(feature_indices, mobility, ply, input_weight, input_bias, output_weight, output_bias):
    # SparseLinear: sum of embedding rows for active feature indices + bias
    x = jnp.take(input_weight, feature_indices, axis=0).sum(axis=1) + input_bias  # [B, LINPUT]
    # clipped-squared activation with quantization scaling
    x = jnp.clip(x, 0.0, 1.0) ** 2.0 * (255.0 / 256.0)
    # LayerStacks: dense head producing one scalar per bucket
    out = x @ output_weight.T + output_bias  # [B, NUM_LS_BUCKETS]
    # bucket_lookup_indices(ply, bucket_size, count)
    bucket = jnp.clip(ply // BUCKET_SIZE, 0, NUM_LS_BUCKETS - 1)
    # select_bucket(output, 1, bucket_indices)
    return jnp.take_along_axis(out, bucket[:, None].astype(jnp.int32), axis=1)  # [B, 1]

if __name__ == "__main__":
    import jax
    _d = setup_inputs()
    print(jax.jit(kernel)(*tuple(_d.values())))

</pallas_src>

<mosaic_0001>
#map = affine_map<(d0, d1) -> (0, 0)>
#map1 = affine_map<(d0, d1) -> (0)>
module attributes {stable_mosaic.version = 14 : i64} {
  func.func @_sc_forward(%arg0: i32, %arg1: i32, %arg2: memref<3328x128xi32, #tpu.memory_space<hbm>>, %arg3: memref<16384xi32, #tpu.memory_space<hbm>>, %arg4: memref<200000x128xf32, #tpu.memory_space<hbm>>, %arg5: memref<256xf32, #tpu.memory_space<hbm>>, %arg6: memref<15360xf32, #tpu.memory_space<hbm>>, %arg7: memref<60xf32, #tpu.memory_space<hbm>>, %arg8: memref<16384xf32, #tpu.memory_space<hbm>>, %arg9: memref<104x128xi32, #tpu.memory_space<vmem>>, %arg10: memref<3x2x112xi32, #tpu.memory_space<vmem>>, %arg11: memref<512xi32, #tpu.memory_space<vmem>>, %arg12: memref<15360xf32, #tpu.memory_space<vmem>>, %arg13: memref<256xf32, #tpu.memory_space<vmem>>, %arg14: memref<60xf32, #tpu.memory_space<vmem>>, %arg15: memref<3x208x128xf32, #tpu.memory_space<vmem>>, %arg16: memref<528xf32, #tpu.memory_space<vmem>>, %arg17: memref<!tpu.dma_semaphore, #tpu.memory_space<semaphore_mem>>) attributes {dimension_semantics = [#tpu.dimension_semantics<core_parallel>, #tpu.dimension_semantics<subcore_parallel>], iteration_bounds = array<i64: 2, 16>, scalar_prefetch = 0 : i64, scratch_operands = 9 : i64, tpu.core_type = #tpu.core_type<sc_vector_subcore>, window_params = [{transform_indices = #map}, {transform_indices = #map1}, {transform_indices = #map}, {transform_indices = #map1}, {transform_indices = #map1}, {transform_indices = #map1}, {transform_indices = #map1}]} {
    %mul3A = arith.constant 2 : i32
    %mul3A_0 = arith.muli %arg1, %mul3A : i32
    %add3A = arith.addi %mul3A_0, %arg0 : i32
    %mul3A_1 = arith.constant 104 : i32
    %mul3A_2 = arith.muli %add3A, %mul3A_1 : i32
    "tpu.region"() ({
      %run_scoped3A = tpu.sem_alloc : memref<!tpu.dma_semaphore, #tpu.memory_space<semaphore_mem>>
      %dma_start3A_610 = arith.constant 0 : i32
      %dma_start3A_611 = tpu.memref_slice %arg2[%mul3A_2, %dma_start3A_610] : memref<3328x128xi32, #tpu.memory_space<hbm>> -> memref<104x128xi32, #tpu.memory_space<hbm>>
      %dma_start3A_612 = arith.constant 0 : i32
      %dma_start3A_613 = tpu.memref_slice %arg2[%mul3A_2, %dma_start3A_612] : memref<3328x128xi32, #tpu.memory_space<hbm>> -> memref<104x128xi32, #tpu.memory_space<hbm>>
      tpu.enqueue_dma source(%dma_start3A_613 : memref<104x128xi32, #tpu.memory_space<hbm>>) target(%arg9 : memref<104x128xi32, #tpu.memory_space<vmem>>) target_semaphore(%run_scoped3A : memref<!tpu.dma_semaphore, #tpu.memory_space<semaphore_mem>>)
      %dma_wait3A = arith.constant 0 : i32
      %dma_wait3A_614 = tpu.memref_slice %arg2[%mul3A_2, %dma_wait3A] : memref<3328x128xi32, #tpu.memory_space<hbm>> -> memref<104x128xi32, #tpu.memory_space<hbm>>
      %dma_wait3A_615 = arith.constant 0 : i32
      %dma_wait3A_616 = tpu.memref_slice %arg2[%mul3A_2, %dma_wait3A_615] : memref<3328x128xi32, #tpu.memory_space<hbm>> -> memref<104x128xi32, #tpu.memory_space<hbm>>
      tpu.wait_dma2 semaphore(%run_scoped3A : memref<!tpu.dma_semaphore, #tpu.memory_space<semaphore_mem>>) src(%dma_wait3A_616 : memref<104x128xi32, #tpu.memory_space<hbm>>) dst(%arg9 : memref<104x128xi32, #tpu.memory_space<vmem>>)
      tpu.yield
    }) : () -> ()
    %mul3A_3 = arith.constant 512 : i32
    %mul3A_4 = arith.muli %add3A, %mul3A_3 : i32
    "tpu.region"() ({
      %run_scoped3A = tpu.sem_alloc : memref<!tpu.dma_semaphore, #tpu.memory_space<semaphore_mem>>
      %dma_start3A_610 = tpu.memref_slice %arg3[%mul3A_4] : memref<16384xi32, #tpu.memory_space<hbm>> -> memref<512xi32, #tpu.memory_space<hbm>>
      %dma_start3A_611 = tpu.memref_slice %arg3[%mul3A_4] : memref<16384xi32, #tpu.memory_space<hbm>> -> memref<512xi32, #tpu.memory_space<hbm>>
      tpu.enqueue_dma source(%dma_start3A_611 : memref<512xi32, #tpu.memory_space<hbm>>) target(%arg11 : memref<512xi32, #tpu.memory_space<vmem>>) target_semaphore(%run_scoped3A : memref<!tpu.dma_semaphore, #tpu.memory_space<semaphore_mem>>)
      %dma_wait3A = tpu.memref_slice %arg3[%mul3A_4] : memref<16384xi32, #tpu.memory_space<hbm>> -> memref<512xi32, #tpu.memory_space<hbm>>
      %dma_wait3A_612 = tpu.memref_slice %arg3[%mul3A_4] : memref<16384xi32, #tpu.memory_space<hbm>> -> memref<512xi32, #tpu.memory_space<hbm>>
      tpu.wait_dma2 semaphore(%run_scoped3A : memref<!tpu.dma_semaphore, #tpu.memory_space<semaphore_mem>>) src(%dma_wait3A_612 : memref<512xi32, #tpu.memory_space<hbm>>) dst(%arg11 : memref<512xi32, #tpu.memory_space<vmem>>)
      tpu.yield
    }) : () -> ()
    "tpu.region"() ({
      %run_scoped3A = tpu.sem_alloc : memref<!tpu.dma_semaphore, #tpu.memory_space<semaphore_mem>>
      tpu.enqueue_dma source(%arg6 : memref<15360xf32, #tpu.memory_space<hbm>>) target(%arg12 : memref<15360xf32, #tpu.memory_space<vmem>>) target_semaphore(%run_scoped3A : memref<!tpu.dma_semaphore, #tpu.memory_space<semaphore_mem>>)
      tpu.wait_dma2 semaphore(%run_scoped3A : memref<!tpu.dma_semaphore, #tpu.memory_space<semaphore_mem>>) src(%arg6 : memref<15360xf32, #tpu.memory_space<hbm>>) dst(%arg12 : memref<15360xf32, #tpu.memory_space<vmem>>)
      tpu.yield
    }) : () -> ()
    "tpu.region"() ({
      %run_scoped3A = tpu.sem_alloc : memref<!tpu.dma_semaphore, #tpu.memory_space<semaphore_mem>>
      tpu.enqueue_dma source(%arg5 : memref<256xf32, #tpu.memory_space<hbm>>) target(%arg13 : memref<256xf32, #tpu.memory_space<vmem>>) target_semaphore(%run_scoped3A : memref<!tpu.dma_semaphore, #tpu.memory_space<semaphore_mem>>)
      tpu.wait_dma2 semaphore(%run_scoped3A : memref<!tpu.dma_semaphore, #tpu.memory_space<semaphore_mem>>) src(%arg5 : memref<256xf32, #tpu.memory_space<hbm>>) dst(%arg13 : memref<256xf32, #tpu.memory_space<vmem>>)
      tpu.yield
    }) : () -> ()
    "tpu.region"() ({
      %run_scoped3A = tpu.sem_alloc : memref<!tpu.dma_semaphore, #tpu.memory_space<semaphore_mem>>
      tpu.enqueue_dma source(%arg7 : memref<60xf32, #tpu.memory_space<hbm>>) target(%arg14 : memref<60xf32, #tpu.memory_space<vmem>>) target_semaphore(%run_scoped3A : memref<!tpu.dma_semaphore, #tpu.memory_space<semaphore_mem>>)
      tpu.wait_dma2 semaphore(%run_scoped3A : memref<!tpu.dma_semaphore, #tpu.memory_space<semaphore_mem>>) src(%arg7 : memref<60xf32, #tpu.memory_space<hbm>>) dst(%arg14 : memref<60xf32, #tpu.memory_space<vmem>>)
      tpu.yield
    }) : () -> ()
    %iota3A = tpu.iota {dimensions = array<i32: 0>} : vector<16xi32>
    %rem3A = arith.constant 0 : i32
    %rem3A_5 = arith.constant 3 : i32
    %rem3A_6 = arith.remsi %rem3A, %rem3A_5 : i32
    %add3A_7 = arith.constant 0 : i32
    %add3A_8 = vector.broadcast %add3A_7 : i32 to vector<16xi32>
    %add3A_9 = arith.addi %iota3A, %add3A_8 : vector<16xi32>
    %add3A_10 = arith.constant 0 : i32
    %add3A_11 = vector.broadcast %add3A_10 : i32 to vector<16xi32>
    %add3A_12 = arith.addi %add3A_11, %add3A_9 : vector<16xi32>
    %min3A = arith.constant 13311 : i32
    %min3A_13 = vector.broadcast %min3A : i32 to vector<16xi32>
    %min3A_14 = arith.minsi %add3A_12, %min3A_13 : vector<16xi32>
    %shift_right_arithmetic3A = arith.constant 7 : i32
    %shift_right_arithmetic3A_15 = vector.broadcast %shift_right_arithmetic3A : i32 to vector<16xi32>
    %shift_right_arithmetic3A_16 = arith.shrsi %min3A_14, %shift_right_arithmetic3A_15 : vector<16xi32>
    %and3A = arith.constant 127 : i32
    %and3A_17 = vector.broadcast %and3A : i32 to vector<16xi32>
    %and3A_18 = arith.andi %min3A_14, %and3A_17 : vector<16xi32>
    %gather3A = tpu.vector_load_idx %arg9[%shift_right_arithmetic3A_16, %and3A_18] : memref<104x128xi32, #tpu.memory_space<vmem>>[vector<16xi32>, vector<16xi32>], vector<16xi32>,
    %shift_right_arithmetic3A_19 = arith.constant 3 : i32
    %shift_right_arithmetic3A_20 = vector.broadcast %shift_right_arithmetic3A_19 : i32 to vector<16xi32>
    %shift_right_arithmetic3A_21 = arith.shrsi %gather3A, %shift_right_arithmetic3A_20 : vector<16xi32>
    %mul3A_22 = arith.constant 16 : i32
    %mul3A_23 = vector.broadcast %mul3A_22 : i32 to vector<16xi32>
    %mul3A_24 = arith.muli %shift_right_arithmetic3A_21, %mul3A_23 : vector<16xi32>
    %and3A_25 = arith.constant 7 : i32
    %and3A_26 = vector.broadcast %and3A_25 : i32 to vector<16xi32>
    %and3A_27 = arith.andi %gather3A, %and3A_26 : vector<16xi32>
    %add3A_28 = arith.addi %mul3A_24, %and3A_27 : vector<16xi32>
    %swap3A = arith.constant 0 : i32
    %swap3A_29 = arith.index_cast %rem3A_6 : i32 to index
    %swap3A_30 = arith.index_cast %swap3A : i32 to index
    %swap3A_31 = arith.constant 0 : index
    %swap3A_32 = tpu.vector_load %arg10[%swap3A_29, %swap3A_30, %swap3A_31] {strides = array<i32>} : memref<3x2x112xi32, #tpu.memory_space<vmem>>, vector<16xi32>,
    tpu.vector_store %arg10[%swap3A_29, %swap3A_30, %swap3A_31], %add3A_28 {strides = array<i32>} : memref<3x2x112xi32, #tpu.memory_space<vmem>>, vector<16xi32>,
    %add3A_33 = arith.constant 8 : i32
    %add3A_34 = vector.broadcast %add3A_33 : i32 to vector<16xi32>
    %add3A_35 = arith.addi %add3A_28, %add3A_34 : vector<16xi32>
    %swap3A_36 = arith.constant 1 : i32
    %swap3A_37 = arith.index_cast %rem3A_6 : i32 to index
    %swap3A_38 = arith.index_cast %swap3A_36 : i32 to index
    %swap3A_39 = arith.constant 0 : index
    %swap3A_40 = tpu.vector_load %arg10[%swap3A_37, %swap3A_38, %swap3A_39] {strides = array<i32>} : memref<3x2x112xi32, #tpu.memory_space<vmem>>, vector<16xi32>,
    tpu.vector_store %arg10[%swap3A_37, %swap3A_38, %swap3A_39], %add3A_35 {strides = array<i32>} : memref<3x2x112xi32, #tpu.memory_space<vmem>>, vector<16xi32>,
    %add3A_41 = arith.constant 16 : i32
    %add3A_42 = vector.broadcast %add3A_41 : i32 to vector<16xi32>
    %add3A_43 = arith.addi %iota3A, %add3A_42 : vector<16xi32>
    %add3A_44 = arith.constant 0 : i32
    %add3A_45 = vector.broadcast %add3A_44 : i32 to vector<16xi32>
    %add3A_46 = arith.addi %add3A_45, %add3A_43 : vector<16xi32>
    %min3A_47 = arith.constant 13311 : i32
    %min3A_48 = vector.broadcast %min3A_47 : i32 to vector<16xi32>
    %min3A_49 = arith.minsi %add3A_46, %min3A_48 : vector<16xi32>
    %shift_right_arithmetic3A_50 = arith.constant 7 : i32
    %shift_right_arithmetic3A_51 = vector.broadcast %shift_right_arithmetic3A_50 : i32 to vector<16xi32>
    %shift_right_arithmetic3A_52 = arith.shrsi %min3A_49, %shift_right_arithmetic3A_51 : vector<16xi32>
    %and3A_53 = arith.constant 127 : i32
    %and3A_54 = vector.broadcast %and3A_53 : i32 to vector<16xi32>
    %and3A_55 = arith.andi %min3A_49, %and3A_54 : vector<16xi32>
    %gather3A_56 = tpu.vector_load_idx %arg9[%shift_right_arithmetic3A_52, %and3A_55] : memref<104x128xi32, #tpu.memory_space<vmem>>[vector<16xi32>, vector<16xi32>], vector<16xi32>,
    %shift_right_arithmetic3A_57 = arith.constant 3 : i32
    %shift_right_arithmetic3A_58 = vector.broadcast %shift_right_arithmetic3A_57 : i32 to vector<16xi32>
    %shift_right_arithmetic3A_59 = arith.shrsi %gather3A_56, %shift_right_arithmetic3A_58 : vector<16xi32>
    %mul3A_60 = arith.constant 16 : i32
    %mul3A_61 = vector.broadcast %mul3A_60 : i32 to vector<16xi32>
    %mul3A_62 = arith.muli %shift_right_arithmetic3A_59, %mul3A_61 : vector<16xi32>
    %and3A_63 = arith.constant 7 : i32
    %and3A_64 = vector.broadcast %and3A_63 : i32 to vector<16xi32>
    %and3A_65 = arith.andi %gather3A_56, %and3A_64 : vector<16xi32>
    %add3A_66 = arith.addi %mul3A_62, %and3A_65 : vector<16xi32>
    %swap3A_67 = arith.constant 0 : i32
    %swap3A_68 = arith.index_cast %rem3A_6 : i32 to index
    %swap3A_69 = arith.index_cast %swap3A_67 : i32 to index
    %swap3A_70 = arith.constant 16 : index
    %swap3A_71 = tpu.vector_load %arg10[%swap3A_68, %swap3A_69, %swap3A_70] {strides = array<i32>} : memref<3x2x112xi32, #tpu.memory_space<vmem>>, vector<16xi32>,
    tpu.vector_store %arg10[%swap3A_68, %swap3A_69, %swap3A_70], %add3A_66 {strides = array<i32>} : memref<3x2x112xi32, #tpu.memory_space<vmem>>, vector<16xi32>,
    %add3A_72 = arith.constant 8 : i32
    %add3A_73 = vector.broadcast %add3A_72 : i32 to vector<16xi32>
    %add3A_74 = arith.addi %add3A_66, %add3A_73 : vector<16xi32>
    %swap3A_75 = arith.constant 1 : i32
    %swap3A_76 = arith.index_cast %rem3A_6 : i32 to index
    %swap3A_77 = arith.index_cast %swap3A_75 : i32 to index
    %swap3A_78 = arith.constant 16 : index
    %swap3A_79 = tpu.vector_load %arg10[%swap3A_76, %swap3A_77, %swap3A_78] {strides = array<i32>} : memref<3x2x112xi32, #tpu.memory_space<vmem>>, vector<16xi32>,
    tpu.vector_store %arg10[%swap3A_76, %swap3A_77, %swap3A_78], %add3A_74 {strides = array<i32>} : memref<3x2x112xi32, #tpu.memory_space<vmem>>, vector<16xi32>,
    %add3A_80 = arith.constant 32 : i32
    %add3A_81 = vector.broadcast %add3A_80 : i32 to vector<16xi32>
    %add3A_82 = arith.addi %iota3A, %add3A_81 : vector<16xi32>
    %add3A_83 = arith.constant 0 : i32
    %add3A_84 = vector.broadcast %add3A_83 : i32 to vector<16xi32>
    %add3A_85 = arith.addi %add3A_84, %add3A_82 : vector<16xi32>
    %min3A_86 = arith.constant 13311 : i32
    %min3A_87 = vector.broadcast %min3A_86 : i32 to vector<16xi32>
    %min3A_88 = arith.minsi %add3A_85, %min3A_87 : vector<16xi32>
    %shift_right_arithmetic3A_89 = arith.constant 7 : i32
    %shift_right_arithmetic3A_90 = vector.broadcast %shift_right_arithmetic3A_89 : i32 to vector<16xi32>
    %shift_right_arithmetic3A_91 = arith.shrsi %min3A_88, %shift_right_arithmetic3A_90 : vector<16xi32>
    %and3A_92 = arith.constant 127 : i32
    %and3A_93 = vector.broadcast %and3A_92 : i32 to vector<16xi32>
    %and3A_94 = arith.andi %min3A_88, %and3A_93 : vector<16xi32>
    %gather3A_95 = tpu.vector_load_idx %arg9[%shift_right_arithmetic3A_91, %and3A_94] : memref<104x128xi32, #tpu.memory_space<vmem>>[vector<16xi32>, vector<16xi32>], vector<16xi32>,
    %shift_right_arithmetic3A_96 = arith.constant 3 : i32
    %shift_right_arithmetic3A_97 = vector.broadcast %shift_right_arithmetic3A_96 : i32 to vector<16xi32>
    %shift_right_arithmetic3A_98 = arith.shrsi %gather3A_95, %shift_right_arithmetic3A_97 : vector<16xi32>
    %mul3A_99 = arith.constant 16 : i32
    %mul3A_100 = vector.broadcast %mul3A_99 : i32 to vector<16xi32>
    %mul3A_101 = arith.muli %shift_right_arithmetic3A_98, %mul3A_100 : vector<16xi32>
    %and3A_102 = arith.constant 7 : i32
    %and3A_103 = vector.broadcast %and3A_102 : i32 to vector<16xi32>
    %and3A_104 = arith.andi %gather3A_95, %and3A_103 : vector<16xi32>
    %add3A_105 = arith.addi %mul3A_101, %and3A_104 : vector<16xi32>
    %swap3A_106 = arith.constant 0 : i32
    %swap3A_107 = arith.index_cast %rem3A_6 : i32 to index
    %swap3A_108 = arith.index_cast %swap3A_106 : i32 to index
    %swap3A_109 = arith.constant 32 : index
    %swap3A_110 = tpu.vector_load %arg10[%swap3A_107, %swap3A_108, %swap3A_109] {strides = array<i32>} : memref<3x2x112xi32, #tpu.memory_space<vmem>>, vector<16xi32>,
    tpu.vector_store %arg10[%swap3A_107, %swap3A_108, %swap3A_109], %add3A_105 {strides = array<i32>} : memref<3x2x112xi32, #tpu.memory_space<vmem>>, vector<16xi32>,
    %add3A_111 = arith.constant 8 : i32
    %add3A_112 = vector.broadcast %add3A_111 : i32 to vector<16xi32>
    %add3A_113 = arith.addi %add3A_105, %add3A_112 : vector<16xi32>
    %swap3A_114 = arith.constant 1 : i32
    %swap3A_115 = arith.index_cast %rem3A_6 : i32 to index
    %swap3A_116 = arith.index_cast %swap3A_114 : i32 to index
    %swap3A_117 = arith.constant 32 : index
    %swap3A_118 = tpu.vector_load %arg10[%swap3A_115, %swap3A_116, %swap3A_117] {strides = array<i32>} : memref<3x2x112xi32, #tpu.memory_space<vmem>>, vector<16xi32>,
    tpu.vector_store %arg10[%swap3A_115, %swap3A_116, %swap3A_117], %add3A_113 {strides = array<i32>} : memref<3x2x112xi32, #tpu.memory_space<vmem>>, vector<16xi32>,
    %add3A_119 = arith.constant 48 : i32
    %add3A_120 = vector.broadcast %add3A_119 : i32 to vector<16xi32>
    %add3A_121 = arith.addi %iota3A, %add3A_120 : vector<16xi32>
    %add3A_122 = arith.constant 0 : i32
    %add3A_123 = vector.broadcast %add3A_122 : i32 to vector<16xi32>
    %add3A_124 = arith.addi %add3A_123, %add3A_121 : vector<16xi32>
    %min3A_125 = arith.constant 13311 : i32
    %min3A_126 = vector.broadcast %min3A_125 : i32 to vector<16xi32>
    %min3A_127 = arith.minsi %add3A_124, %min3A_126 : vector<16xi32>
    %shift_right_arithmetic3A_128 = arith.constant 7 : i32
    %shift_right_arithmetic3A_129 = vector.broadcast %shift_right_arithmetic3A_128 : i32 to vector<16xi32>
    %shift_right_arithmetic3A_130 = arith.shrsi %min3A_127, %shift_right_arithmetic3A_129 : vector<16xi32>
    %and3A_131 = arith.constant 127 : i32
    %and3A_132 = vector.broadcast %and3A_131 : i32 to vector<16xi32>
    %and3A_133 = arith.andi %min3A_127, %and3A_132 : vector<16xi32>
    %gather3A_134 = tpu.vector_load_idx %arg9[%shift_right_arithmetic3A_130, %and3A_133] : memref<104x128xi32, #tpu.memory_space<vmem>>[vector<16xi32>, vector<16xi32>], vector<16xi32>,
    %shift_right_arithmetic3A_135 = arith.constant 3 : i32
    %shift_right_arithmetic3A_136 = vector.broadcast %shift_right_arithmetic3A_135 : i32 to vector<16xi32>
    %shift_right_arithmetic3A_137 = arith.shrsi %gather3A_134, %shift_right_arithmetic3A_136 : vector<16xi32>
    %mul3A_138 = arith.constant 16 : i32
    %mul3A_139 = vector.broadcast %mul3A_138 : i32 to vector<16xi32>
    %mul3A_140 = arith.muli %shift_right_arithmetic3A_137, %mul3A_139 : vector<16xi32>
    %and3A_141 = arith.constant 7 : i32
    %and3A_142 = vector.broadcast %and3A_141 : i32 to vector<16xi32>
    %and3A_143 = arith.andi %gather3A_134, %and3A_142 : vector<16xi32>
    %add3A_144 = arith.addi %mul3A_140, %and3A_143 : vector<16xi32>
    %swap3A_145 = arith.constant 0 : i32
    %swap3A_146 = arith.index_cast %rem3A_6 : i32 to index
    %swap3A_147 = arith.index_cast %swap3A_145 : i32 to index
    %swap3A_148 = arith.constant 48 : index
    %swap3A_149 = tpu.vector_load %arg10[%swap3A_146, %swap3A_147, %swap3A_148] {strides = array<i32>} : memref<3x2x112xi32, #tpu.memory_space<vmem>>, vector<16xi32>,
    tpu.vector_store %arg10[%swap3A_146, %swap3A_147, %swap3A_148], %add3A_144 {strides = array<i32>} : memref<3x2x112xi32, #tpu.memory_space<vmem>>, vector<16xi32>,
    %add3A_150 = arith.constant 8 : i32
    %add3A_151 = vector.broadcast %add3A_150 : i32 to vector<16xi32>
    %add3A_152 = arith.addi %add3A_144, %add3A_151 : vector<16xi32>
    %swap3A_153 = arith.constant 1 : i32
    %swap3A_154 = arith.index_cast %rem3A_6 : i32 to index
    %swap3A_155 = arith.index_cast %swap3A_153 : i32 to index
    %swap3A_156 = arith.constant 48 : index
    %swap3A_157 = tpu.vector_load %arg10[%swap3A_154, %swap3A_155, %swap3A_156] {strides = array<i32>} : memref<3x2x112xi32, #tpu.memory_space<vmem>>, vector<16xi32>,
    tpu.vector_store %arg10[%swap3A_154, %swap3A_155, %swap3A_156], %add3A_152 {strides = array<i32>} : memref<3x2x112xi32, #tpu.memory_space<vmem>>, vector<16xi32>,
    %add3A_158 = arith.constant 64 : i32
    %add3A_159 = vector.broadcast %add3A_158 : i32 to vector<16xi32>
    %add3A_160 = arith.addi %iota3A, %add3A_159 : vector<16xi32>
    %add3A_161 = arith.constant 0 : i32
    %add3A_162 = vector.broadcast %add3A_161 : i32 to vector<16xi32>
    %add3A_163 = arith.addi %add3A_162, %add3A_160 : vector<16xi32>
    %min3A_164 = arith.constant 13311 : i32
    %min3A_165 = vector.broadcast %min3A_164 : i32 to vector<16xi32>
    %min3A_166 = arith.minsi %add3A_163, %min3A_165 : vector<16xi32>
    %shift_right_arithmetic3A_167 = arith.constant 7 : i32
    %shift_right_arithmetic3A_168 = vector.broadcast %shift_right_arithmetic3A_167 : i32 to vector<16xi32>
    %shift_right_arithmetic3A_169 = arith.shrsi %min3A_166, %shift_right_arithmetic3A_168 : vector<16xi32>
    %and3A_170 = arith.constant 127 : i32
    %and3A_171 = vector.broadcast %and3A_170 : i32 to vector<16xi32>
    %and3A_172 = arith.andi %min3A_166, %and3A_171 : vector<16xi32>
    %gather3A_173 = tpu.vector_load_idx %arg9[%shift_right_arithmetic3A_169, %and3A_172] : memref<104x128xi32, #tpu.memory_space<vmem>>[vector<16xi32>, vector<16xi32>], vector<16xi32>,
    %shift_right_arithmetic3A_174 = arith.constant 3 : i32
    %shift_right_arithmetic3A_175 = vector.broadcast %shift_right_arithmetic3A_174 : i32 to vector<16xi32>
    %shift_right_arithmetic3A_176 = arith.shrsi %gather3A_173, %shift_right_arithmetic3A_175 : vector<16xi32>
    %mul3A_177 = arith.constant 16 : i32
    %mul3A_178 = vector.broadcast %mul3A_177 : i32 to vector<16xi32>
    %mul3A_179 = arith.muli %shift_right_arithmetic3A_176, %mul3A_178 : vector<16xi32>
    %and3A_180 = arith.constant 7 : i32
    %and3A_181 = vector.broadcast %and3A_180 : i32 to vector<16xi32>
    %and3A_182 = arith.andi %gather3A_173, %and3A_181 : vector<16xi32>
    %add3A_183 = arith.addi %mul3A_179, %and3A_182 : vector<16xi32>
    %swap3A_184 = arith.constant 0 : i32
    %swap3A_185 = arith.index_cast %rem3A_6 : i32 to index
    %swap3A_186 = arith.index_cast %swap3A_184 : i32 to index
    %swap3A_187 = arith.constant 64 : index
    %swap3A_188 = tpu.vector_load %arg10[%swap3A_185, %swap3A_186, %swap3A_187] {strides = array<i32>} : memref<3x2x112xi32, #tpu.memory_space<vmem>>, vector<16xi32>,
    tpu.vector_store %arg10[%swap3A_185, %swap3A_186, %swap3A_187], %add3A_183 {strides = array<i32>} : memref<3x2x112xi32, #tpu.memory_space<vmem>>, vector<16xi32>,
    %add3A_189 = arith.constant 8 : i32
    %add3A_190 = vector.broadcast %add3A_189 : i32 to vector<16xi32>
    %add3A_191 = arith.addi %add3A_183, %add3A_190 : vector<16xi32>
    %swap3A_192 = arith.constant 1 : i32
    %swap3A_193 = arith.index_cast %rem3A_6 : i32 to index
    %swap3A_194 = arith.index_cast %swap3A_192 : i32 to index
    %swap3A_195 = arith.constant 64 : index
    %swap3A_196 = tpu.vector_load %arg10[%swap3A_193, %swap3A_194, %swap3A_195] {strides = array<i32>} : memref<3x2x112xi32, #tpu.memory_space<vmem>>, vector<16xi32>,
    tpu.vector_store %arg10[%swap3A_193, %swap3A_194, %swap3A_195], %add3A_191 {strides = array<i32>} : memref<3x2x112xi32, #tpu.memory_space<vmem>>, vector<16xi32>,
    %add3A_197 = arith.constant 80 : i32
    %add3A_198 = vector.broadcast %add3A_197 : i32 to vector<16xi32>
    %add3A_199 = arith.addi %iota3A, %add3A_198 : vector<16xi32>
    %add3A_200 = arith.constant 0 : i32
    %add3A_201 = vector.broadcast %add3A_200 : i32 to vector<16xi32>
    %add3A_202 = arith.addi %add3A_201, %add3A_199 : vector<16xi32>
    %min3A_203 = arith.constant 13311 : i32
    %min3A_204 = vector.broadcast %min3A_203 : i32 to vector<16xi32>
    %min3A_205 = arith.minsi %add3A_202, %min3A_204 : vector<16xi32>
    %shift_right_arithmetic3A_206 = arith.constant 7 : i32
    %shift_right_arithmetic3A_207 = vector.broadcast %shift_right_arithmetic3A_206 : i32 to vector<16xi32>
    %shift_right_arithmetic3A_208 = arith.shrsi %min3A_205, %shift_right_arithmetic3A_207 : vector<16xi32>
    %and3A_209 = arith.constant 127 : i32
    %and3A_210 = vector.broadcast %and3A_209 : i32 to vector<16xi32>
    %and3A_211 = arith.andi %min3A_205, %and3A_210 : vector<16xi32>
    %gather3A_212 = tpu.vector_load_idx %arg9[%shift_right_arithmetic3A_208, %and3A_211] : memref<104x128xi32, #tpu.memory_space<vmem>>[vector<16xi32>, vector<16xi32>], vector<16xi32>,
    %shift_right_arithmetic3A_213 = arith.constant 3 : i32
    %shift_right_arithmetic3A_214 = vector.broadcast %shift_right_arithmetic3A_213 : i32 to vector<16xi32>
    %shift_right_arithmetic3A_215 = arith.shrsi %gather3A_212, %shift_right_arithmetic3A_214 : vector<16xi32>
    %mul3A_216 = arith.constant 16 : i32
    %mul3A_217 = vector.broadcast %mul3A_216 : i32 to vector<16xi32>
    %mul3A_218 = arith.muli %shift_right_arithmetic3A_215, %mul3A_217 : vector<16xi32>
    %and3A_219 = arith.constant 7 : i32
    %and3A_220 = vector.broadcast %and3A_219 : i32 to vector<16xi32>
    %and3A_221 = arith.andi %gather3A_212, %and3A_220 : vector<16xi32>
    %add3A_222 = arith.addi %mul3A_218, %and3A_221 : vector<16xi32>
    %swap3A_223 = arith.constant 0 : i32
    %swap3A_224 = arith.index_cast %rem3A_6 : i32 to index
    %swap3A_225 = arith.index_cast %swap3A_223 : i32 to index
    %swap3A_226 = arith.constant 80 : index
    %swap3A_227 = tpu.vector_load %arg10[%swap3A_224, %swap3A_225, %swap3A_226] {strides = array<i32>} : memref<3x2x112xi32, #tpu.memory_space<vmem>>, vector<16xi32>,
    tpu.vector_store %arg10[%swap3A_224, %swap3A_225, %swap3A_226], %add3A_222 {strides = array<i32>} : memref<3x2x112xi32, #tpu.memory_space<vmem>>, vector<16xi32>,
    %add3A_228 = arith.constant 8 : i32
    %add3A_229 = vector.broadcast %add3A_228 : i32 to vector<16xi32>
    %add3A_230 = arith.addi %add3A_222, %add3A_229 : vector<16xi32>
    %swap3A_231 = arith.constant 1 : i32
    %swap3A_232 = arith.index_cast %rem3A_6 : i32 to index
    %swap3A_233 = arith.index_cast %swap3A_231 : i32 to index
    %swap3A_234 = arith.constant 80 : index
    %swap3A_235 = tpu.vector_load %arg10[%swap3A_232, %swap3A_233, %swap3A_234] {strides = array<i32>} : memref<3x2x112xi32, #tpu.memory_space<vmem>>, vector<16xi32>,
    tpu.vector_store %arg10[%swap3A_232, %swap3A_233, %swap3A_234], %add3A_230 {strides = array<i32>} : memref<3x2x112xi32, #tpu.memory_space<vmem>>, vector<16xi32>,
    %add3A_236 = arith.constant 96 : i32
    %add3A_237 = vector.broadcast %add3A_236 : i32 to vector<16xi32>
    %add3A_238 = arith.addi %iota3A, %add3A_237 : vector<16xi32>
    %add3A_239 = arith.constant 0 : i32
    %add3A_240 = vector.broadcast %add3A_239 : i32 to vector<16xi32>
    %add3A_241 = arith.addi %add3A_240, %add3A_238 : vector<16xi32>
    %min3A_242 = arith.constant 13311 : i32
    %min3A_243 = vector.broadcast %min3A_242 : i32 to vector<16xi32>
    %min3A_244 = arith.minsi %add3A_241, %min3A_243 : vector<16xi32>
    %shift_right_arithmetic3A_245 = arith.constant 7 : i32
    %shift_right_arithmetic3A_246 = vector.broadcast %shift_right_arithmetic3A_245 : i32 to vector<16xi32>
    %shift_right_arithmetic3A_247 = arith.shrsi %min3A_244, %shift_right_arithmetic3A_246 : vector<16xi32>
    %and3A_248 = arith.constant 127 : i32
    %and3A_249 = vector.broadcast %and3A_248 : i32 to vector<16xi32>
    %and3A_250 = arith.andi %min3A_244, %and3A_249 : vector<16xi32>
    %gather3A_251 = tpu.vector_load_idx %arg9[%shift_right_arithmetic3A_247, %and3A_250] : memref<104x128xi32, #tpu.memory_space<vmem>>[vector<16xi32>, vector<16xi32>], vector<16xi32>,
    %shift_right_arithmetic3A_252 = arith.constant 3 : i32
    %shift_right_arithmetic3A_253 = vector.broadcast %shift_right_arithmetic3A_252 : i32 to vector<16xi32>
    %shift_right_arithmetic3A_254 = arith.shrsi %gather3A_251, %shift_right_arithmetic3A_253 : vector<16xi32>
    %mul3A_255 = arith.constant 16 : i32
    %mul3A_256 = vector.broadcast %mul3A_255 : i32 to vector<16xi32>
    %mul3A_257 = arith.muli %shift_right_arithmetic3A_254, %mul3A_256 : vector<16xi32>
    %and3A_258 = arith.constant 7 : i32
    %and3A_259 = vector.broadcast %and3A_258 : i32 to vector<16xi32>
    %and3A_260 = arith.andi %gather3A_251, %and3A_259 : vector<16xi32>
    %add3A_261 = arith.addi %mul3A_257, %and3A_260 : vector<16xi32>
    %swap3A_262 = arith.constant 0 : i32
    %swap3A_263 = arith.index_cast %rem3A_6 : i32 to index
    %swap3A_264 = arith.index_cast %swap3A_262 : i32 to index
    %swap3A_265 = arith.constant 96 : index
    %swap3A_266 = tpu.vector_load %arg10[%swap3A_263, %swap3A_264, %swap3A_265] {strides = array<i32>} : memref<3x2x112xi32, #tpu.memory_space<vmem>>, vector<16xi32>,
    tpu.vector_store %arg10[%swap3A_263, %swap3A_264, %swap3A_265], %add3A_261 {strides = array<i32>} : memref<3x2x112xi32, #tpu.memory_space<vmem>>, vector<16xi32>,
    %add3A_267 = arith.constant 8 : i32
    %add3A_268 = vector.broadcast %add3A_267 : i32 to vector<16xi32>
    %add3A_269 = arith.addi %add3A_261, %add3A_268 : vector<16xi32>
    %swap3A_270 = arith.constant 1 : i32
    %swap3A_271 = arith.index_cast %rem3A_6 : i32 to index
    %swap3A_272 = arith.index_cast %swap3A_270 : i32 to index
    %swap3A_273 = arith.constant 96 : index
    %swap3A_274 = tpu.vector_load %arg10[%swap3A_271, %swap3A_272, %swap3A_273] {strides = array<i32>} : memref<3x2x112xi32, #tpu.memory_space<vmem>>, vector<16xi32>,
    tpu.vector_store %arg10[%swap3A_271, %swap3A_272, %swap3A_273], %add3A_269 {strides = array<i32>} : memref<3x2x112xi32, #tpu.memory_space<vmem>>, vector<16xi32>,
    %rem3A_275 = arith.constant 0 : i32
    %rem3A_276 = arith.constant 3 : i32
    %rem3A_277 = arith.remsi %rem3A_275, %rem3A_276 : i32
    %dma_start3A = arith.constant 0 : i32
    %dma_start3A_278 = arith.constant 0 : i32
    %dma_start3A_279 = arith.constant 0 : i32
    %dma_start3A_280 = arith.constant 0 : i32
    %dma_start3A_281 = tpu.memref_slice %arg15[%dma_start3A_278, %dma_start3A_279, %dma_start3A_280] : memref<3x208x128xf32, #tpu.memory_space<vmem>> -> memref<1x104x128xf32, #tpu.memory_space<vmem>>
    %dma_start3A_282 = tpu.memref_squeeze %dma_start3A_281 : memref<1x104x128xf32, #tpu.memory_space<vmem>> -> memref<104x128xf32, #tpu.memory_space<vmem>>
    %dma_start3A_283 = arith.constant 0 : i32
    %dma_start3A_284 = tpu.memref_slice %arg10[%rem3A_277, %dma_start3A, %dma_start3A_283] : memref<3x2x112xi32, #tpu.memory_space<vmem>> -> memref<1x1x104xi32, #tpu.memory_space<vmem>>
    %dma_start3A_285 = tpu.memref_squeeze %dma_start3A_284 : memref<1x1x104xi32, #tpu.memory_space<vmem>> -> memref<104xi32, #tpu.memory_space<vmem>>
    %dma_start3A_286 = arith.constant 0 : i32
    %dma_start3A_287 = arith.constant 0 : i32
    %dma_start3A_288 = tpu.memref_slice %arg4[%dma_start3A_286, %dma_start3A_287] : memref<200000x128xf32, #tpu.memory_space<hbm>> -> memref<200000x128xf32, #tpu.memory_space<hbm>>
    tpu.enqueue_indirect_dma source(%dma_start3A_288 : memref<200000x128xf32, #tpu.memory_space<hbm>>) target(%dma_start3A_282 : memref<104x128xf32, #tpu.memory_space<vmem>>) offsets(%dma_start3A_285 : memref<104xi32, #tpu.memory_space<vmem>>) semaphore(%arg17 : memref<!tpu.dma_semaphore, #tpu.memory_space<semaphore_mem>>)
    %dma_start3A_289 = arith.constant 1 : i32
    %dma_start3A_290 = arith.constant 0 : i32
    %dma_start3A_291 = arith.constant 104 : i32
    %dma_start3A_292 = arith.constant 0 : i32
    %dma_start3A_293 = tpu.memref_slice %arg15[%dma_start3A_290, %dma_start3A_291, %dma_start3A_292] : memref<3x208x128xf32, #tpu.memory_space<vmem>> -> memref<1x104x128xf32, #tpu.memory_space<vmem>>
    %dma_start3A_294 = tpu.memref_squeeze %dma_start3A_293 : memref<1x104x128xf32, #tpu.memory_space<vmem>> -> memref<104x128xf32, #tpu.memory_space<vmem>>
    %dma_start3A_295 = arith.constant 0 : i32
    %dma_start3A_296 = tpu.memref_slice %arg10[%rem3A_277, %dma_start3A_289, %dma_start3A_295] : memref<3x2x112xi32, #tpu.memory_space<vmem>> -> memref<1x1x104xi32, #tpu.memory_space<vmem>>
    %dma_start3A_297 = tpu.memref_squeeze %dma_start3A_296 : memref<1x1x104xi32, #tpu.memory_space<vmem>> -> memref<104xi32, #tpu.memory_space<vmem>>
    %dma_start3A_298 = arith.constant 0 : i32
    %dma_start3A_299 = arith.constant 0 : i32
    %dma_start3A_300 = tpu.memref_slice %arg4[%dma_start3A_298, %dma_start3A_299] : memref<200000x128xf32, #tpu.memory_space<hbm>> -> memref<200000x128xf32, #tpu.memory_space<hbm>>
    tpu.enqueue_indirect_dma source(%dma_start3A_300 : memref<200000x128xf32, #tpu.memory_space<hbm>>) target(%dma_start3A_294 : memref<104x128xf32, #tpu.memory_space<vmem>>) offsets(%dma_start3A_297 : memref<104xi32, #tpu.memory_space<vmem>>) semaphore(%arg17 : memref<!tpu.dma_semaphore, #tpu.memory_space<semaphore_mem>>)
    %rem3A_301 = arith.constant 1 : i32
    %rem3A_302 = arith.constant 3 : i32
    %rem3A_303 = arith.remsi %rem3A_301, %rem3A_302 : i32
    %add3A_304 = arith.constant 0 : i32
    %add3A_305 = vector.broadcast %add3A_304 : i32 to vector<16xi32>
    %add3A_306 = arith.addi %iota3A, %add3A_305 : vector<16xi32>
    %add3A_307 = arith.constant 104 : i32
    %add3A_308 = vector.broadcast %add3A_307 : i32 to vector<16xi32>
    %add3A_309 = arith.addi %add3A_308, %add3A_306 : vector<16xi32>
    %min3A_310 = arith.constant 13311 : i32
    %min3A_311 = vector.broadcast %min3A_310 : i32 to vector<16xi32>
    %min3A_312 = arith.minsi %add3A_309, %min3A_311 : vector<16xi32>
    %shift_right_arithmetic3A_313 = arith.constant 7 : i32
    %shift_right_arithmetic3A_314 = vector.broadcast %shift_right_arithmetic3A_313 : i32 to vector<16xi32>
    %shift_right_arithmetic3A_315 = arith.shrsi %min3A_312, %shift_right_arithmetic3A_314 : vector<16xi32>
    %and3A_316 = arith.constant 127 : i32
    %and3A_317 = vector.broadcast %and3A_316 : i32 to vector<16xi32>
    %and3A_318 = arith.andi %min3A_312, %and3A_317 : vector<16xi32>
    %gather3A_319 = tpu.vector_load_idx %arg9[%shift_right_arithmetic3A_315, %and3A_318] : memref<104x128xi32, #tpu.memory_space<vmem>>[vector<16xi32>, vector<16xi32>], vector<16xi32>,
    %shift_right_arithmetic3A_320 = arith.constant 3 : i32
    %shift_right_arithmetic3A_321 = vector.broadcast %shift_right_arithmetic3A_320 : i32 to vector<16xi32>
    %shift_right_arithmetic3A_322 = arith.shrsi %gather3A_319, %shift_right_arithmetic3A_321 : vector<16xi32>
    %mul3A_323 = arith.constant 16 : i32
    %mul3A_324 = vector.broadcast %mul3A_323 : i32 to vector<16xi32>
    %mul3A_325 = arith.muli %shift_right_arithmetic3A_322, %mul3A_324 : vector<16xi32>
    %and3A_326 = arith.constant 7 : i32
    %and3A_327 = vector.broadcast %and3A_326 : i32 to vector<16xi32>
    %and3A_328 = arith.andi %gather3A_319, %and3A_327 : vector<16xi32>
    %add3A_329 = arith.addi %mul3A_325, %and3A_328 : vector<16xi32>
    %swap3A_330 = arith.constant 0 : i32
    %swap3A_331 = arith.index_cast %rem3A_303 : i32 to index
    %swap3A_332 = arith.index_cast %swap3A_330 : i32 to index
    %swap3A_333 = arith.constant 0 : index
    %swap3A_334 = tpu.vector_load %arg10[%swap3A_331, %swap3A_332, %swap3A_333] {strides = array<i32>} : memref<3x2x112xi32, #tpu.memory_space<vmem>>, vector<16xi32>,
    tpu.vector_store %arg10[%swap3A_331, %swap3A_332, %swap3A_333], %add3A_329 {strides = array<i32>} : memref<3x2x112xi32, #tpu.memory_space<vmem>>, vector<16xi32>,
    %add3A_335 = arith.constant 8 : i32
    %add3A_336 = vector.broadcast %add3A_335 : i32 to vector<16xi32>
    %add3A_337 = arith.addi %add3A_329, %add3A_336 : vector<16xi32>
    %swap3A_338 = arith.constant 1 : i32
    %swap3A_339 = arith.index_cast %rem3A_303 : i32 to index
    %swap3A_340 = arith.index_cast %swap3A_338 : i32 to index
    %swap3A_341 = arith.constant 0 : index
    %swap3A_342 = tpu.vector_load %arg10[%swap3A_339, %swap3A_340, %swap3A_341] {strides = array<i32>} : memref<3x2x112xi32, #tpu.memory_space<vmem>>, vector<16xi32>,
    tpu.vector_store %arg10[%swap3A_339, %swap3A_340, %swap3A_341], %add3A_337 {strides = array<i32>} : memref<3x2x112xi32, #tpu.memory_space<vmem>>, vector<16xi32>,
    %add3A_343 = arith.constant 16 : i32
    %add3A_344 = vector.broadcast %add3A_343 : i32 to vector<16xi32>
    %add3A_345 = arith.addi %iota3A, %add3A_344 : vector<16xi32>
    %add3A_346 = arith.constant 104 : i32
    %add3A_347 = vector.broadcast %add3A_346 : i32 to vector<16xi32>
    %add3A_348 = arith.addi %add3A_347, %add3A_345 : vector<16xi32>
    %min3A_349 = arith.constant 13311 : i32
    %min3A_350 = vector.broadcast %min3A_349 : i32 to vector<16xi32>
    %min3A_351 = arith.minsi %add3A_348, %min3A_350 : vector<16xi32>
    %shift_right_arithmetic3A_352 = arith.constant 7 : i32
    %shift_right_arithmetic3A_353 = vector.broadcast %shift_right_arithmetic3A_352 : i32 to vector<16xi32>
    %shift_right_arithmetic3A_354 = arith.shrsi %min3A_351, %shift_right_arithmetic3A_353 : vector<16xi32>
    %and3A_355 = arith.constant 127 : i32
    %and3A_356 = vector.broadcast %and3A_355 : i32 to vector<16xi32>
    %and3A_357 = arith.andi %min3A_351, %and3A_356 : vector<16xi32>
    %gather3A_358 = tpu.vector_load_idx %arg9[%shift_right_arithmetic3A_354, %and3A_357] : memref<104x128xi32, #tpu.memory_space<vmem>>[vector<16xi32>, vector<16xi32>], vector<16xi32>,
    %shift_right_arithmetic3A_359 = arith.constant 3 : i32
    %shift_right_arithmetic3A_360 = vector.broadcast %shift_right_arithmetic3A_359 : i32 to vector<16xi32>
    %shift_right_arithmetic3A_361 = arith.shrsi %gather3A_358, %shift_right_arithmetic3A_360 : vector<16xi32>
    %mul3A_362 = arith.constant 16 : i32
    %mul3A_363 = vector.broadcast %mul3A_362 : i32 to vector<16xi32>
    %mul3A_364 = arith.muli %shift_right_arithmetic3A_361, %mul3A_363 : vector<16xi32>
    %and3A_365 = arith.constant 7 : i32
    %and3A_366 = vector.broadcast %and3A_365 : i32 to vector<16xi32>
    %and3A_367 = arith.andi %gather3A_358, %and3A_366 : vector<16xi32>
    %add3A_368 = arith.addi %mul3A_364, %and3A_367 : vector<16xi32>
    %swap3A_369 = arith.constant 0 : i32
    %swap3A_370 = arith.index_cast %rem3A_303 : i32 to index
    %swap3A_371 = arith.index_cast %swap3A_369 : i32 to index
    %swap3A_372 = arith.constant 16 : index
    %swap3A_373 = tpu.vector_load %arg10[%swap3A_370, %swap3A_371, %swap3A_372] {strides = array<i32>} : memref<3x2x112xi32, #tpu.memory_space<vmem>>, vector<16xi32>,
    tpu.vector_store %arg10[%swap3A_370, %swap3A_371, %swap3A_372], %add3A_368 {strides = array<i32>} : memref<3x2x112xi32, #tpu.memory_space<vmem>>, vector<16xi32>,
    %add3A_374 = arith.constant 8 : i32
    %add3A_375 = vector.broadcast %add3A_374 : i32 to vector<16xi32>
    %add3A_376 = arith.addi %add3A_368, %add3A_375 : vector<16xi32>
    %swap3A_377 = arith.constant 1 : i32
    %swap3A_378 = arith.index_cast %rem3A_303 : i32 to index
    %swap3A_379 = arith.index_cast %swap3A_377 : i32 to index
    %swap3A_380 = arith.constant 16 : index
    %swap3A_381 = tpu.vector_load %arg10[%swap3A_378, %swap3A_379, %swap3A_380] {strides = array<i32>} : memref<3x2x112xi32, #tpu.memory_space<vmem>>, vector<16xi32>,
    tpu.vector_store %arg10[%swap3A_378, %swap3A_379, %swap3A_380], %add3A_376 {strides = array<i32>} : memref<3x2x112xi32, #tpu.memory_space<vmem>>, vector<16xi32>,
    %add3A_382 = arith.constant 32 : i32
    %add3A_383 = vector.broadcast %add3A_382 : i32 to vector<16xi32>
    %add3A_384 = arith.addi %iota3A, %add3A_383 : vector<16xi32>
    %add3A_385 = arith.constant 104 : i32
    %add3A_386 = vector.broadcast %add3A_385 : i32 to vector<16xi32>
    %add3A_387 = arith.addi %add3A_386, %add3A_384 : vector<16xi32>
    %min3A_388 = arith.constant 13311 : i32
    %min3A_389 = vector.broadcast %min3A_388 : i32 to vector<16xi32>
    %min3A_390 = arith.minsi %add3A_387, %min3A_389 : vector<16xi32>
    %shift_right_arithmetic3A_391 = arith.constant 7 : i32
    %shift_right_arithmetic3A_392 = vector.broadcast %shift_right_arithmetic3A_391 : i32 to vector<16xi32>
    %shift_right_arithmetic3A_393 = arith.shrsi %min3A_390, %shift_right_arithmetic3A_392 : vector<16xi32>
    %and3A_394 = arith.constant 127 : i32
    %and3A_395 = vector.broadcast %and3A_394 : i32 to vector<16xi32>
    %and3A_396 = arith.andi %min3A_390, %and3A_395 : vector<16xi32>
    %gather3A_397 = tpu.vector_load_idx %arg9[%shift_right_arithmetic3A_393, %and3A_396] : memref<104x128xi32, #tpu.memory_space<vmem>>[vector<16xi32>, vector<16xi32>], vector<16xi32>,
    %shift_right_arithmetic3A_398 = arith.constant 3 : i32
    %shift_right_arithmetic3A_399 = vector.broadcast %shift_right_arithmetic3A_398 : i32 to vector<16xi32>
    %shift_right_arithmetic3A_400 = arith.shrsi %gather3A_397, %shift_right_arithmetic3A_399 : vector<16xi32>
    %mul3A_401 = arith.constant 16 : i32
    %mul3A_402 = vector.broadcast %mul3A_401 : i32 to vector<16xi32>
    %mul3A_403 = arith.muli %shift_right_arithmetic3A_400, %mul3A_402 : vector<16xi32>
    %and3A_404 = arith.constant 7 : i32
    %and3A_405 = vector.broadcast %and3A_404 : i32 to vector<16xi32>
    %and3A_406 = arith.andi %gather3A_397, %and3A_405 : vector<16xi32>
    %add3A_407 = arith.addi %mul3A_403, %and3A_406 : vector<16xi32>
    %swap3A_408 = arith.constant 0 : i32
    %swap3A_409 = arith.index_cast %rem3A_303 : i32 to index
    %swap3A_410 = arith.index_cast %swap3A_408 : i32 to index
    %swap3A_411 = arith.constant 32 : index
    %swap3A_412 = tpu.vector_load %arg10[%swap3A_409, %swap3A_410, %swap3A_411] {strides = array<i32>} : memref<3x2x112xi32, #tpu.memory_space<vmem>>, vector<16xi32>,
    tpu.vector_store %arg10[%swap3A_409, %swap3A_410, %swap3A_411], %add3A_407 {strides = array<i32>} : memref<3x2x112xi32, #tpu.memory_space<vmem>>, vector<16xi32>,
    %add3A_413 = arith.constant 8 : i32
    %add3A_414 = vector.broadcast %add3A_413 : i32 to vector<16xi32>
    %add3A_415 = arith.addi %add3A_407, %add3A_414 : vector<16xi32>
    %swap3A_416 = arith.constant 1 : i32
    %swap3A_417 = arith.index_cast %rem3A_303 : i32 to index
    %swap3A_418 = arith.index_cast %swap3A_416 : i32 to index
    %swap3A_419 = arith.constant 32 : index
    %swap3A_420 = tpu.vector_load %arg10[%swap3A_417, %swap3A_418, %swap3A_419] {strides = array<i32>} : memref<3x2x112xi32, #tpu.memory_space<vmem>>, vector<16xi32>,
    tpu.vector_store %arg10[%swap3A_417, %swap3A_418, %swap3A_419], %add3A_415 {strides = array<i32>} : memref<3x2x112xi32, #tpu.memory_space<vmem>>, vector<16xi32>,
    %add3A_421 = arith.constant 48 : i32
    %add3A_422 = vector.broadcast %add3A_421 : i32 to vector<16xi32>
    %add3A_423 = arith.addi %iota3A, %add3A_422 : vector<16xi32>
    %add3A_424 = arith.constant 104 : i32
    %add3A_425 = vector.broadcast %add3A_424 : i32 to vector<16xi32>
    %add3A_426 = arith.addi %add3A_425, %add3A_423 : vector<16xi32>
    %min3A_427 = arith.constant 13311 : i32
    %min3A_428 = vector.broadcast %min3A_427 : i32 to vector<16xi32>
    %min3A_429 = arith.minsi %add3A_426, %min3A_428 : vector<16xi32>
    %shift_right_arithmetic3A_430 = arith.constant 7 : i32
    %shift_right_arithmetic3A_431 = vector.broadcast %shift_right_arithmetic3A_430 : i32 to vector<16xi32>
    %shift_right_arithmetic3A_432 = arith.shrsi %min3A_429, %shift_right_arithmetic3A_431 : vector<16xi32>
    %and3A_433 = arith.constant 127 : i32
    %and3A_434 = vector.broadcast %and3A_433 : i32 to vector<16xi32>
    %and3A_435 = arith.andi %min3A_429, %and3A_434 : vector<16xi32>
    %gather3A_436 = tpu.vector_load_idx %arg9[%shift_right_arithmetic3A_432, %and3A_435] : memref<104x128xi32, #tpu.memory_space<vmem>>[vector<16xi32>, vector<16xi32>], vector<16xi32>,
    %shift_right_arithmetic3A_437 = arith.constant 3 : i32
    %shift_right_arithmetic3A_438 = vector.broadcast %shift_right_arithmetic3A_437 : i32 to vector<16xi32>
    %shift_right_arithmetic3A_439 = arith.shrsi %gather3A_436, %shift_right_arithmetic3A_438 : vector<16xi32>
    %mul3A_440 = arith.constant 16 : i32
    %mul3A_441 = vector.broadcast %mul3A_440 : i32 to vector<16xi32>
    %mul3A_442 = arith.muli %shift_right_arithmetic3A_439, %mul3A_441 : vector<16xi32>
    %and3A_443 = arith.constant 7 : i32
    %and3A_444 = vector.broadcast %and3A_443 : i32 to vector<16xi32>
    %and3A_445 = arith.andi %gather3A_436, %and3A_444 : vector<16xi32>
    %add3A_446 = arith.addi %mul3A_442, %and3A_445 : vector<16xi32>
    %swap3A_447 = arith.constant 0 : i32
    %swap3A_448 = arith.index_cast %rem3A_303 : i32 to index
    %swap3A_449 = arith.index_cast %swap3A_447 : i32 to index
    %swap3A_450 = arith.constant 48 : index
    %swap3A_451 = tpu.vector_load %arg10[%swap3A_448, %swap3A_449, %swap3A_450] {strides = array<i32>} : memref<3x2x112xi32, #tpu.memory_space<vmem>>, vector<16xi32>,
    tpu.vector_store %arg10[%swap3A_448, %swap3A_449, %swap3A_450], %add3A_446 {strides = array<i32>} : memref<3x2x112xi32, #tpu.memory_space<vmem>>, vector<16xi32>,
    %add3A_452 = arith.constant 8 : i32
    %add3A_453 = vector.broadcast %add3A_452 : i32 to vector<16xi32>
    %add3A_454 = arith.addi %add3A_446, %add3A_453 : vector<16xi32>
    %swap3A_455 = arith.constant 1 : i32
    %swap3A_456 = arith.index_cast %rem3A_303 : i32 to index
    %swap3A_457 = arith.index_cast %swap3A_455 : i32 to index
    %swap3A_458 = arith.constant 48 : index
    %swap3A_459 = tpu.vector_load %arg10[%swap3A_456, %swap3A_457, %swap3A_458] {strides = array<i32>} : memref<3x2x112xi32, #tpu.memory_space<vmem>>, vector<16xi32>,
    tpu.vector_store %arg10[%swap3A_456, %swap3A_457, %swap3A_458], %add3A_454 {strides = array<i32>} : memref<3x2x112xi32, #tpu.memory_space<vmem>>, vector<16xi32>,
    %add3A_460 = arith.constant 64 : i32
    %add3A_461 = vector.broadcast %add3A_460 : i32 to vector<16xi32>
    %add3A_462 = arith.addi %iota3A, %add3A_461 : vector<16xi32>
    %add3A_463 = arith.constant 104 : i32
    %add3A_464 = vector.broadcast %add3A_463 : i32 to vector<16xi32>
    %add3A_465 = arith.addi %add3A_464, %add3A_462 : vector<16xi32>
    %min3A_466 = arith.constant 13311 : i32
    %min3A_467 = vector.broadcast %min3A_466 : i32 to vector<16xi32>
    %min3A_468 = arith.minsi %add3A_465, %min3A_467 : vector<16xi32>
    %shift_right_arithmetic3A_469 = arith.constant 7 : i32
    %shift_right_arithmetic3A_470 = vector.broadcast %shift_right_arithmetic3A_469 : i32 to vector<16xi32>
    %shift_right_arithmetic3A_471 = arith.shrsi %min3A_468, %shift_right_arithmetic3A_470 : vector<16xi32>
    %and3A_472 = arith.constant 127 : i32
    %and3A_473 = vector.broadcast %and3A_472 : i32 to vector<16xi32>
    %and3A_474 = arith.andi %min3A_468, %and3A_473 : vector<16xi32>
    %gather3A_475 = tpu.vector_load_idx %arg9[%shift_right_arithmetic3A_471, %and3A_474] : memref<104x128xi32, #tpu.memory_space<vmem>>[vector<16xi32>, vector<16xi32>], vector<16xi32>,
    %shift_right_arithmetic3A_476 = arith.constant 3 : i32
    %shift_right_arithmetic3A_477 = vector.broadcast %shift_right_arithmetic3A_476 : i32 to vector<16xi32>
    %shift_right_arithmetic3A_478 = arith.shrsi %gather3A_475, %shift_right_arithmetic3A_477 : vector<16xi32>
    %mul3A_479 = arith.constant 16 : i32
    %mul3A_480 = vector.broadcast %mul3A_479 : i32 to vector<16xi32>
    %mul3A_481 = arith.muli %shift_right_arithmetic3A_478, %mul3A_480 : vector<16xi32>
    %and3A_482 = arith.constant 7 : i32
    %and3A_483 = vector.broadcast %and3A_482 : i32 to vector<16xi32>
    %and3A_484 = arith.andi %gather3A_475, %and3A_483 : vector<16xi32>
    %add3A_485 = arith.addi %mul3A_481, %and3A_484 : vector<16xi32>
    %swap3A_486 = arith.constant 0 : i32
    %swap3A_487 = arith.index_cast %rem3A_303 : i32 to index
    %swap3A_488 = arith.index_cast %swap3A_486 : i32 to index
    %swap3A_489 = arith.constant 64 : index
    %swap3A_490 = tpu.vector_load %arg10[%swap3A_487, %swap3A_488, %swap3A_489] {strides = array<i32>} : memref<3x2x112xi32, #tpu.memory_space<vmem>>, vector<16xi32>,
    tpu.vector_store %arg10[%swap3A_487, %swap3A_488, %swap3A_489], %add3A_485 {strides = array<i32>} : memref<3x2x112xi32, #tpu.memory_space<vmem>>, vector<16xi32>,
    %add3A_491 = arith.constant 8 : i32
    %add3A_492 = vector.broadcast %add3A_491 : i32 to vector<16xi32>
    %add3A_493 = arith.addi %add3A_485, %add3A_492 : vector<16xi32>
    %swap3A_494 = arith.constant 1 : i32
    %swap3A_495 = arith.index_cast %rem3A_303 : i32 to index
    %swap3A_496 = arith.index_cast %swap3A_494 : i32 to index
    %swap3A_497 = arith.constant 64 : index
    %swap3A_498 = tpu.vector_load %arg10[%swap3A_495, %swap3A_496, %swap3A_497] {strides = array<i32>} : memref<3x2x112xi32, #tpu.memory_space<vmem>>, vector<16xi32>,
    tpu.vector_store %arg10[%swap3A_495, %swap3A_496, %swap3A_497], %add3A_493 {strides = array<i32>} : memref<3x2x112xi32, #tpu.memory_space<vmem>>, vector<16xi32>,
    %add3A_499 = arith.constant 80 : i32
    %add3A_500 = vector.broadcast %add3A_499 : i32 to vector<16xi32>
    %add3A_501 = arith.addi %iota3A, %add3A_500 : vector<16xi32>
    %add3A_502 = arith.constant 104 : i32
    %add3A_503 = vector.broadcast %add3A_502 : i32 to vector<16xi32>
    %add3A_504 = arith.addi %add3A_503, %add3A_501 : vector<16xi32>
    %min3A_505 = arith.constant 13311 : i32
    %min3A_506 = vector.broadcast %min3A_505 : i32 to vector<16xi32>
    %min3A_507 = arith.minsi %add3A_504, %min3A_506 : vector<16xi32>
    %shift_right_arithmetic3A_508 = arith.constant 7 : i32
    %shift_right_arithmetic3A_509 = vector.broadcast %shift_right_arithmetic3A_508 : i32 to vector<16xi32>
    %shift_right_arithmetic3A_510 = arith.shrsi %min3A_507, %shift_right_arithmetic3A_509 : vector<16xi32>
    %and3A_511 = arith.constant 127 : i32
    %and3A_512 = vector.broadcast %and3A_511 : i32 to vector<16xi32>
    %and3A_513 = arith.andi %min3A_507, %and3A_512 : vector<16xi32>
    %gather3A_514 = tpu.vector_load_idx %arg9[%shift_right_arithmetic3A_510, %and3A_513] : memref<104x128xi32, #tpu.memory_space<vmem>>[vector<16xi32>, vector<16xi32>], vector<16xi32>,
    %shift_right_arithmetic3A_515 = arith.constant 3 : i32
    %shift_right_arithmetic3A_516 = vector.broadcast %shift_right_arithmetic3A_515 : i32 to vector<16xi32>
    %shift_right_arithmetic3A_517 = arith.shrsi %gather3A_514, %shift_right_arithmetic3A_516 : vector<16xi32>
    %mul3A_518 = arith.constant 16 : i32
    %mul3A_519 = vector.broadcast %mul3A_518 : i32 to vector<16xi32>
    %mul3A_520 = arith.muli %shift_right_arithmetic3A_517, %mul3A_519 : vector<16xi32>
    %and3A_521 = arith.constant 7 : i32
    %and3A_522 = vector.broadcast %and3A_521 : i32 to vector<16xi32>
    %and3A_523 = arith.andi %gather3A_514, %and3A_522 : vector<16xi32>
    %add3A_524 = arith.addi %mul3A_520, %and3A_523 : vector<16xi32>
    %swap3A_525 = arith.constant 0 : i32
    %swap3A_526 = arith.index_cast %rem3A_303 : i32 to index
    %swap3A_527 = arith.index_cast %swap3A_525 : i32 to index
    %swap3A_528 = arith.constant 80 : index
    %swap3A_529 = tpu.vector_load %arg10[%swap3A_526, %swap3A_527, %swap3A_528] {strides = array<i32>} : memref<3x2x112xi32, #tpu.memory_space<vmem>>, vector<16xi32>,
    tpu.vector_store %arg10[%swap3A_526, %swap3A_527, %swap3A_528], %add3A_524 {strides = array<i32>} : memref<3x2x112xi32, #tpu.memory_space<vmem>>, vector<16xi32>,
    %add3A_530 = arith.constant 8 : i32
    %add3A_531 = vector.broadcast %add3A_530 : i32 to vector<16xi32>
    %add3A_532 = arith.addi %add3A_524, %add3A_531 : vector<16xi32>
    %swap3A_533 = arith.constant 1 : i32
    %swap3A_534 = arith.index_cast %rem3A_303 : i32 to index
    %swap3A_535 = arith.index_cast %swap3A_533 : i32 to index
    %swap3A_536 = arith.constant 80 : index
    %swap3A_537 = tpu.vector_load %arg10[%swap3A_534, %swap3A_535, %swap3A_536] {strides = array<i32>} : memref<3x2x112xi32, #tpu.memory_space<vmem>>, vector<16xi32>,
    tpu.vector_store %arg10[%swap3A_534, %swap3A_535, %swap3A_536], %add3A_532 {strides = array<i32>} : memref<3x2x112xi32, #tpu.memory_space<vmem>>, vector<16xi32>,
    %add3A_538 = arith.constant 96 : i32
    %add3A_539 = vector.broadcast %add3A_538 : i32 to vector<16xi32>
    %add3A_540 = arith.addi %iota3A, %add3A_539 : vector<16xi32>
    %add3A_541 = arith.constant 104 : i32
    %add3A_542 = vector.broadcast %add3A_541 : i32 to vector<16xi32>
    %add3A_543 = arith.addi %add3A_542, %add3A_540 : vector<16xi32>
    %min3A_544 = arith.constant 13311 : i32
    %min3A_545 = vector.broadcast %min3A_544 : i32 to vector<16xi32>
    %min3A_546 = arith.minsi %add3A_543, %min3A_545 : vector<16xi32>
    %shift_right_arithmetic3A_547 = arith.constant 7 : i32
    %shift_right_arithmetic3A_548 = vector.broadcast %shift_right_arithmetic3A_547 : i32 to vector<16xi32>
    %shift_right_arithmetic3A_549 = arith.shrsi %min3A_546, %shift_right_arithmetic3A_548 : vector<16xi32>
    %and3A_550 = arith.constant 127 : i32
    %and3A_551 = vector.broadcast %and3A_550 : i32 to vector<16xi32>
    %and3A_552 = arith.andi %min3A_546, %and3A_551 : vector<16xi32>
    %gather3A_553 = tpu.vector_load_idx %arg9[%shift_right_arithmetic3A_549, %and3A_552] : memref<104x128xi32, #tpu.memory_space<vmem>>[vector<16xi32>, vector<16xi32>], vector<16xi32>,
    %shift_right_arithmetic3A_554 = arith.constant 3 : i32
    %shift_right_arithmetic3A_555 = vector.broadcast %shift_right_arithmetic3A_554 : i32 to vector<16xi32>
    %shift_right_arithmetic3A_556 = arith.shrsi %gather3A_553, %shift_right_arithmetic3A_555 : vector<16xi32>
    %mul3A_557 = arith.constant 16 : i32
    %mul3A_558 = vector.broadcast %mul3A_557 : i32 to vector<16xi32>
    %mul3A_559 = arith.muli %shift_right_arithmetic3A_556, %mul3A_558 : vector<16xi32>
    %and3A_560 = arith.constant 7 : i32
    %and3A_561 = vector.broadcast %and3A_560 : i32 to vector<16xi32>
    %and3A_562 = arith.andi %gather3A_553, %and3A_561 : vector<16xi32>
    %add3A_563 = arith.addi %mul3A_559, %and3A_562 : vector<16xi32>
    %swap3A_564 = arith.constant 0 : i32
    %swap3A_565 = arith.index_cast %rem3A_303 : i32 to index
    %swap3A_566 = arith.index_cast %swap3A_564 : i32 to index
    %swap3A_567 = arith.constant 96 : index
    %swap3A_568 = tpu.vector_load %arg10[%swap3A_565, %swap3A_566, %swap3A_567] {strides = array<i32>} : memref<3x2x112xi32, #tpu.memory_space<vmem>>, vector<16xi32>,
    tpu.vector_store %arg10[%swap3A_565, %swap3A_566, %swap3A_567], %add3A_563 {strides = array<i32>} : memref<3x2x112xi32, #tpu.memory_space<vmem>>, vector<16xi32>,
    %add3A_569 = arith.constant 8 : i32
    %add3A_570 = vector.broadcast %add3A_569 : i32 to vector<16xi32>
    %add3A_571 = arith.addi %add3A_563, %add3A_570 : vector<16xi32>
    %swap3A_572 = arith.constant 1 : i32
    %swap3A_573 = arith.index_cast %rem3A_303 : i32 to index
    %swap3A_574 = arith.index_cast %swap3A_572 : i32 to index
    %swap3A_575 = arith.constant 96 : index
    %swap3A_576 = tpu.vector_load %arg10[%swap3A_573, %swap3A_574, %swap3A_575] {strides = array<i32>} : memref<3x2x112xi32, #tpu.memory_space<vmem>>, vector<16xi32>,
    tpu.vector_store %arg10[%swap3A_573, %swap3A_574, %swap3A_575], %add3A_571 {strides = array<i32>} : memref<3x2x112xi32, #tpu.memory_space<vmem>>, vector<16xi32>,
    %rem3A_577 = arith.constant 1 : i32
    %rem3A_578 = arith.constant 3 : i32
    %rem3A_579 = arith.remsi %rem3A_577, %rem3A_578 : i32
    %dma_start3A_580 = arith.constant 0 : i32
    %dma_start3A_581 = arith.constant 1 : i32
    %dma_start3A_582 = arith.constant 0 : i32
    %dma_start3A_583 = arith.constant 0 : i32
    %dma_start3A_584 = tpu.memref_slice %arg15[%dma_start3A_581, %dma_start3A_582, %dma_start3A_583] : memref<3x208x128xf32, #tpu.memory_space<vmem>> -> memref<1x104x128xf32, #tpu.memory_space<vmem>>
    %dma_start3A_585 = tpu.memref_squeeze %dma_start3A_584 : memref<1x104x128xf32, #tpu.memory_space<vmem>> -> memref<104x128xf32, #tpu.memory_space<vmem>>
    %dma_start3A_586 = arith.constant 0 : i32
    %dma_start3A_587 = tpu.memref_slice %arg10[%rem3A_579, %dma_start3A_580, %dma_start3A_586] : memref<3x2x112xi32, #tpu.memory_space<vmem>> -> memref<1x1x104xi32, #tpu.memory_space<vmem>>
    %dma_start3A_588 = tpu.memref_squeeze %dma_start3A_587 : memref<1x1x104xi32, #tpu.memory_space<vmem>> -> memref<104xi32, #tpu.memory_space<vmem>>
    %dma_start3A_589 = arith.constant 0 : i32
    %dma_start3A_590 = arith.constant 0 : i32
    %dma_start3A_591 = tpu.memref_slice %arg4[%dma_start3A_589, %dma_start3A_590] : memref<200000x128xf32, #tpu.memory_space<hbm>> -> memref<200000x128xf32, #tpu.memory_space<hbm>>
    tpu.enqueue_indirect_dma source(%dma_start3A_591 : memref<200000x128xf32, #tpu.memory_space<hbm>>) target(%dma_start3A_585 : memref<104x128xf32, #tpu.memory_space<vmem>>) offsets(%dma_start3A_588 : memref<104xi32, #tpu.memory_space<vmem>>) semaphore(%arg17 : memref<!tpu.dma_semaphore, #tpu.memory_space<semaphore_mem>>)
    %dma_start3A_592 = arith.constant 1 : i32
    %dma_start3A_593 = arith.constant 1 : i32
    %dma_start3A_594 = arith.constant 104 : i32
    %dma_start3A_595 = arith.constant 0 : i32
    %dma_start3A_596 = tpu.memref_slice %arg15[%dma_start3A_593, %dma_start3A_594, %dma_start3A_595] : memref<3x208x128xf32, #tpu.memory_space<vmem>> -> memref<1x104x128xf32, #tpu.memory_space<vmem>>
    %dma_start3A_597 = tpu.memref_squeeze %dma_start3A_596 : memref<1x104x128xf32, #tpu.memory_space<vmem>> -> memref<104x128xf32, #tpu.memory_space<vmem>>
    %dma_start3A_598 = arith.constant 0 : i32
    %dma_start3A_599 = tpu.memref_slice %arg10[%rem3A_579, %dma_start3A_592, %dma_start3A_598] : memref<3x2x112xi32, #tpu.memory_space<vmem>> -> memref<1x1x104xi32, #tpu.memory_space<vmem>>
    %dma_start3A_600 = tpu.memref_squeeze %dma_start3A_599 : memref<1x1x104xi32, #tpu.memory_space<vmem>> -> memref<104xi32, #tpu.memory_space<vmem>>
    %dma_start3A_601 = arith.constant 0 : i32
    %dma_start3A_602 = arith.constant 0 : i32
    %dma_start3A_603 = tpu.memref_slice %arg4[%dma_start3A_601, %dma_start3A_602] : memref<200000x128xf32, #tpu.memory_space<hbm>> -> memref<200000x128xf32, #tpu.memory_space<hbm>>
    tpu.enqueue_indirect_dma source(%dma_start3A_603 : memref<200000x128xf32, #tpu.memory_space<hbm>>) target(%dma_start3A_597 : memref<104x128xf32, #tpu.memory_space<vmem>>) offsets(%dma_start3A_600 : memref<104xi32, #tpu.memory_space<vmem>>) semaphore(%arg17 : memref<!tpu.dma_semaphore, #tpu.memory_space<semaphore_mem>>)
    %scan3A = arith.constant 0 : i32
    %scan3A_604 = arith.constant 128 : i32
    %scan3A_605 = arith.addi %scan3A, %scan3A_604 : i32
    %scan3A_606 = arith.constant 1 : i32
    scf.for %scan3A_610 = %scan3A to %scan3A_605 step %scan3A_606  : i32 {
      %mul3A_611 = arith.constant 1 : i32
      %mul3A_612 = arith.muli %scan3A_610, %mul3A_611 : i32
      %add3A_613 = arith.constant 0 : i32
      %add3A_614 = arith.addi %add3A_613, %mul3A_612 : i32
      %rem3A_615 = arith.constant 3 : i32
      %rem3A_616 = arith.remsi %add3A_614, %rem3A_615 : i32
      %rem3A_617 = arith.constant 3 : i32
      %rem3A_618 = arith.remsi %add3A_614, %rem3A_617 : i32
      %dma_wait3A = arith.constant 0 : i32
      %dma_wait3A_619 = arith.constant 0 : i32
      %dma_wait3A_620 = arith.constant 0 : i32
      %dma_wait3A_621 = tpu.memref_slice %arg15[%rem3A_616, %dma_wait3A_619, %dma_wait3A_620] : memref<3x208x128xf32, #tpu.memory_space<vmem>> -> memref<1x104x128xf32, #tpu.memory_space<vmem>>
      %dma_wait3A_622 = tpu.memref_squeeze %dma_wait3A_621 : memref<1x104x128xf32, #tpu.memory_space<vmem>> -> memref<104x128xf32, #tpu.memory_space<vmem>>
      %dma_wait3A_623 = arith.constant 0 : i32
      %dma_wait3A_624 = tpu.memref_slice %arg10[%rem3A_618, %dma_wait3A, %dma_wait3A_623] : memref<3x2x112xi32, #tpu.memory_space<vmem>> -> memref<1x1x104xi32, #tpu.memory_space<vmem>>
      %dma_wait3A_625 = tpu.memref_squeeze %dma_wait3A_624 : memref<1x1x104xi32, #tpu.memory_space<vmem>> -> memref<104xi32, #tpu.memory_space<vmem>>
      %dma_wait3A_626 = arith.constant 0 : i32
      %dma_wait3A_627 = arith.constant 0 : i32
      %dma_wait3A_628 = tpu.memref_slice %arg4[%dma_wait3A_626, %dma_wait3A_627] : memref<200000x128xf32, #tpu.memory_space<hbm>> -> memref<200000x128xf32, #tpu.memory_space<hbm>>
      tpu.wait_indirect_dma semaphore(%arg17 : memref<!tpu.dma_semaphore, #tpu.memory_space<semaphore_mem>>) src(%dma_wait3A_628 : memref<200000x128xf32, #tpu.memory_space<hbm>>) dst(%dma_wait3A_622 : memref<104x128xf32, #tpu.memory_space<vmem>>)
      %rem3A_629 = arith.constant 3 : i32
      %rem3A_630 = arith.remsi %add3A_614, %rem3A_629 : i32
      %dma_wait3A_631 = arith.constant 1 : i32
      %dma_wait3A_632 = arith.constant 104 : i32
      %dma_wait3A_633 = arith.constant 0 : i32
      %dma_wait3A_634 = tpu.memref_slice %arg15[%rem3A_616, %dma_wait3A_632, %dma_wait3A_633] : memref<3x208x128xf32, #tpu.memory_space<vmem>> -> memref<1x104x128xf32, #tpu.memory_space<vmem>>
      %dma_wait3A_635 = tpu.memref_squeeze %dma_wait3A_634 : memref<1x104x128xf32, #tpu.memory_space<vmem>> -> memref<104x128xf32, #tpu.memory_space<vmem>>
      %dma_wait3A_636 = arith.constant 0 : i32
      %dma_wait3A_637 = tpu.memref_slice %arg10[%rem3A_630, %dma_wait3A_631, %dma_wait3A_636] : memref<3x2x112xi32, #tpu.memory_space<vmem>> -> memref<1x1x104xi32, #tpu.memory_space<vmem>>
      %dma_wait3A_638 = tpu.memref_squeeze %dma_wait3A_637 : memref<1x1x104xi32, #tpu.memory_space<vmem>> -> memref<104xi32, #tpu.memory_space<vmem>>
      %dma_wait3A_639 = arith.constant 0 : i32
      %dma_wait3A_640 = arith.constant 0 : i32
      %dma_wait3A_641 = tpu.memref_slice %arg4[%dma_wait3A_639, %dma_wait3A_640] : memref<200000x128xf32, #tpu.memory_space<hbm>> -> memref<200000x128xf32, #tpu.memory_space<hbm>>
      tpu.wait_indirect_dma semaphore(%arg17 : memref<!tpu.dma_semaphore, #tpu.memory_space<semaphore_mem>>) src(%dma_wait3A_641 : memref<200000x128xf32, #tpu.memory_space<hbm>>) dst(%dma_wait3A_635 : memref<104x128xf32, #tpu.memory_space<vmem>>)
      %add3A_642 = arith.constant 2 : i32
      %add3A_643 = arith.addi %add3A_614, %add3A_642 : i32
      %lt3A = arith.constant 128 : i32
      %lt3A_644 = arith.cmpi slt, %add3A_643, %lt3A : i32
      %convert_element_type3A = arith.extui %lt3A_644 : i1 to i32
      %cond3A = arith.constant 0 : i32
      %cond3A_645 = arith.cmpi ne, %convert_element_type3A, %cond3A : i32
      scf.if %cond3A_645 {
        %add3A_896 = arith.constant 2 : i32
        %add3A_897 = arith.addi %add3A_614, %add3A_896 : i32
        %rem3A_898 = arith.constant 3 : i32
        %rem3A_899 = arith.remsi %add3A_897, %rem3A_898 : i32
        %mul3A_900 = arith.constant 104 : i32
        %mul3A_901 = arith.muli %add3A_897, %mul3A_900 : i32
        %add3A_902 = arith.constant 0 : i32
        %add3A_903 = vector.broadcast %add3A_902 : i32 to vector<16xi32>
        %add3A_904 = arith.addi %iota3A, %add3A_903 : vector<16xi32>
        %add3A_905 = vector.broadcast %mul3A_901 : i32 to vector<16xi32>
        %add3A_906 = arith.addi %add3A_905, %add3A_904 : vector<16xi32>
        %min3A_907 = arith.constant 13311 : i32
        %min3A_908 = vector.broadcast %min3A_907 : i32 to vector<16xi32>
        %min3A_909 = arith.minsi %add3A_906, %min3A_908 : vector<16xi32>
        %shift_right_arithmetic3A_910 = arith.constant 7 : i32
        %shift_right_arithmetic3A_911 = vector.broadcast %shift_right_arithmetic3A_910 : i32 to vector<16xi32>
        %shift_right_arithmetic3A_912 = arith.shrsi %min3A_909, %shift_right_arithmetic3A_911 : vector<16xi32>
        %and3A_913 = arith.constant 127 : i32
        %and3A_914 = vector.broadcast %and3A_913 : i32 to vector<16xi32>
        %and3A_915 = arith.andi %min3A_909, %and3A_914 : vector<16xi32>
        %gather3A_916 = tpu.vector_load_idx %arg9[%shift_right_arithmetic3A_912, %and3A_915] : memref<104x128xi32, #tpu.memory_space<vmem>>[vector<16xi32>, vector<16xi32>], vector<16xi32>,
        %shift_right_arithmetic3A_917 = arith.constant 3 : i32
        %shift_right_arithmetic3A_918 = vector.broadcast %shift_right_arithmetic3A_917 : i32 to vector<16xi32>
        %shift_right_arithmetic3A_919 = arith.shrsi %gather3A_916, %shift_right_arithmetic3A_918 : vector<16xi32>
        %mul3A_920 = arith.constant 16 : i32
        %mul3A_921 = vector.broadcast %mul3A_920 : i32 to vector<16xi32>
        %mul3A_922 = arith.muli %shift_right_arithmetic3A_919, %mul3A_921 : vector<16xi32>
        %and3A_923 = arith.constant 7 : i32
        %and3A_924 = vector.broadcast %and3A_923 : i32 to vector<16xi32>
        %and3A_925 = arith.andi %gather3A_916, %and3A_924 : vector<16xi32>
        %add3A_926 = arith.addi %mul3A_922, %and3A_925 : vector<16xi32>
        %swap3A_927 = arith.constant 0 : i32
        %swap3A_928 = arith.index_cast %rem3A_899 : i32 to index
        %swap3A_929 = arith.index_cast %swap3A_927 : i32 to index
        %swap3A_930 = arith.constant 0 : index
        %swap3A_931 = tpu.vector_load %arg10[%swap3A_928, %swap3A_929, %swap3A_930] {strides = array<i32>} : memref<3x2x112xi32, #tpu.memory_space<vmem>>, vector<16xi32>,
        tpu.vector_store %arg10[%swap3A_928, %swap3A_929, %swap3A_930], %add3A_926 {strides = array<i32>} : memref<3x2x112xi32, #tpu.memory_space<vmem>>, vector<16xi32>,
        %add3A_932 = arith.constant 8 : i32
        %add3A_933 = vector.broadcast %add3A_932 : i32 to vector<16xi32>
        %add3A_934 = arith.addi %add3A_926, %add3A_933 : vector<16xi32>
        %swap3A_935 = arith.constant 1 : i32
        %swap3A_936 = arith.index_cast %rem3A_899 : i32 to index
        %swap3A_937 = arith.index_cast %swap3A_935 : i32 to index
        %swap3A_938 = arith.constant 0 : index
        %swap3A_939 = tpu.vector_load %arg10[%swap3A_936, %swap3A_937, %swap3A_938] {strides = array<i32>} : memref<3x2x112xi32, #tpu.memory_space<vmem>>, vector<16xi32>,
        tpu.vector_store %arg10[%swap3A_936, %swap3A_937, %swap3A_938], %add3A_934 {strides = array<i32>} : memref<3x2x112xi32, #tpu.memory_space<vmem>>, vector<16xi32>,
        %mul3A_940 = arith.constant 104 : i32
        %mul3A_941 = arith.muli %add3A_897, %mul3A_940 : i32
        %add3A_942 = arith.constant 16 : i32
        %add3A_943 = vector.broadcast %add3A_942 : i32 to vector<16xi32>
        %add3A_944 = arith.addi %iota3A, %add3A_943 : vector<16xi32>
        %add3A_945 = vector.broadcast %mul3A_941 : i32 to vector<16xi32>
        %add3A_946 = arith.addi %add3A_945, %add3A_944 : vector<16xi32>
        %min3A_947 = arith.constant 13311 : i32
        %min3A_948 = vector.broadcast %min3A_947 : i32 to vector<16xi32>
        %min3A_949 = arith.minsi %add3A_946, %min3A_948 : vector<16xi32>
        %shift_right_arithmetic3A_950 = arith.constant 7 : i32
        %shift_right_arithmetic3A_951 = vector.broadcast %shift_right_arithmetic3A_950 : i32 to vector<16xi32>
        %shift_right_arithmetic3A_952 = arith.shrsi %min3A_949, %shift_right_arithmetic3A_951 : vector<16xi32>
        %and3A_953 = arith.constant 127 : i32
        %and3A_954 = vector.broadcast %and3A_953 : i32 to vector<16xi32>
        %and3A_955 = arith.andi %min3A_949, %and3A_954 : vector<16xi32>
        %gather3A_956 = tpu.vector_load_idx %arg9[%shift_right_arithmetic3A_952, %and3A_955] : memref<104x128xi32, #tpu.memory_space<vmem>>[vector<16xi32>, vector<16xi32>], vector<16xi32>,
        %shift_right_arithmetic3A_957 = arith.constant 3 : i32
        %shift_right_arithmetic3A_958 = vector.broadcast %shift_right_arithmetic3A_957 : i32 to vector<16xi32>
        %shift_right_arithmetic3A_959 = arith.shrsi %gather3A_956, %shift_right_arithmetic3A_958 : vector<16xi32>
        %mul3A_960 = arith.constant 16 : i32
        %mul3A_961 = vector.broadcast %mul3A_960 : i32 to vector<16xi32>
        %mul3A_962 = arith.muli %shift_right_arithmetic3A_959, %mul3A_961 : vector<16xi32>
        %and3A_963 = arith.constant 7 : i32
        %and3A_964 = vector.broadcast %and3A_963 : i32 to vector<16xi32>
        %and3A_965 = arith.andi %gather3A_956, %and3A_964 : vector<16xi32>
        %add3A_966 = arith.addi %mul3A_962, %and3A_965 : vector<16xi32>
        %swap3A_967 = arith.constant 0 : i32
        %swap3A_968 = arith.index_cast %rem3A_899 : i32 to index
        %swap3A_969 = arith.index_cast %swap3A_967 : i32 to index
        %swap3A_970 = arith.constant 16 : index
        %swap3A_971 = tpu.vector_load %arg10[%swap3A_968, %swap3A_969, %swap3A_970] {strides = array<i32>} : memref<3x2x112xi32, #tpu.memory_space<vmem>>, vector<16xi32>,
        tpu.vector_store %arg10[%swap3A_968, %swap3A_969, %swap3A_970], %add3A_966 {strides = array<i32>} : memref<3x2x112xi32, #tpu.memory_space<vmem>>, vector<16xi32>,
        %add3A_972 = arith.constant 8 : i32
        %add3A_973 = vector.broadcast %add3A_972 : i32 to vector<16xi32>
        %add3A_974 = arith.addi %add3A_966, %add3A_973 : vector<16xi32>
        %swap3A_975 = arith.constant 1 : i32
        %swap3A_976 = arith.index_cast %rem3A_899 : i32 to index
        %swap3A_977 = arith.index_cast %swap3A_975 : i32 to index
        %swap3A_978 = arith.constant 16 : index
        %swap3A_979 = tpu.vector_load %arg10[%swap3A_976, %swap3A_977, %swap3A_978] {strides = array<i32>} : memref<3x2x112xi32, #tpu.memory_space<vmem>>, vector<16xi32>,
        tpu.vector_store %arg10[%swap3A_976, %swap3A_977, %swap3A_978], %add3A_974 {strides = array<i32>} : memref<3x2x112xi32, #tpu.memory_space<vmem>>, vector<16xi32>,
        %mul3A_980 = arith.constant 104 : i32
        %mul3A_981 = arith.muli %add3A_897, %mul3A_980 : i32
        %add3A_982 = arith.constant 32 : i32
        %add3A_983 = vector.broadcast %add3A_982 : i32 to vector<16xi32>
        %add3A_984 = arith.addi %iota3A, %add3A_983 : vector<16xi32>
        %add3A_985 = vector.broadcast %mul3A_981 : i32 to vector<16xi32>
        %add3A_986 = arith.addi %add3A_985, %add3A_984 : vector<16xi32>
        %min3A_987 = arith.constant 13311 : i32
        %min3A_988 = vector.broadcast %min3A_987 : i32 to vector<16xi32>
        %min3A_989 = arith.minsi %add3A_986, %min3A_988 : vector<16xi32>
        %shift_right_arithmetic3A_990 = arith.constant 7 : i32
        %shift_right_arithmetic3A_991 = vector.broadcast %shift_right_arithmetic3A_990 : i32 to vector<16xi32>
        %shift_right_arithmetic3A_992 = arith.shrsi %min3A_989, %shift_right_arithmetic3A_991 : vector<16xi32>
        %and3A_993 = arith.constant 127 : i32
        %and3A_994 = vector.broadcast %and3A_993 : i32 to vector<16xi32>
        %and3A_995 = arith.andi %min3A_989, %and3A_994 : vector<16xi32>
        %gather3A_996 = tpu.vector_load_idx %arg9[%shift_right_arithmetic3A_992, %and3A_995] : memref<104x128xi32, #tpu.memory_space<vmem>>[vector<16xi32>, vector<16xi32>], vector<16xi32>,
        %shift_right_arithmetic3A_997 = arith.constant 3 : i32
        %shift_right_arithmetic3A_998 = vector.broadcast %shift_right_arithmetic3A_997 : i32 to vector<16xi32>
        %shift_right_arithmetic3A_999 = arith.shrsi %gather3A_996, %shift_right_arithmetic3A_998 : vector<16xi32>
        %mul3A_1000 = arith.constant 16 : i32
        %mul3A_1001 = vector.broadcast %mul3A_1000 : i32 to vector<16xi32>
        %mul3A_1002 = arith.muli %shift_right_arithmetic3A_999, %mul3A_1001 : vector<16xi32>
        %and3A_1003 = arith.constant 7 : i32
        %and3A_1004 = vector.broadcast %and3A_1003 : i32 to vector<16xi32>
        %and3A_1005 = arith.andi %gather3A_996, %and3A_1004 : vector<16xi32>
        %add3A_1006 = arith.addi %mul3A_1002, %and3A_1005 : vector<16xi32>
        %swap3A_1007 = arith.constant 0 : i32
        %swap3A_1008 = arith.index_cast %rem3A_899 : i32 to index
        %swap3A_1009 = arith.index_cast %swap3A_1007 : i32 to index
        %swap3A_1010 = arith.constant 32 : index
        %swap3A_1011 = tpu.vector_load %arg10[%swap3A_1008, %swap3A_1009, %swap3A_1010] {strides = array<i32>} : memref<3x2x112xi32, #tpu.memory_space<vmem>>, vector<16xi32>,
        tpu.vector_store %arg10[%swap3A_1008, %swap3A_1009, %swap3A_1010], %add3A_1006 {strides = array<i32>} : memref<3x2x112xi32, #tpu.memory_space<vmem>>, vector<16xi32>,
        %add3A_1012 = arith.constant 8 : i32
        %add3A_1013 = vector.broadcast %add3A_1012 : i32 to vector<16xi32>
        %add3A_1014 = arith.addi %add3A_1006, %add3A_1013 : vector<16xi32>
        %swap3A_1015 = arith.constant 1 : i32
        %swap3A_1016 = arith.index_cast %rem3A_899 : i32 to index
        %swap3A_1017 = arith.index_cast %swap3A_1015 : i32 to index
        %swap3A_1018 = arith.constant 32 : index
        %swap3A_1019 = tpu.vector_load %arg10[%swap3A_1016, %swap3A_1017, %swap3A_1018] {strides = array<i32>} : memref<3x2x112xi32, #tpu.memory_space<vmem>>, vector<16xi32>,
        tpu.vector_store %arg10[%swap3A_1016, %swap3A_1017, %swap3A_1018], %add3A_1014 {strides = array<i32>} : memref<3x2x112xi32, #tpu.memory_space<vmem>>, vector<16xi32>,
        %mul3A_1020 = arith.constant 104 : i32
        %mul3A_1021 = arith.muli %add3A_897, %mul3A_1020 : i32
        %add3A_1022 = arith.constant 48 : i32
        %add3A_1023 = vector.broadcast %add3A_1022 : i32 to vector<16xi32>
        %add3A_1024 = arith.addi %iota3A, %add3A_1023 : vector<16xi32>
        %add3A_1025 = vector.broadcast %mul3A_1021 : i32 to vector<16xi32>
        %add3A_1026 = arith.addi %add3A_1025, %add3A_1024 : vector<16xi32>
        %min3A_1027 = arith.constant 13311 : i32
        %min3A_1028 = vector.broadcast %min3A_1027 : i32 to vector<16xi32>
        %min3A_1029 = arith.minsi %add3A_1026, %min3A_1028 : vector<16xi32>
        %shift_right_arithmetic3A_1030 = arith.constant 7 : i32
        %shift_right_arithmetic3A_1031 = vector.broadcast %shift_right_arithmetic3A_1030 : i32 to vector<16xi32>
        %shift_right_arithmetic3A_1032 = arith.shrsi %min3A_1029, %shift_right_arithmetic3A_1031 : vector<16xi32>
        %and3A_1033 = arith.constant 127 : i32
        %and3A_1034 = vector.broadcast %and3A_1033 : i32 to vector<16xi32>
        %and3A_1035 = arith.andi %min3A_1029, %and3A_1034 : vector<16xi32>
        %gather3A_1036 = tpu.vector_load_idx %arg9[%shift_right_arithmetic3A_1032, %and3A_1035] : memref<104x128xi32, #tpu.memory_space<vmem>>[vector<16xi32>, vector<16xi32>], vector<16xi32>,
        %shift_right_arithmetic3A_1037 = arith.constant 3 : i32
        %shift_right_arithmetic3A_1038 = vector.broadcast %shift_right_arithmetic3A_1037 : i32 to vector<16xi32>
        %shift_right_arithmetic3A_1039 = arith.shrsi %gather3A_1036, %shift_right_arithmetic3A_1038 : vector<16xi32>
        %mul3A_1040 = arith.constant 16 : i32
        %mul3A_1041 = vector.broadcast %mul3A_1040 : i32 to vector<16xi32>
        %mul3A_1042 = arith.muli %shift_right_arithmetic3A_1039, %mul3A_1041 : vector<16xi32>
        %and3A_1043 = arith.constant 7 : i32
        %and3A_1044 = vector.broadcast %and3A_1043 : i32 to vector<16xi32>
        %and3A_1045 = arith.andi %gather3A_1036, %and3A_1044 : vector<16xi32>
        %add3A_1046 = arith.addi %mul3A_1042, %and3A_1045 : vector<16xi32>
        %swap3A_1047 = arith.constant 0 : i32
        %swap3A_1048 = arith.index_cast %rem3A_899 : i32 to index
        %swap3A_1049 = arith.index_cast %swap3A_1047 : i32 to index
        %swap3A_1050 = arith.constant 48 : index
        %swap3A_1051 = tpu.vector_load %arg10[%swap3A_1048, %swap3A_1049, %swap3A_1050] {strides = array<i32>} : memref<3x2x112xi32, #tpu.memory_space<vmem>>, vector<16xi32>,
        tpu.vector_store %arg10[%swap3A_1048, %swap3A_1049, %swap3A_1050], %add3A_1046 {strides = array<i32>} : memref<3x2x112xi32, #tpu.memory_space<vmem>>, vector<16xi32>,
        %add3A_1052 = arith.constant 8 : i32
        %add3A_1053 = vector.broadcast %add3A_1052 : i32 to vector<16xi32>
        %add3A_1054 = arith.addi %add3A_1046, %add3A_1053 : vector<16xi32>
        %swap3A_1055 = arith.constant 1 : i32
        %swap3A_1056 = arith.index_cast %rem3A_899 : i32 to index
        %swap3A_1057 = arith.index_cast %swap3A_1055 : i32 to index
        %swap3A_1058 = arith.constant 48 : index
        %swap3A_1059 = tpu.vector_load %arg10[%swap3A_1056, %swap3A_1057, %swap3A_1058] {strides = array<i32>} : memref<3x2x112xi32, #tpu.memory_space<vmem>>, vector<16xi32>,
        tpu.vector_store %arg10[%swap3A_1056, %swap3A_1057, %swap3A_1058], %add3A_1054 {strides = array<i32>} : memref<3x2x112xi32, #tpu.memory_space<vmem>>, vector<16xi32>,
        %mul3A_1060 = arith.constant 104 : i32
        %mul3A_1061 = arith.muli %add3A_897, %mul3A_1060 : i32
        %add3A_1062 = arith.constant 64 : i32
        %add3A_1063 = vector.broadcast %add3A_1062 : i32 to vector<16xi32>
        %add3A_1064 = arith.addi %iota3A, %add3A_1063 : vector<16xi32>
        %add3A_1065 = vector.broadcast %mul3A_1061 : i32 to vector<16xi32>
        %add3A_1066 = arith.addi %add3A_1065, %add3A_1064 : vector<16xi32>
        %min3A_1067 = arith.constant 13311 : i32
        %min3A_1068 = vector.broadcast %min3A_1067 : i32 to vector<16xi32>
        %min3A_1069 = arith.minsi %add3A_1066, %min3A_1068 : vector<16xi32>
        %shift_right_arithmetic3A_1070 = arith.constant 7 : i32
        %shift_right_arithmetic3A_1071 = vector.broadcast %shift_right_arithmetic3A_1070 : i32 to vector<16xi32>
        %shift_right_arithmetic3A_1072 = arith.shrsi %min3A_1069, %shift_right_arithmetic3A_1071 : vector<16xi32>
        %and3A_1073 = arith.constant 127 : i32
        %and3A_1074 = vector.broadcast %and3A_1073 : i32 to vector<16xi32>
        %and3A_1075 = arith.andi %min3A_1069, %and3A_1074 : vector<16xi32>
        %gather3A_1076 = tpu.vector_load_idx %arg9[%shift_right_arithmetic3A_1072, %and3A_1075] : memref<104x128xi32, #tpu.memory_space<vmem>>[vector<16xi32>, vector<16xi32>], vector<16xi32>,
        %shift_right_arithmetic3A_1077 = arith.constant 3 : i32
        %shift_right_arithmetic3A_1078 = vector.broadcast %shift_right_arithmetic3A_1077 : i32 to vector<16xi32>
        %shift_right_arithmetic3A_1079 = arith.shrsi %gather3A_1076, %shift_right_arithmetic3A_1078 : vector<16xi32>
        %mul3A_1080 = arith.constant 16 : i32
        %mul3A_1081 = vector.broadcast %mul3A_1080 : i32 to vector<16xi32>
        %mul3A_1082 = arith.muli %shift_right_arithmetic3A_1079, %mul3A_1081 : vector<16xi32>
        %and3A_1083 = arith.constant 7 : i32
        %and3A_1084 = vector.broadcast %and3A_1083 : i32 to vector<16xi32>
        %and3A_1085 = arith.andi %gather3A_1076, %and3A_1084 : vector<16xi32>
        %add3A_1086 = arith.addi %mul3A_1082, %and3A_1085 : vector<16xi32>
        %swap3A_1087 = arith.constant 0 : i32
        %swap3A_1088 = arith.index_cast %rem3A_899 : i32 to index
        %swap3A_1089 = arith.index_cast %swap3A_1087 : i32 to index
        %swap3A_1090 = arith.constant 64 : index
        %swap3A_1091 = tpu.vector_load %arg10[%swap3A_1088, %swap3A_1089, %swap3A_1090] {strides = array<i32>} : memref<3x2x112xi32, #tpu.memory_space<vmem>>, vector<16xi32>,
        tpu.vector_store %arg10[%swap3A_1088, %swap3A_1089, %swap3A_1090], %add3A_1086 {strides = array<i32>} : memref<3x2x112xi32, #tpu.memory_space<vmem>>, vector<16xi32>,
        %add3A_1092 = arith.constant 8 : i32
        %add3A_1093 = vector.broadcast %add3A_1092 : i32 to vector<16xi32>
        %add3A_1094 = arith.addi %add3A_1086, %add3A_1093 : vector<16xi32>
        %swap3A_1095 = arith.constant 1 : i32
        %swap3A_1096 = arith.index_cast %rem3A_899 : i32 to index
        %swap3A_1097 = arith.index_cast %swap3A_1095 : i32 to index
        %swap3A_1098 = arith.constant 64 : index
        %swap3A_1099 = tpu.vector_load %arg10[%swap3A_1096, %swap3A_1097, %swap3A_1098] {strides = array<i32>} : memref<3x2x112xi32, #tpu.memory_space<vmem>>, vector<16xi32>,
        tpu.vector_store %arg10[%swap3A_1096, %swap3A_1097, %swap3A_1098], %add3A_1094 {strides = array<i32>} : memref<3x2x112xi32, #tpu.memory_space<vmem>>, vector<16xi32>,
        %mul3A_1100 = arith.constant 104 : i32
        %mul3A_1101 = arith.muli %add3A_897, %mul3A_1100 : i32
        %add3A_1102 = arith.constant 80 : i32
        %add3A_1103 = vector.broadcast %add3A_1102 : i32 to vector<16xi32>
        %add3A_1104 = arith.addi %iota3A, %add3A_1103 : vector<16xi32>
        %add3A_1105 = vector.broadcast %mul3A_1101 : i32 to vector<16xi32>
        %add3A_1106 = arith.addi %add3A_1105, %add3A_1104 : vector<16xi32>
        %min3A_1107 = arith.constant 13311 : i32
        %min3A_1108 = vector.broadcast %min3A_1107 : i32 to vector<16xi32>
        %min3A_1109 = arith.minsi %add3A_1106, %min3A_1108 : vector<16xi32>
        %shift_right_arithmetic3A_1110 = arith.constant 7 : i32
        %shift_right_arithmetic3A_1111 = vector.broadcast %shift_right_arithmetic3A_1110 : i32 to vector<16xi32>
        %shift_right_arithmetic3A_1112 = arith.shrsi %min3A_1109, %shift_right_arithmetic3A_1111 : vector<16xi32>
        %and3A_1113 = arith.constant 127 : i32
        %and3A_1114 = vector.broadcast %and3A_1113 : i32 to vector<16xi32>
        %and3A_1115 = arith.andi %min3A_1109, %and3A_1114 : vector<16xi32>
        %gather3A_1116 = tpu.vector_load_idx %arg9[%shift_right_arithmetic3A_1112, %and3A_1115] : memref<104x128xi32, #tpu.memory_space<vmem>>[vector<16xi32>, vector<16xi32>], vector<16xi32>,
        %shift_right_arithmetic3A_1117 = arith.constant 3 : i32
        %shift_right_arithmetic3A_1118 = vector.broadcast %shift_right_arithmetic3A_1117 : i32 to vector<16xi32>
        %shift_right_arithmetic3A_1119 = arith.shrsi %gather3A_1116, %shift_right_arithmetic3A_1118 : vector<16xi32>
        %mul3A_1120 = arith.constant 16 : i32
        %mul3A_1121 = vector.broadcast %mul3A_1120 : i32 to vector<16xi32>
        %mul3A_1122 = arith.muli %shift_right_arithmetic3A_1119, %mul3A_1121 : vector<16xi32>
        %and3A_1123 = arith.constant 7 : i32
        %and3A_1124 = vector.broadcast %and3A_1123 : i32 to vector<16xi32>
        %and3A_1125 = arith.andi %gather3A_1116, %and3A_1124 : vector<16xi32>
        %add3A_1126 = arith.addi %mul3A_1122, %and3A_1125 : vector<16xi32>
        %swap3A_1127 = arith.constant 0 : i32
        %swap3A_1128 = arith.index_cast %rem3A_899 : i32 to index
        %swap3A_1129 = arith.index_cast %swap3A_1127 : i32 to index
        %swap3A_1130 = arith.constant 80 : index
        %swap3A_1131 = tpu.vector_load %arg10[%swap3A_1128, %swap3A_1129, %swap3A_1130] {strides = array<i32>} : memref<3x2x112xi32, #tpu.memory_space<vmem>>, vector<16xi32>,
        tpu.vector_store %arg10[%swap3A_1128, %swap3A_1129, %swap3A_1130], %add3A_1126 {strides = array<i32>} : memref<3x2x112xi32, #tpu.memory_space<vmem>>, vector<16xi32>,
        %add3A_1132 = arith.constant 8 : i32
        %add3A_1133 = vector.broadcast %add3A_1132 : i32 to vector<16xi32>
        %add3A_1134 = arith.addi %add3A_1126, %add3A_1133 : vector<16xi32>
        %swap3A_1135 = arith.constant 1 : i32
        %swap3A_1136 = arith.index_cast %rem3A_899 : i32 to index
        %swap3A_1137 = arith.index_cast %swap3A_1135 : i32 to index
        %swap3A_1138 = arith.constant 80 : index
        %swap3A_1139 = tpu.vector_load %arg10[%swap3A_1136, %swap3A_1137, %swap3A_1138] {strides = array<i32>} : memref<3x2x112xi32, #tpu.memory_space<vmem>>, vector<16xi32>,
        tpu.vector_store %arg10[%swap3A_1136, %swap3A_1137, %swap3A_1138], %add3A_1134 {strides = array<i32>} : memref<3x2x112xi32, #tpu.memory_space<vmem>>, vector<16xi32>,
        %mul3A_1140 = arith.constant 104 : i32
        %mul3A_1141 = arith.muli %add3A_897, %mul3A_1140 : i32
        %add3A_1142 = arith.constant 96 : i32
        %add3A_1143 = vector.broadcast %add3A_1142 : i32 to vector<16xi32>
        %add3A_1144 = arith.addi %iota3A, %add3A_1143 : vector<16xi32>
        %add3A_1145 = vector.broadcast %mul3A_1141 : i32 to vector<16xi32>
        %add3A_1146 = arith.addi %add3A_1145, %add3A_1144 : vector<16xi32>
        %min3A_1147 = arith.constant 13311 : i32
        %min3A_1148 = vector.broadcast %min3A_1147 : i32 to vector<16xi32>
        %min3A_1149 = arith.minsi %add3A_1146, %min3A_1148 : vector<16xi32>
        %shift_right_arithmetic3A_1150 = arith.constant 7 : i32
        %shift_right_arithmetic3A_1151 = vector.broadcast %shift_right_arithmetic3A_1150 : i32 to vector<16xi32>
        %shift_right_arithmetic3A_1152 = arith.shrsi %min3A_1149, %shift_right_arithmetic3A_1151 : vector<16xi32>
        %and3A_1153 = arith.constant 127 : i32
        %and3A_1154 = vector.broadcast %and3A_1153 : i32 to vector<16xi32>
        %and3A_1155 = arith.andi %min3A_1149, %and3A_1154 : vector<16xi32>
        %gather3A_1156 = tpu.vector_load_idx %arg9[%shift_right_arithmetic3A_1152, %and3A_1155] : memref<104x128xi32, #tpu.memory_space<vmem>>[vector<16xi32>, vector<16xi32>], vector<16xi32>,
        %shift_right_arithmetic3A_1157 = arith.constant 3 : i32
        %shift_right_arithmetic3A_1158 = vector.broadcast %shift_right_arithmetic3A_1157 : i32 to vector<16xi32>
        %shift_right_arithmetic3A_1159 = arith.shrsi %gather3A_1156, %shift_right_arithmetic3A_1158 : vector<16xi32>
        %mul3A_1160 = arith.constant 16 : i32
        %mul3A_1161 = vector.broadcast %mul3A_1160 : i32 to vector<16xi32>
        %mul3A_1162 = arith.muli %shift_right_arithmetic3A_1159, %mul3A_1161 : vector<16xi32>
        %and3A_1163 = arith.constant 7 : i32
        %and3A_1164 = vector.broadcast %and3A_1163 : i32 to vector<16xi32>
        %and3A_1165 = arith.andi %gather3A_1156, %and3A_1164 : vector<16xi32>
        %add3A_1166 = arith.addi %mul3A_1162, %and3A_1165 : vector<16xi32>
        %swap3A_1167 = arith.constant 0 : i32
        %swap3A_1168 = arith.index_cast %rem3A_899 : i32 to index
        %swap3A_1169 = arith.index_cast %swap3A_1167 : i32 to index
        %swap3A_1170 = arith.constant 96 : index
        %swap3A_1171 = tpu.vector_load %arg10[%swap3A_1168, %swap3A_1169, %swap3A_1170] {strides = array<i32>} : memref<3x2x112xi32, #tpu.memory_space<vmem>>, vector<16xi32>,
        tpu.vector_store %arg10[%swap3A_1168, %swap3A_1169, %swap3A_1170], %add3A_1166 {strides = array<i32>} : memref<3x2x112xi32, #tpu.memory_space<vmem>>, vector<16xi32>,
        %add3A_1172 = arith.constant 8 : i32
        %add3A_1173 = vector.broadcast %add3A_1172 : i32 to vector<16xi32>
        %add3A_1174 = arith.addi %add3A_1166, %add3A_1173 : vector<16xi32>
        %swap3A_1175 = arith.constant 1 : i32
        %swap3A_1176 = arith.index_cast %rem3A_899 : i32 to index
        %swap3A_1177 = arith.index_cast %swap3A_1175 : i32 to index
        %swap3A_1178 = arith.constant 96 : index
        %swap3A_1179 = tpu.vector_load %arg10[%swap3A_1176, %swap3A_1177, %swap3A_1178] {strides = array<i32>} : memref<3x2x112xi32, #tpu.memory_space<vmem>>, vector<16xi32>,
        tpu.vector_store %arg10[%swap3A_1176, %swap3A_1177, %swap3A_1178], %add3A_1174 {strides = array<i32>} : memref<3x2x112xi32, #tpu.memory_space<vmem>>, vector<16xi32>,
        %add3A_1180 = arith.constant 2 : i32
        %add3A_1181 = arith.addi %add3A_614, %add3A_1180 : i32
        %add3A_1182 = arith.constant 2 : i32
        %add3A_1183 = arith.addi %add3A_614, %add3A_1182 : i32
        %rem3A_1184 = arith.constant 3 : i32
        %rem3A_1185 = arith.remsi %add3A_1183, %rem3A_1184 : i32
        %rem3A_1186 = arith.constant 3 : i32
        %rem3A_1187 = arith.remsi %add3A_1181, %rem3A_1186 : i32
        %dma_start3A_1188 = arith.constant 0 : i32
        %dma_start3A_1189 = arith.constant 0 : i32
        %dma_start3A_1190 = arith.constant 0 : i32
        %dma_start3A_1191 = tpu.memref_slice %arg15[%rem3A_1185, %dma_start3A_1189, %dma_start3A_1190] : memref<3x208x128xf32, #tpu.memory_space<vmem>> -> memref<1x104x128xf32, #tpu.memory_space<vmem>>
        %dma_start3A_1192 = tpu.memref_squeeze %dma_start3A_1191 : memref<1x104x128xf32, #tpu.memory_space<vmem>> -> memref<104x128xf32, #tpu.memory_space<vmem>>
        %dma_start3A_1193 = arith.constant 0 : i32
        %dma_start3A_1194 = tpu.memref_slice %arg10[%rem3A_1187, %dma_start3A_1188, %dma_start3A_1193] : memref<3x2x112xi32, #tpu.memory_space<vmem>> -> memref<1x1x104xi32, #tpu.memory_space<vmem>>
        %dma_start3A_1195 = tpu.memref_squeeze %dma_start3A_1194 : memref<1x1x104xi32, #tpu.memory_space<vmem>> -> memref<104xi32, #tpu.memory_space<vmem>>
        %dma_start3A_1196 = arith.constant 0 : i32
        %dma_start3A_1197 = arith.constant 0 : i32
        %dma_start3A_1198 = tpu.memref_slice %arg4[%dma_start3A_1196, %dma_start3A_1197] : memref<200000x128xf32, #tpu.memory_space<hbm>> -> memref<200000x128xf32, #tpu.memory_space<hbm>>
        tpu.enqueue_indirect_dma source(%dma_start3A_1198 : memref<200000x128xf32, #tpu.memory_space<hbm>>) target(%dma_start3A_1192 : memref<104x128xf32, #tpu.memory_space<vmem>>) offsets(%dma_start3A_1195 : memref<104xi32, #tpu.memory_space<vmem>>) semaphore(%arg17 : memref<!tpu.dma_semaphore, #tpu.memory_space<semaphore_mem>>)
        %dma_start3A_1199 = arith.constant 1 : i32
        %dma_start3A_1200 = arith.constant 104 : i32
        %dma_start3A_1201 = arith.constant 0 : i32
        %dma_start3A_1202 = tpu.memref_slice %arg15[%rem3A_1185, %dma_start3A_1200, %dma_start3A_1201] : memref<3x208x128xf32, #tpu.memory_space<vmem>> -> memref<1x104x128xf32, #tpu.memory_space<vmem>>
        %dma_start3A_1203 = tpu.memref_squeeze %dma_start3A_1202 : memref<1x104x128xf32, #tpu.memory_space<vmem>> -> memref<104x128xf32, #tpu.memory_space<vmem>>
        %dma_start3A_1204 = arith.constant 0 : i32
        %dma_start3A_1205 = tpu.memref_slice %arg10[%rem3A_1187, %dma_start3A_1199, %dma_start3A_1204] : memref<3x2x112xi32, #tpu.memory_space<vmem>> -> memref<1x1x104xi32, #tpu.memory_space<vmem>>
        %dma_start3A_1206 = tpu.memref_squeeze %dma_start3A_1205 : memref<1x1x104xi32, #tpu.memory_space<vmem>> -> memref<104xi32, #tpu.memory_space<vmem>>
        %dma_start3A_1207 = arith.constant 0 : i32
        %dma_start3A_1208 = arith.constant 0 : i32
        %dma_start3A_1209 = tpu.memref_slice %arg4[%dma_start3A_1207, %dma_start3A_1208] : memref<200000x128xf32, #tpu.memory_space<hbm>> -> memref<200000x128xf32, #tpu.memory_space<hbm>>
        tpu.enqueue_indirect_dma source(%dma_start3A_1209 : memref<200000x128xf32, #tpu.memory_space<hbm>>) target(%dma_start3A_1203 : memref<104x128xf32, #tpu.memory_space<vmem>>) offsets(%dma_start3A_1206 : memref<104xi32, #tpu.memory_space<vmem>>) semaphore(%arg17 : memref<!tpu.dma_semaphore, #tpu.memory_space<semaphore_mem>>)
      } else {
      }
      %broadcast_in_dim3A = arith.constant 0 : i32
      %broadcast_in_dim3A_646 = vector.broadcast %broadcast_in_dim3A : i32 to vector<16xi32>
      %mul3A_647 = arith.constant 4 : i32
      %mul3A_648 = arith.muli %add3A_614, %mul3A_647 : i32
      %add3A_649 = arith.constant 0 : i32
      %add3A_650 = arith.addi %mul3A_648, %add3A_649 : i32
      %add3A_651 = vector.broadcast %add3A_650 : i32 to vector<16xi32>
      %add3A_652 = arith.addi %broadcast_in_dim3A_646, %add3A_651 : vector<16xi32>
      %gather3A_653 = tpu.vector_load_idx %arg11[%add3A_652] : memref<512xi32, #tpu.memory_space<vmem>>[vector<16xi32>], vector<16xi32>,
      %jit3A = arith.constant 1 : i32
      %div3A = vector.broadcast %jit3A : i32 to vector<16xi32>
      %div3A_654 = arith.divsi %gather3A_653, %div3A : vector<16xi32>
      %sign3A = arith.constant 0 : i32
      %sign3A_655 = vector.broadcast %sign3A : i32 to vector<16xi32>
      %sign3A_656 = arith.cmpi sgt, %gather3A_653, %sign3A_655 : vector<16xi32>
      %sign3A_657 = arith.extui %sign3A_656 : vector<16xi1> to vector<16xi32>
      %sign3A_658 = arith.constant 0 : i32
      %sign3A_659 = vector.broadcast %sign3A_658 : i32 to vector<16xi32>
      %sign3A_660 = arith.cmpi slt, %gather3A_653, %sign3A_659 : vector<16xi32>
      %sign3A_661 = arith.extui %sign3A_660 : vector<16xi1> to vector<16xi32>
      %sign3A_662 = arith.subi %sign3A_657, %sign3A_661 : vector<16xi32>
      %sign3A_663 = arith.constant 0 : i32
      %sign3A_664 = arith.cmpi sgt, %jit3A, %sign3A_663 : i32
      %sign3A_665 = arith.extui %sign3A_664 : i1 to i32
      %sign3A_666 = arith.constant 0 : i32
      %sign3A_667 = arith.cmpi slt, %jit3A, %sign3A_666 : i32
      %sign3A_668 = arith.extui %sign3A_667 : i1 to i32
      %sign3A_669 = arith.subi %sign3A_665, %sign3A_668 : i32
      %ne3A = vector.broadcast %sign3A_669 : i32 to vector<16xi32>
      %ne3A_670 = arith.cmpi ne, %sign3A_662, %ne3A : vector<16xi32>
      %rem3A_671 = vector.broadcast %jit3A : i32 to vector<16xi32>
      %rem3A_672 = arith.remsi %gather3A_653, %rem3A_671 : vector<16xi32>
      %ne3A_673 = arith.constant 0 : i32
      %ne3A_674 = vector.broadcast %ne3A_673 : i32 to vector<16xi32>
      %ne3A_675 = arith.cmpi ne, %rem3A_672, %ne3A_674 : vector<16xi32>
      %and3A_676 = arith.andi %ne3A_670, %ne3A_675 : vector<16xi1>
      %sub3A = arith.constant 1 : i32
      %sub3A_677 = vector.broadcast %sub3A : i32 to vector<16xi32>
      %sub3A_678 = arith.subi %div3A_654, %sub3A_677 : vector<16xi32>
      %select_n3A = arith.select %and3A_676, %sub3A_678, %div3A_654 : vector<16xi1>, vector<16xi32>
      %jit3A_679 = arith.constant 0 : i32
      %jit3A_680 = arith.constant 59 : i32
      %max3A = vector.broadcast %jit3A_679 : i32 to vector<16xi32>
      %max3A_681 = arith.maxsi %max3A, %select_n3A : vector<16xi32>
      %min3A_682 = vector.broadcast %jit3A_680 : i32 to vector<16xi32>
      %min3A_683 = arith.minsi %min3A_682, %max3A_681 : vector<16xi32>
      %broadcast_in_dim3A_684 = arith.constant 0 : i32
      %broadcast_in_dim3A_685 = vector.broadcast %broadcast_in_dim3A_684 : i32 to vector<16xi32>
      %mul3A_686 = arith.constant 4 : i32
      %mul3A_687 = arith.muli %add3A_614, %mul3A_686 : i32
      %add3A_688 = arith.constant 1 : i32
      %add3A_689 = arith.addi %mul3A_687, %add3A_688 : i32
      %add3A_690 = vector.broadcast %add3A_689 : i32 to vector<16xi32>
      %add3A_691 = arith.addi %broadcast_in_dim3A_685, %add3A_690 : vector<16xi32>
      %gather3A_692 = tpu.vector_load_idx %arg11[%add3A_691] : memref<512xi32, #tpu.memory_space<vmem>>[vector<16xi32>], vector<16xi32>,
      %jit3A_693 = arith.constant 1 : i32
      %div3A_694 = vector.broadcast %jit3A_693 : i32 to vector<16xi32>
      %div3A_695 = arith.divsi %gather3A_692, %div3A_694 : vector<16xi32>
      %sign3A_696 = arith.constant 0 : i32
      %sign3A_697 = vector.broadcast %sign3A_696 : i32 to vector<16xi32>
      %sign3A_698 = arith.cmpi sgt, %gather3A_692, %sign3A_697 : vector<16xi32>
      %sign3A_699 = arith.extui %sign3A_698 : vector<16xi1> to vector<16xi32>
      %sign3A_700 = arith.constant 0 : i32
      %sign3A_701 = vector.broadcast %sign3A_700 : i32 to vector<16xi32>
      %sign3A_702 = arith.cmpi slt, %gather3A_692, %sign3A_701 : vector<16xi32>
      %sign3A_703 = arith.extui %sign3A_702 : vector<16xi1> to vector<16xi32>
      %sign3A_704 = arith.subi %sign3A_699, %sign3A_703 : vector<16xi32>
      %sign3A_705 = arith.constant 0 : i32
      %sign3A_706 = arith.cmpi sgt, %jit3A_693, %sign3A_705 : i32
      %sign3A_707 = arith.extui %sign3A_706 : i1 to i32
      %sign3A_708 = arith.constant 0 : i32
      %sign3A_709 = arith.cmpi slt, %jit3A_693, %sign3A_708 : i32
      %sign3A_710 = arith.extui %sign3A_709 : i1 to i32
      %sign3A_711 = arith.subi %sign3A_707, %sign3A_710 : i32
      %ne3A_712 = vector.broadcast %sign3A_711 : i32 to vector<16xi32>
      %ne3A_713 = arith.cmpi ne, %sign3A_704, %ne3A_712 : vector<16xi32>
      %rem3A_714 = vector.broadcast %jit3A_693 : i32 to vector<16xi32>
      %rem3A_715 = arith.remsi %gather3A_692, %rem3A_714 : vector<16xi32>
      %ne3A_716 = arith.constant 0 : i32
      %ne3A_717 = vector.broadcast %ne3A_716 : i32 to vector<16xi32>
      %ne3A_718 = arith.cmpi ne, %rem3A_715, %ne3A_717 : vector<16xi32>
      %and3A_719 = arith.andi %ne3A_713, %ne3A_718 : vector<16xi1>
      %sub3A_720 = arith.constant 1 : i32
      %sub3A_721 = vector.broadcast %sub3A_720 : i32 to vector<16xi32>
      %sub3A_722 = arith.subi %div3A_695, %sub3A_721 : vector<16xi32>
      %select_n3A_723 = arith.select %and3A_719, %sub3A_722, %div3A_695 : vector<16xi1>, vector<16xi32>
      %jit3A_724 = arith.constant 0 : i32
      %jit3A_725 = arith.constant 59 : i32
      %max3A_726 = vector.broadcast %jit3A_724 : i32 to vector<16xi32>
      %max3A_727 = arith.maxsi %max3A_726, %select_n3A_723 : vector<16xi32>
      %min3A_728 = vector.broadcast %jit3A_725 : i32 to vector<16xi32>
      %min3A_729 = arith.minsi %min3A_728, %max3A_727 : vector<16xi32>
      %broadcast_in_dim3A_730 = arith.constant 0 : i32
      %broadcast_in_dim3A_731 = vector.broadcast %broadcast_in_dim3A_730 : i32 to vector<16xi32>
      %mul3A_732 = arith.constant 4 : i32
      %mul3A_733 = arith.muli %add3A_614, %mul3A_732 : i32
      %add3A_734 = arith.constant 2 : i32
      %add3A_735 = arith.addi %mul3A_733, %add3A_734 : i32
      %add3A_736 = vector.broadcast %add3A_735 : i32 to vector<16xi32>
      %add3A_737 = arith.addi %broadcast_in_dim3A_731, %add3A_736 : vector<16xi32>
      %gather3A_738 = tpu.vector_load_idx %arg11[%add3A_737] : memref<512xi32, #tpu.memory_space<vmem>>[vector<16xi32>], vector<16xi32>,
      %jit3A_739 = arith.constant 1 : i32
      %div3A_740 = vector.broadcast %jit3A_739 : i32 to vector<16xi32>
      %div3A_741 = arith.divsi %gather3A_738, %div3A_740 : vector<16xi32>
      %sign3A_742 = arith.constant 0 : i32
      %sign3A_743 = vector.broadcast %sign3A_742 : i32 to vector<16xi32>
      %sign3A_744 = arith.cmpi sgt, %gather3A_738, %sign3A_743 : vector<16xi32>
      %sign3A_745 = arith.extui %sign3A_744 : vector<16xi1> to vector<16xi32>
      %sign3A_746 = arith.constant 0 : i32
      %sign3A_747 = vector.broadcast %sign3A_746 : i32 to vector<16xi32>
      %sign3A_748 = arith.cmpi slt, %gather3A_738, %sign3A_747 : vector<16xi32>
      %sign3A_749 = arith.extui %sign3A_748 : vector<16xi1> to vector<16xi32>
      %sign3A_750 = arith.subi %sign3A_745, %sign3A_749 : vector<16xi32>
      %sign3A_751 = arith.constant 0 : i32
      %sign3A_752 = arith.cmpi sgt, %jit3A_739, %sign3A_751 : i32
      %sign3A_753 = arith.extui %sign3A_752 : i1 to i32
      %sign3A_754 = arith.constant 0 : i32
      %sign3A_755 = arith.cmpi slt, %jit3A_739, %sign3A_754 : i32
      %sign3A_756 = arith.extui %sign3A_755 : i1 to i32
      %sign3A_757 = arith.subi %sign3A_753, %sign3A_756 : i32
      %ne3A_758 = vector.broadcast %sign3A_757 : i32 to vector<16xi32>
      %ne3A_759 = arith.cmpi ne, %sign3A_750, %ne3A_758 : vector<16xi32>
      %rem3A_760 = vector.broadcast %jit3A_739 : i32 to vector<16xi32>
      %rem3A_761 = arith.remsi %gather3A_738, %rem3A_760 : vector<16xi32>
      %ne3A_762 = arith.constant 0 : i32
      %ne3A_763 = vector.broadcast %ne3A_762 : i32 to vector<16xi32>
      %ne3A_764 = arith.cmpi ne, %rem3A_761, %ne3A_763 : vector<16xi32>
      %and3A_765 = arith.andi %ne3A_759, %ne3A_764 : vector<16xi1>
      %sub3A_766 = arith.constant 1 : i32
      %sub3A_767 = vector.broadcast %sub3A_766 : i32 to vector<16xi32>
      %sub3A_768 = arith.subi %div3A_741, %sub3A_767 : vector<16xi32>
      %select_n3A_769 = arith.select %and3A_765, %sub3A_768, %div3A_741 : vector<16xi1>, vector<16xi32>
      %jit3A_770 = arith.constant 0 : i32
      %jit3A_771 = arith.constant 59 : i32
      %max3A_772 = vector.broadcast %jit3A_770 : i32 to vector<16xi32>
      %max3A_773 = arith.maxsi %max3A_772, %select_n3A_769 : vector<16xi32>
      %min3A_774 = vector.broadcast %jit3A_771 : i32 to vector<16xi32>
      %min3A_775 = arith.minsi %min3A_774, %max3A_773 : vector<16xi32>
      %broadcast_in_dim3A_776 = arith.constant 0 : i32
      %broadcast_in_dim3A_777 = vector.broadcast %broadcast_in_dim3A_776 : i32 to vector<16xi32>
      %mul3A_778 = arith.constant 4 : i32
      %mul3A_779 = arith.muli %add3A_614, %mul3A_778 : i32
      %add3A_780 = arith.constant 3 : i32
      %add3A_781 = arith.addi %mul3A_779, %add3A_780 : i32
      %add3A_782 = vector.broadcast %add3A_781 : i32 to vector<16xi32>
      %add3A_783 = arith.addi %broadcast_in_dim3A_777, %add3A_782 : vector<16xi32>
      %gather3A_784 = tpu.vector_load_idx %arg11[%add3A_783] : memref<512xi32, #tpu.memory_space<vmem>>[vector<16xi32>], vector<16xi32>,
      %jit3A_785 = arith.constant 1 : i32
      %div3A_786 = vector.broadcast %jit3A_785 : i32 to vector<16xi32>
      %div3A_787 = arith.divsi %gather3A_784, %div3A_786 : vector<16xi32>
      %sign3A_788 = arith.constant 0 : i32
      %sign3A_789 = vector.broadcast %sign3A_788 : i32 to vector<16xi32>
      %sign3A_790 = arith.cmpi sgt, %gather3A_784, %sign3A_789 : vector<16xi32>
      %sign3A_791 = arith.extui %sign3A_790 : vector<16xi1> to vector<16xi32>
      %sign3A_792 = arith.constant 0 : i32
      %sign3A_793 = vector.broadcast %sign3A_792 : i32 to vector<16xi32>
      %sign3A_794 = arith.cmpi slt, %gather3A_784, %sign3A_793 : vector<16xi32>
      %sign3A_795 = arith.extui %sign3A_794 : vector<16xi1> to vector<16xi32>
      %sign3A_796 = arith.subi %sign3A_791, %sign3A_795 : vector<16xi32>
      %sign3A_797 = arith.constant 0 : i32
      %sign3A_798 = arith.cmpi sgt, %jit3A_785, %sign3A_797 : i32
      %sign3A_799 = arith.extui %sign3A_798 : i1 to i32
      %sign3A_800 = arith.constant 0 : i32
      %sign3A_801 = arith.cmpi slt, %jit3A_785, %sign3A_800 : i32
      %sign3A_802 = arith.extui %sign3A_801 : i1 to i32
      %sign3A_803 = arith.subi %sign3A_799, %sign3A_802 : i32
      %ne3A_804 = vector.broadcast %sign3A_803 : i32 to vector<16xi32>
      %ne3A_805 = arith.cmpi ne, %sign3A_796, %ne3A_804 : vector<16xi32>
      %rem3A_806 = vector.broadcast %jit3A_785 : i32 to vector<16xi32>
      %rem3A_807 = arith.remsi %gather3A_784, %rem3A_806 : vector<16xi32>
      %ne3A_808 = arith.constant 0 : i32
      %ne3A_809 = vector.broadcast %ne3A_808 : i32 to vector<16xi32>
      %ne3A_810 = arith.cmpi ne, %rem3A_807, %ne3A_809 : vector<16xi32>
      %and3A_811 = arith.andi %ne3A_805, %ne3A_810 : vector<16xi1>
      %sub3A_812 = arith.constant 1 : i32
      %sub3A_813 = vector.broadcast %sub3A_812 : i32 to vector<16xi32>
      %sub3A_814 = arith.subi %div3A_787, %sub3A_813 : vector<16xi32>
      %select_n3A_815 = arith.select %and3A_811, %sub3A_814, %div3A_787 : vector<16xi1>, vector<16xi32>
      %jit3A_816 = arith.constant 0 : i32
      %jit3A_817 = arith.constant 59 : i32
      %max3A_818 = vector.broadcast %jit3A_816 : i32 to vector<16xi32>
      %max3A_819 = arith.maxsi %max3A_818, %select_n3A_815 : vector<16xi32>
      %min3A_820 = vector.broadcast %jit3A_817 : i32 to vector<16xi32>
      %min3A_821 = arith.minsi %min3A_820, %max3A_819 : vector<16xi32>
      %broadcast_in_dim3A_822 = arith.constant 0.000000e+00 : f32
      %broadcast_in_dim3A_823 = vector.broadcast %broadcast_in_dim3A_822 : f32 to vector<16xf32>
      %broadcast_in_dim3A_824 = arith.constant 0.000000e+00 : f32
      %broadcast_in_dim3A_825 = vector.broadcast %broadcast_in_dim3A_824 : f32 to vector<16xf32>
      %broadcast_in_dim3A_826 = arith.constant 0.000000e+00 : f32
      %broadcast_in_dim3A_827 = vector.broadcast %broadcast_in_dim3A_826 : f32 to vector<16xf32>
      %broadcast_in_dim3A_828 = arith.constant 0.000000e+00 : f32
      %broadcast_in_dim3A_829 = vector.broadcast %broadcast_in_dim3A_828 : f32 to vector<16xf32>
      %scan3A_830 = arith.constant 0 : i32
      %scan3A_831 = arith.constant 16 : i32
      %scan3A_832 = arith.addi %scan3A_830, %scan3A_831 : i32
      %scan3A_833 = arith.constant 1 : i32
      %scan3A_834:4 = scf.for %scan3A_896 = %scan3A_830 to %scan3A_832 step %scan3A_833 iter_args(%scan3A_897 = %broadcast_in_dim3A_823, %scan3A_898 = %broadcast_in_dim3A_825, %scan3A_899 = %broadcast_in_dim3A_827, %scan3A_900 = %broadcast_in_dim3A_829) -> (vector<16xf32>, vector<16xf32>, vector<16xf32>, vector<16xf32>)  : i32 {
        %mul3A_901 = arith.constant 1 : i32
        %mul3A_902 = arith.muli %scan3A_896, %mul3A_901 : i32
        %add3A_903 = arith.constant 0 : i32
        %add3A_904 = arith.addi %add3A_903, %mul3A_902 : i32
        %mul3A_905 = arith.constant 16 : i32
        %mul3A_906 = arith.muli %add3A_904, %mul3A_905 : i32
        %get3A = arith.index_cast %mul3A_906 : i32 to index
        %get3A_907 = tpu.vector_load %arg13[%get3A] {strides = array<i32>} : memref<256xf32, #tpu.memory_space<vmem>>, vector<16xf32>,
        %jit3A_908 = arith.constant 8 : i32
        %div3A_909 = arith.divsi %add3A_904, %jit3A_908 : i32
        %sign3A_910 = arith.constant 0 : i32
        %sign3A_911 = arith.cmpi sgt, %add3A_904, %sign3A_910 : i32
        %sign3A_912 = arith.extui %sign3A_911 : i1 to i32
        %sign3A_913 = arith.constant 0 : i32
        %sign3A_914 = arith.cmpi slt, %add3A_904, %sign3A_913 : i32
        %sign3A_915 = arith.extui %sign3A_914 : i1 to i32
        %sign3A_916 = arith.subi %sign3A_912, %sign3A_915 : i32
        %sign3A_917 = arith.constant 0 : i32
        %sign3A_918 = arith.cmpi sgt, %jit3A_908, %sign3A_917 : i32
        %sign3A_919 = arith.extui %sign3A_918 : i1 to i32
        %sign3A_920 = arith.constant 0 : i32
        %sign3A_921 = arith.cmpi slt, %jit3A_908, %sign3A_920 : i32
        %sign3A_922 = arith.extui %sign3A_921 : i1 to i32
        %sign3A_923 = arith.subi %sign3A_919, %sign3A_922 : i32
        %ne3A_924 = arith.cmpi ne, %sign3A_916, %sign3A_923 : i32
        %rem3A_925 = arith.remsi %add3A_904, %jit3A_908 : i32
        %ne3A_926 = arith.constant 0 : i32
        %ne3A_927 = arith.cmpi ne, %rem3A_925, %ne3A_926 : i32
        %and3A_928 = arith.andi %ne3A_924, %ne3A_927 : i1
        %sub3A_929 = arith.constant 1 : i32
        %sub3A_930 = arith.subi %div3A_909, %sub3A_929 : i32
        %select_n3A_931 = arith.select %and3A_928, %sub3A_930, %div3A_909 : i32
        %mul3A_932 = arith.constant 104 : i32
        %mul3A_933 = arith.muli %select_n3A_931, %mul3A_932 : i32
        %rem3A_934 = arith.constant 8 : i32
        %rem3A_935 = arith.remsi %add3A_904, %rem3A_934 : i32
        %mul3A_936 = arith.constant 16 : i32
        %mul3A_937 = arith.muli %rem3A_935, %mul3A_936 : i32
        %add3A_938 = arith.constant 0 : i32
        %add3A_939 = arith.addi %mul3A_933, %add3A_938 : i32
        %add3A_940 = arith.constant 0 : i32
        %add3A_941 = arith.addi %add3A_939, %add3A_940 : i32
        %get3A_942 = arith.index_cast %rem3A_616 : i32 to index
        %get3A_943 = arith.index_cast %add3A_941 : i32 to index
        %get3A_944 = arith.index_cast %mul3A_937 : i32 to index
        %get3A_945 = tpu.vector_load %arg15[%get3A_942, %get3A_943, %get3A_944] {strides = array<i32>} : memref<3x208x128xf32, #tpu.memory_space<vmem>>, vector<16xf32>,
        %add3A_946 = arith.constant 0 : i32
        %add3A_947 = arith.addi %mul3A_933, %add3A_946 : i32
        %add3A_948 = arith.constant 1 : i32
        %add3A_949 = arith.addi %add3A_947, %add3A_948 : i32
        %get3A_950 = arith.index_cast %rem3A_616 : i32 to index
        %get3A_951 = arith.index_cast %add3A_949 : i32 to index
        %get3A_952 = arith.index_cast %mul3A_937 : i32 to index
        %get3A_953 = tpu.vector_load %arg15[%get3A_950, %get3A_951, %get3A_952] {strides = array<i32>} : memref<3x208x128xf32, #tpu.memory_space<vmem>>, vector<16xf32>,
        %add3A_954 = arith.constant 0 : i32
        %add3A_955 = arith.addi %mul3A_933, %add3A_954 : i32
        %add3A_956 = arith.constant 2 : i32
        %add3A_957 = arith.addi %add3A_955, %add3A_956 : i32
        %get3A_958 = arith.index_cast %rem3A_616 : i32 to index
        %get3A_959 = arith.index_cast %add3A_957 : i32 to index
        %get3A_960 = arith.index_cast %mul3A_937 : i32 to index
        %get3A_961 = tpu.vector_load %arg15[%get3A_958, %get3A_959, %get3A_960] {strides = array<i32>} : memref<3x208x128xf32, #tpu.memory_space<vmem>>, vector<16xf32>,
        %add3A_962 = arith.constant 0 : i32
        %add3A_963 = arith.addi %mul3A_933, %add3A_962 : i32
        %add3A_964 = arith.constant 3 : i32
        %add3A_965 = arith.addi %add3A_963, %add3A_964 : i32
        %get3A_966 = arith.index_cast %rem3A_616 : i32 to index
        %get3A_967 = arith.index_cast %add3A_965 : i32 to index
        %get3A_968 = arith.index_cast %mul3A_937 : i32 to index
        %get3A_969 = tpu.vector_load %arg15[%get3A_966, %get3A_967, %get3A_968] {strides = array<i32>} : memref<3x208x128xf32, #tpu.memory_space<vmem>>, vector<16xf32>,
        %add3A_970 = arith.constant 0 : i32
        %add3A_971 = arith.addi %mul3A_933, %add3A_970 : i32
        %add3A_972 = arith.constant 4 : i32
        %add3A_973 = arith.addi %add3A_971, %add3A_972 : i32
        %get3A_974 = arith.index_cast %rem3A_616 : i32 to index
        %get3A_975 = arith.index_cast %add3A_973 : i32 to index
        %get3A_976 = arith.index_cast %mul3A_937 : i32 to index
        %get3A_977 = tpu.vector_load %arg15[%get3A_974, %get3A_975, %get3A_976] {strides = array<i32>} : memref<3x208x128xf32, #tpu.memory_space<vmem>>, vector<16xf32>,
        %add3A_978 = arith.addf %get3A_945, %get3A_977 : vector<16xf32>
        %add3A_979 = arith.constant 0 : i32
        %add3A_980 = arith.addi %mul3A_933, %add3A_979 : i32
        %add3A_981 = arith.constant 5 : i32
        %add3A_982 = arith.addi %add3A_980, %add3A_981 : i32
        %get3A_983 = arith.index_cast %rem3A_616 : i32 to index
        %get3A_984 = arith.index_cast %add3A_982 : i32 to index
        %get3A_985 = arith.index_cast %mul3A_937 : i32 to index
        %get3A_986 = tpu.vector_load %arg15[%get3A_983, %get3A_984, %get3A_985] {strides = array<i32>} : memref<3x208x128xf32, #tpu.memory_space<vmem>>, vector<16xf32>,
        %add3A_987 = arith.addf %get3A_953, %get3A_986 : vector<16xf32>
        %add3A_988 = arith.constant 0 : i32
        %add3A_989 = arith.addi %mul3A_933, %add3A_988 : i32
        %add3A_990 = arith.constant 6 : i32
        %add3A_991 = arith.addi %add3A_989, %add3A_990 : i32
        %get3A_992 = arith.index_cast %rem3A_616 : i32 to index
        %get3A_993 = arith.index_cast %add3A_991 : i32 to index
        %get3A_994 = arith.index_cast %mul3A_937 : i32 to index
        %get3A_995 = tpu.vector_load %arg15[%get3A_992, %get3A_993, %get3A_994] {strides = array<i32>} : memref<3x208x128xf32, #tpu.memory_space<vmem>>, vector<16xf32>,
        %add3A_996 = arith.addf %get3A_961, %get3A_995 : vector<16xf32>
        %add3A_997 = arith.constant 0 : i32
        %add3A_998 = arith.addi %mul3A_933, %add3A_997 : i32
        %add3A_999 = arith.constant 7 : i32
        %add3A_1000 = arith.addi %add3A_998, %add3A_999 : i32
        %get3A_1001 = arith.index_cast %rem3A_616 : i32 to index
        %get3A_1002 = arith.index_cast %add3A_1000 : i32 to index
        %get3A_1003 = arith.index_cast %mul3A_937 : i32 to index
        %get3A_1004 = tpu.vector_load %arg15[%get3A_1001, %get3A_1002, %get3A_1003] {strides = array<i32>} : memref<3x208x128xf32, #tpu.memory_space<vmem>>, vector<16xf32>,
        %add3A_1005 = arith.addf %get3A_969, %get3A_1004 : vector<16xf32>
        %add3A_1006 = arith.constant 0 : i32
        %add3A_1007 = arith.addi %mul3A_933, %add3A_1006 : i32
        %add3A_1008 = arith.constant 8 : i32
        %add3A_1009 = arith.addi %add3A_1007, %add3A_1008 : i32
        %get3A_1010 = arith.index_cast %rem3A_616 : i32 to index
        %get3A_1011 = arith.index_cast %add3A_1009 : i32 to index
        %get3A_1012 = arith.index_cast %mul3A_937 : i32 to index
        %get3A_1013 = tpu.vector_load %arg15[%get3A_1010, %get3A_1011, %get3A_1012] {strides = array<i32>} : memref<3x208x128xf32, #tpu.memory_space<vmem>>, vector<16xf32>,
        %add3A_1014 = arith.addf %add3A_978, %get3A_1013 : vector<16xf32>
        %add3A_1015 = arith.constant 0 : i32
        %add3A_1016 = arith.addi %mul3A_933, %add3A_1015 : i32
        %add3A_1017 = arith.constant 9 : i32
        %add3A_1018 = arith.addi %add3A_1016, %add3A_1017 : i32
        %get3A_1019 = arith.index_cast %rem3A_616 : i32 to index
        %get3A_1020 = arith.index_cast %add3A_1018 : i32 to index
        %get3A_1021 = arith.index_cast %mul3A_937 : i32 to index
        %get3A_1022 = tpu.vector_load %arg15[%get3A_1019, %get3A_1020, %get3A_1021] {strides = array<i32>} : memref<3x208x128xf32, #tpu.memory_space<vmem>>, vector<16xf32>,
        %add3A_1023 = arith.addf %add3A_987, %get3A_1022 : vector<16xf32>
        %add3A_1024 = arith.constant 0 : i32
        %add3A_1025 = arith.addi %mul3A_933, %add3A_1024 : i32
        %add3A_1026 = arith.constant 10 : i32
        %add3A_1027 = arith.addi %add3A_1025, %add3A_1026 : i32
        %get3A_1028 = arith.index_cast %rem3A_616 : i32 to index
        %get3A_1029 = arith.index_cast %add3A_1027 : i32 to index
        %get3A_1030 = arith.index_cast %mul3A_937 : i32 to index
        %get3A_1031 = tpu.vector_load %arg15[%get3A_1028, %get3A_1029, %get3A_1030] {strides = array<i32>} : memref<3x208x128xf32, #tpu.memory_space<vmem>>, vector<16xf32>,
        %add3A_1032 = arith.addf %add3A_996, %get3A_1031 : vector<16xf32>
        %add3A_1033 = arith.constant 0 : i32
        %add3A_1034 = arith.addi %mul3A_933, %add3A_1033 : i32
        %add3A_1035 = arith.constant 11 : i32
        %add3A_1036 = arith.addi %add3A_1034, %add3A_1035 : i32
        %get3A_1037 = arith.index_cast %rem3A_616 : i32 to index
        %get3A_1038 = arith.index_cast %add3A_1036 : i32 to index
        %get3A_1039 = arith.index_cast %mul3A_937 : i32 to index
        %get3A_1040 = tpu.vector_load %arg15[%get3A_1037, %get3A_1038, %get3A_1039] {strides = array<i32>} : memref<3x208x128xf32, #tpu.memory_space<vmem>>, vector<16xf32>,
        %add3A_1041 = arith.addf %add3A_1005, %get3A_1040 : vector<16xf32>
        %add3A_1042 = arith.constant 0 : i32
        %add3A_1043 = arith.addi %mul3A_933, %add3A_1042 : i32
        %add3A_1044 = arith.constant 12 : i32
        %add3A_1045 = arith.addi %add3A_1043, %add3A_1044 : i32
        %get3A_1046 = arith.index_cast %rem3A_616 : i32 to index
        %get3A_1047 = arith.index_cast %add3A_1045 : i32 to index
        %get3A_1048 = arith.index_cast %mul3A_937 : i32 to index
        %get3A_1049 = tpu.vector_load %arg15[%get3A_1046, %get3A_1047, %get3A_1048] {strides = array<i32>} : memref<3x208x128xf32, #tpu.memory_space<vmem>>, vector<16xf32>,
        %add3A_1050 = arith.addf %add3A_1014, %get3A_1049 : vector<16xf32>
        %add3A_1051 = arith.constant 0 : i32
        %add3A_1052 = arith.addi %mul3A_933, %add3A_1051 : i32
        %add3A_1053 = arith.constant 13 : i32
        %add3A_1054 = arith.addi %add3A_1052, %add3A_1053 : i32
        %get3A_1055 = arith.index_cast %rem3A_616 : i32 to index
        %get3A_1056 = arith.index_cast %add3A_1054 : i32 to index
        %get3A_1057 = arith.index_cast %mul3A_937 : i32 to index
        %get3A_1058 = tpu.vector_load %arg15[%get3A_1055, %get3A_1056, %get3A_1057] {strides = array<i32>} : memref<3x208x128xf32, #tpu.memory_space<vmem>>, vector<16xf32>,
        %add3A_1059 = arith.addf %add3A_1023, %get3A_1058 : vector<16xf32>
        %add3A_1060 = arith.constant 0 : i32
        %add3A_1061 = arith.addi %mul3A_933, %add3A_1060 : i32
        %add3A_1062 = arith.constant 14 : i32
        %add3A_1063 = arith.addi %add3A_1061, %add3A_1062 : i32
        %get3A_1064 = arith.index_cast %rem3A_616 : i32 to index
        %get3A_1065 = arith.index_cast %add3A_1063 : i32 to index
        %get3A_1066 = arith.index_cast %mul3A_937 : i32 to index
        %get3A_1067 = tpu.vector_load %arg15[%get3A_1064, %get3A_1065, %get3A_1066] {strides = array<i32>} : memref<3x208x128xf32, #tpu.memory_space<vmem>>, vector<16xf32>,
        %add3A_1068 = arith.addf %add3A_1032, %get3A_1067 : vector<16xf32>
        %add3A_1069 = arith.constant 0 : i32
        %add3A_1070 = arith.addi %mul3A_933, %add3A_1069 : i32
        %add3A_1071 = arith.constant 15 : i32
        %add3A_1072 = arith.addi %add3A_1070, %add3A_1071 : i32
        %get3A_1073 = arith.index_cast %rem3A_616 : i32 to index
        %get3A_1074 = arith.index_cast %add3A_1072 : i32 to index
        %get3A_1075 = arith.index_cast %mul3A_937 : i32 to index
        %get3A_1076 = tpu.vector_load %arg15[%get3A_1073, %get3A_1074, %get3A_1075] {strides = array<i32>} : memref<3x208x128xf32, #tpu.memory_space<vmem>>, vector<16xf32>,
        %add3A_1077 = arith.addf %add3A_1041, %get3A_1076 : vector<16xf32>
        %add3A_1078 = arith.constant 0 : i32
        %add3A_1079 = arith.addi %mul3A_933, %add3A_1078 : i32
        %add3A_1080 = arith.constant 16 : i32
        %add3A_1081 = arith.addi %add3A_1079, %add3A_1080 : i32
        %get3A_1082 = arith.index_cast %rem3A_616 : i32 to index
        %get3A_1083 = arith.index_cast %add3A_1081 : i32 to index
        %get3A_1084 = arith.index_cast %mul3A_937 : i32 to index
        %get3A_1085 = tpu.vector_load %arg15[%get3A_1082, %get3A_1083, %get3A_1084] {strides = array<i32>} : memref<3x208x128xf32, #tpu.memory_space<vmem>>, vector<16xf32>,
        %add3A_1086 = arith.addf %add3A_1050, %get3A_1085 : vector<16xf32>
        %add3A_1087 = arith.constant 0 : i32
        %add3A_1088 = arith.addi %mul3A_933, %add3A_1087 : i32
        %add3A_1089 = arith.constant 17 : i32
        %add3A_1090 = arith.addi %add3A_1088, %add3A_1089 : i32
        %get3A_1091 = arith.index_cast %rem3A_616 : i32 to index
        %get3A_1092 = arith.index_cast %add3A_1090 : i32 to index
        %get3A_1093 = arith.index_cast %mul3A_937 : i32 to index
        %get3A_1094 = tpu.vector_load %arg15[%get3A_1091, %get3A_1092, %get3A_1093] {strides = array<i32>} : memref<3x208x128xf32, #tpu.memory_space<vmem>>, vector<16xf32>,
        %add3A_1095 = arith.addf %add3A_1059, %get3A_1094 : vector<16xf32>
        %add3A_1096 = arith.constant 0 : i32
        %add3A_1097 = arith.addi %mul3A_933, %add3A_1096 : i32
        %add3A_1098 = arith.constant 18 : i32
        %add3A_1099 = arith.addi %add3A_1097, %add3A_1098 : i32
        %get3A_1100 = arith.index_cast %rem3A_616 : i32 to index
        %get3A_1101 = arith.index_cast %add3A_1099 : i32 to index
        %get3A_1102 = arith.index_cast %mul3A_937 : i32 to index
        %get3A_1103 = tpu.vector_load %arg15[%get3A_1100, %get3A_1101, %get3A_1102] {strides = array<i32>} : memref<3x208x128xf32, #tpu.memory_space<vmem>>, vector<16xf32>,
        %add3A_1104 = arith.addf %add3A_1068, %get3A_1103 : vector<16xf32>
        %add3A_1105 = arith.constant 0 : i32
        %add3A_1106 = arith.addi %mul3A_933, %add3A_1105 : i32
        %add3A_1107 = arith.constant 19 : i32
        %add3A_1108 = arith.addi %add3A_1106, %add3A_1107 : i32
        %get3A_1109 = arith.index_cast %rem3A_616 : i32 to index
        %get3A_1110 = arith.index_cast %add3A_1108 : i32 to index
        %get3A_1111 = arith.index_cast %mul3A_937 : i32 to index
        %get3A_1112 = tpu.vector_load %arg15[%get3A_1109, %get3A_1110, %get3A_1111] {strides = array<i32>} : memref<3x208x128xf32, #tpu.memory_space<vmem>>, vector<16xf32>,
        %add3A_1113 = arith.addf %add3A_1077, %get3A_1112 : vector<16xf32>
        %add3A_1114 = arith.constant 0 : i32
        %add3A_1115 = arith.addi %mul3A_933, %add3A_1114 : i32
        %add3A_1116 = arith.constant 20 : i32
        %add3A_1117 = arith.addi %add3A_1115, %add3A_1116 : i32
        %get3A_1118 = arith.index_cast %rem3A_616 : i32 to index
        %get3A_1119 = arith.index_cast %add3A_1117 : i32 to index
        %get3A_1120 = arith.index_cast %mul3A_937 : i32 to index
        %get3A_1121 = tpu.vector_load %arg15[%get3A_1118, %get3A_1119, %get3A_1120] {strides = array<i32>} : memref<3x208x128xf32, #tpu.memory_space<vmem>>, vector<16xf32>,
        %add3A_1122 = arith.addf %add3A_1086, %get3A_1121 : vector<16xf32>
        %add3A_1123 = arith.constant 0 : i32
        %add3A_1124 = arith.addi %mul3A_933, %add3A_1123 : i32
        %add3A_1125 = arith.constant 21 : i32
        %add3A_1126 = arith.addi %add3A_1124, %add3A_1125 : i32
        %get3A_1127 = arith.index_cast %rem3A_616 : i32 to index
        %get3A_1128 = arith.index_cast %add3A_1126 : i32 to index
        %get3A_1129 = arith.index_cast %mul3A_937 : i32 to index
        %get3A_1130 = tpu.vector_load %arg15[%get3A_1127, %get3A_1128, %get3A_1129] {strides = array<i32>} : memref<3x208x128xf32, #tpu.memory_space<vmem>>, vector<16xf32>,
        %add3A_1131 = arith.addf %add3A_1095, %get3A_1130 : vector<16xf32>
        %add3A_1132 = arith.constant 0 : i32
        %add3A_1133 = arith.addi %mul3A_933, %add3A_1132 : i32
        %add3A_1134 = arith.constant 22 : i32
        %add3A_1135 = arith.addi %add3A_1133, %add3A_1134 : i32
        %get3A_1136 = arith.index_cast %rem3A_616 : i32 to index
        %get3A_1137 = arith.index_cast %add3A_1135 : i32 to index
        %get3A_1138 = arith.index_cast %mul3A_937 : i32 to index
        %get3A_1139 = tpu.vector_load %arg15[%get3A_1136, %get3A_1137, %get3A_1138] {strides = array<i32>} : memref<3x208x128xf32, #tpu.memory_space<vmem>>, vector<16xf32>,
        %add3A_1140 = arith.addf %add3A_1104, %get3A_1139 : vector<16xf32>
        %add3A_1141 = arith.constant 0 : i32
        %add3A_1142 = arith.addi %mul3A_933, %add3A_1141 : i32
        %add3A_1143 = arith.constant 23 : i32
        %add3A_1144 = arith.addi %add3A_1142, %add3A_1143 : i32
        %get3A_1145 = arith.index_cast %rem3A_616 : i32 to index
        %get3A_1146 = arith.index_cast %add3A_1144 : i32 to index
        %get3A_1147 = arith.index_cast %mul3A_937 : i32 to index
        %get3A_1148 = tpu.vector_load %arg15[%get3A_1145, %get3A_1146, %get3A_1147] {strides = array<i32>} : memref<3x208x128xf32, #tpu.memory_space<vmem>>, vector<16xf32>,
        %add3A_1149 = arith.addf %add3A_1113, %get3A_1148 : vector<16xf32>
        %add3A_1150 = arith.constant 0 : i32
        %add3A_1151 = arith.addi %mul3A_933, %add3A_1150 : i32
        %add3A_1152 = arith.constant 24 : i32
        %add3A_1153 = arith.addi %add3A_1151, %add3A_1152 : i32
        %get3A_1154 = arith.index_cast %rem3A_616 : i32 to index
        %get3A_1155 = arith.index_cast %add3A_1153 : i32 to index
        %get3A_1156 = arith.index_cast %mul3A_937 : i32 to index
        %get3A_1157 = tpu.vector_load %arg15[%get3A_1154, %get3A_1155, %get3A_1156] {strides = array<i32>} : memref<3x208x128xf32, #tpu.memory_space<vmem>>, vector<16xf32>,
        %add3A_1158 = arith.addf %add3A_1122, %get3A_1157 : vector<16xf32>
        %add3A_1159 = arith.constant 0 : i32
        %add3A_1160 = arith.addi %mul3A_933, %add3A_1159 : i32
        %add3A_1161 = arith.constant 25 : i32
        %add3A_1162 = arith.addi %add3A_1160, %add3A_1161 : i32
        %get3A_1163 = arith.index_cast %rem3A_616 : i32 to index
        %get3A_1164 = arith.index_cast %add3A_1162 : i32 to index
        %get3A_1165 = arith.index_cast %mul3A_937 : i32 to index
        %get3A_1166 = tpu.vector_load %arg15[%get3A_1163, %get3A_1164, %get3A_1165] {strides = array<i32>} : memref<3x208x128xf32, #tpu.memory_space<vmem>>, vector<16xf32>,
        %add3A_1167 = arith.addf %add3A_1131, %get3A_1166 : vector<16xf32>
        %add3A_1168 = arith.addf %add3A_1158, %add3A_1167 : vector<16xf32>
        %add3A_1169 = arith.addf %add3A_1140, %add3A_1149 : vector<16xf32>
        %add3A_1170 = arith.addf %add3A_1168, %add3A_1169 : vector<16xf32>
        %add3A_1171 = arith.addf %add3A_1170, %get3A_907 : vector<16xf32>
        %jit3A_1172 = arith.constant 0.000000e+00 : f32
        %jit3A_1173 = arith.constant 1.000000e+00 : f32
        %max3A_1174 = vector.broadcast %jit3A_1172 : f32 to vector<16xf32>
        %max3A_1175 = arith.maximumf %max3A_1174, %add3A_1171 : vector<16xf32>
        %min3A_1176 = vector.broadcast %jit3A_1173 : f32 to vector<16xf32>
        %min3A_1177 = arith.minimumf %min3A_1176, %max3A_1175 : vector<16xf32>
        %mul3A_1178 = arith.mulf %min3A_1177, %min3A_1177 : vector<16xf32>
        %mul3A_1179 = arith.constant 0.99609375 : f32
        %mul3A_1180 = vector.broadcast %mul3A_1179 : f32 to vector<16xf32>
        %mul3A_1181 = arith.mulf %mul3A_1178, %mul3A_1180 : vector<16xf32>
        %mul3A_1182 = arith.constant 256 : i32
        %mul3A_1183 = vector.broadcast %mul3A_1182 : i32 to vector<16xi32>
        %mul3A_1184 = arith.muli %min3A_683, %mul3A_1183 : vector<16xi32>
        %mul3A_1185 = arith.constant 16 : i32
        %mul3A_1186 = arith.muli %add3A_904, %mul3A_1185 : i32
        %add3A_1187 = vector.broadcast %mul3A_1186 : i32 to vector<16xi32>
        %add3A_1188 = arith.addi %add3A_1187, %iota3A : vector<16xi32>
        %add3A_1189 = arith.addi %mul3A_1184, %add3A_1188 : vector<16xi32>
        %gather3A_1190 = tpu.vector_load_idx %arg12[%add3A_1189] : memref<15360xf32, #tpu.memory_space<vmem>>[vector<16xi32>], vector<16xf32>,
        %mul3A_1191 = arith.mulf %mul3A_1181, %gather3A_1190 : vector<16xf32>
        %add3A_1192 = arith.addf %scan3A_897, %mul3A_1191 : vector<16xf32>
        %add3A_1193 = arith.constant 26 : i32
        %add3A_1194 = arith.addi %mul3A_933, %add3A_1193 : i32
        %add3A_1195 = arith.constant 0 : i32
        %add3A_1196 = arith.addi %add3A_1194, %add3A_1195 : i32
        %get3A_1197 = arith.index_cast %rem3A_616 : i32 to index
        %get3A_1198 = arith.index_cast %add3A_1196 : i32 to index
        %get3A_1199 = arith.index_cast %mul3A_937 : i32 to index
        %get3A_1200 = tpu.vector_load %arg15[%get3A_1197, %get3A_1198, %get3A_1199] {strides = array<i32>} : memref<3x208x128xf32, #tpu.memory_space<vmem>>, vector<16xf32>,
        %add3A_1201 = arith.constant 26 : i32
        %add3A_1202 = arith.addi %mul3A_933, %add3A_1201 : i32
        %add3A_1203 = arith.constant 1 : i32
        %add3A_1204 = arith.addi %add3A_1202, %add3A_1203 : i32
        %get3A_1205 = arith.index_cast %rem3A_616 : i32 to index
        %get3A_1206 = arith.index_cast %add3A_1204 : i32 to index
        %get3A_1207 = arith.index_cast %mul3A_937 : i32 to index
        %get3A_1208 = tpu.vector_load %arg15[%get3A_1205, %get3A_1206, %get3A_1207] {strides = array<i32>} : memref<3x208x128xf32, #tpu.memory_space<vmem>>, vector<16xf32>,
        %add3A_1209 = arith.constant 26 : i32
        %add3A_1210 = arith.addi %mul3A_933, %add3A_1209 : i32
        %add3A_1211 = arith.constant 2 : i32
        %add3A_1212 = arith.addi %add3A_1210, %add3A_1211 : i32
        %get3A_1213 = arith.index_cast %rem3A_616 : i32 to index
        %get3A_1214 = arith.index_cast %add3A_1212 : i32 to index
        %get3A_1215 = arith.index_cast %mul3A_937 : i32 to index
        %get3A_1216 = tpu.vector_load %arg15[%get3A_1213, %get3A_1214, %get3A_1215] {strides = array<i32>} : memref<3x208x128xf32, #tpu.memory_space<vmem>>, vector<16xf32>,
        %add3A_1217 = arith.constant 26 : i32
        %add3A_1218 = arith.addi %mul3A_933, %add3A_1217 : i32
        %add3A_1219 = arith.constant 3 : i32
        %add3A_1220 = arith.addi %add3A_1218, %add3A_1219 : i32
        %get3A_1221 = arith.index_cast %rem3A_616 : i32 to index
        %get3A_1222 = arith.index_cast %add3A_1220 : i32 to index
        %get3A_1223 = arith.index_cast %mul3A_937 : i32 to index
        %get3A_1224 = tpu.vector_load %arg15[%get3A_1221, %get3A_1222, %get3A_1223] {strides = array<i32>} : memref<3x208x128xf32, #tpu.memory_space<vmem>>, vector<16xf32>,
        %add3A_1225 = arith.constant 26 : i32
        %add3A_1226 = arith.addi %mul3A_933, %add3A_1225 : i32
        %add3A_1227 = arith.constant 4 : i32
        %add3A_1228 = arith.addi %add3A_1226, %add3A_1227 : i32
        %get3A_1229 = arith.index_cast %rem3A_616 : i32 to index
        %get3A_1230 = arith.index_cast %add3A_1228 : i32 to index
        %get3A_1231 = arith.index_cast %mul3A_937 : i32 to index
        %get3A_1232 = tpu.vector_load %arg15[%get3A_1229, %get3A_1230, %get3A_1231] {strides = array<i32>} : memref<3x208x128xf32, #tpu.memory_space<vmem>>, vector<16xf32>,
        %add3A_1233 = arith.addf %get3A_1200, %get3A_1232 : vector<16xf32>
        %add3A_1234 = arith.constant 26 : i32
        %add3A_1235 = arith.addi %mul3A_933, %add3A_1234 : i32
        %add3A_1236 = arith.constant 5 : i32
        %add3A_1237 = arith.addi %add3A_1235, %add3A_1236 : i32
        %get3A_1238 = arith.index_cast %rem3A_616 : i32 to index
        %get3A_1239 = arith.index_cast %add3A_1237 : i32 to index
        %get3A_1240 = arith.index_cast %mul3A_937 : i32 to index
        %get3A_1241 = tpu.vector_load %arg15[%get3A_1238, %get3A_1239, %get3A_1240] {strides = array<i32>} : memref<3x208x128xf32, #tpu.memory_space<vmem>>, vector<16xf32>,
        %add3A_1242 = arith.addf %get3A_1208, %get3A_1241 : vector<16xf32>
        %add3A_1243 = arith.constant 26 : i32
        %add3A_1244 = arith.addi %mul3A_933, %add3A_1243 : i32
        %add3A_1245 = arith.constant 6 : i32
        %add3A_1246 = arith.addi %add3A_1244, %add3A_1245 : i32
        %get3A_1247 = arith.index_cast %rem3A_616 : i32 to index
        %get3A_1248 = arith.index_cast %add3A_1246 : i32 to index
        %get3A_1249 = arith.index_cast %mul3A_937 : i32 to index
        %get3A_1250 = tpu.vector_load %arg15[%get3A_1247, %get3A_1248, %get3A_1249] {strides = array<i32>} : memref<3x208x128xf32, #tpu.memory_space<vmem>>, vector<16xf32>,
        %add3A_1251 = arith.addf %get3A_1216, %get3A_1250 : vector<16xf32>
        %add3A_1252 = arith.constant 26 : i32
        %add3A_1253 = arith.addi %mul3A_933, %add3A_1252 : i32
        %add3A_1254 = arith.constant 7 : i32
        %add3A_1255 = arith.addi %add3A_1253, %add3A_1254 : i32
        %get3A_1256 = arith.index_cast %rem3A_616 : i32 to index
        %get3A_1257 = arith.index_cast %add3A_1255 : i32 to index
        %get3A_1258 = arith.index_cast %mul3A_937 : i32 to index
        %get3A_1259 = tpu.vector_load %arg15[%get3A_1256, %get3A_1257, %get3A_1258] {strides = array<i32>} : memref<3x208x128xf32, #tpu.memory_space<vmem>>, vector<16xf32>,
        %add3A_1260 = arith.addf %get3A_1224, %get3A_1259 : vector<16xf32>
        %add3A_1261 = arith.constant 26 : i32
        %add3A_1262 = arith.addi %mul3A_933, %add3A_1261 : i32
        %add3A_1263 = arith.constant 8 : i32
        %add3A_1264 = arith.addi %add3A_1262, %add3A_1263 : i32
        %get3A_1265 = arith.index_cast %rem3A_616 : i32 to index
        %get3A_1266 = arith.index_cast %add3A_1264 : i32 to index
        %get3A_1267 = arith.index_cast %mul3A_937 : i32 to index
        %get3A_1268 = tpu.vector_load %arg15[%get3A_1265, %get3A_1266, %get3A_1267] {strides = array<i32>} : memref<3x208x128xf32, #tpu.memory_space<vmem>>, vector<16xf32>,
        %add3A_1269 = arith.addf %add3A_1233, %get3A_1268 : vector<16xf32>
        %add3A_1270 = arith.constant 26 : i32
        %add3A_1271 = arith.addi %mul3A_933, %add3A_1270 : i32
        %add3A_1272 = arith.constant 9 : i32
        %add3A_1273 = arith.addi %add3A_1271, %add3A_1272 : i32
        %get3A_1274 = arith.index_cast %rem3A_616 : i32 to index
        %get3A_1275 = arith.index_cast %add3A_1273 : i32 to index
        %get3A_1276 = arith.index_cast %mul3A_937 : i32 to index
        %get3A_1277 = tpu.vector_load %arg15[%get3A_1274, %get3A_1275, %get3A_1276] {strides = array<i32>} : memref<3x208x128xf32, #tpu.memory_space<vmem>>, vector<16xf32>,
        %add3A_1278 = arith.addf %add3A_1242, %get3A_1277 : vector<16xf32>
        %add3A_1279 = arith.constant 26 : i32
        %add3A_1280 = arith.addi %mul3A_933, %add3A_1279 : i32
        %add3A_1281 = arith.constant 10 : i32
        %add3A_1282 = arith.addi %add3A_1280, %add3A_1281 : i32
        %get3A_1283 = arith.index_cast %rem3A_616 : i32 to index
        %get3A_1284 = arith.index_cast %add3A_1282 : i32 to index
        %get3A_1285 = arith.index_cast %mul3A_937 : i32 to index
        %get3A_1286 = tpu.vector_load %arg15[%get3A_1283, %get3A_1284, %get3A_1285] {strides = array<i32>} : memref<3x208x128xf32, #tpu.memory_space<vmem>>, vector<16xf32>,
        %add3A_1287 = arith.addf %add3A_1251, %get3A_1286 : vector<16xf32>
        %add3A_1288 = arith.constant 26 : i32
        %add3A_1289 = arith.addi %mul3A_933, %add3A_1288 : i32
        %add3A_1290 = arith.constant 11 : i32
        %add3A_1291 = arith.addi %add3A_1289, %add3A_1290 : i32
        %get3A_1292 = arith.index_cast %rem3A_616 : i32 to index
        %get3A_1293 = arith.index_cast %add3A_1291 : i32 to index
        %get3A_1294 = arith.index_cast %mul3A_937 : i32 to index
        %get3A_1295 = tpu.vector_load %arg15[%get3A_1292, %get3A_1293, %get3A_1294] {strides = array<i32>} : memref<3x208x128xf32, #tpu.memory_space<vmem>>, vector<16xf32>,
        %add3A_1296 = arith.addf %add3A_1260, %get3A_1295 : vector<16xf32>
        %add3A_1297 = arith.constant 26 : i32
        %add3A_1298 = arith.addi %mul3A_933, %add3A_1297 : i32
        %add3A_1299 = arith.constant 12 : i32
        %add3A_1300 = arith.addi %add3A_1298, %add3A_1299 : i32
        %get3A_1301 = arith.index_cast %rem3A_616 : i32 to index
        %get3A_1302 = arith.index_cast %add3A_1300 : i32 to index
        %get3A_1303 = arith.index_cast %mul3A_937 : i32 to index
        %get3A_1304 = tpu.vector_load %arg15[%get3A_1301, %get3A_1302, %get3A_1303] {strides = array<i32>} : memref<3x208x128xf32, #tpu.memory_space<vmem>>, vector<16xf32>,
        %add3A_1305 = arith.addf %add3A_1269, %get3A_1304 : vector<16xf32>
        %add3A_1306 = arith.constant 26 : i32
        %add3A_1307 = arith.addi %mul3A_933, %add3A_1306 : i32
        %add3A_1308 = arith.constant 13 : i32
        %add3A_1309 = arith.addi %add3A_1307, %add3A_1308 : i32
        %get3A_1310 = arith.index_cast %rem3A_616 : i32 to index
        %get3A_1311 = arith.index_cast %add3A_1309 : i32 to index
        %get3A_1312 = arith.index_cast %mul3A_937 : i32 to index
        %get3A_1313 = tpu.vector_load %arg15[%get3A_1310, %get3A_1311, %get3A_1312] {strides = array<i32>} : memref<3x208x128xf32, #tpu.memory_space<vmem>>, vector<16xf32>,
        %add3A_1314 = arith.addf %add3A_1278, %get3A_1313 : vector<16xf32>
        %add3A_1315 = arith.constant 26 : i32
        %add3A_1316 = arith.addi %mul3A_933, %add3A_1315 : i32
        %add3A_1317 = arith.constant 14 : i32
        %add3A_1318 = arith.addi %add3A_1316, %add3A_1317 : i32
        %get3A_1319 = arith.index_cast %rem3A_616 : i32 to index
        %get3A_1320 = arith.index_cast %add3A_1318 : i32 to index
        %get3A_1321 = arith.index_cast %mul3A_937 : i32 to index
        %get3A_1322 = tpu.vector_load %arg15[%get3A_1319, %get3A_1320, %get3A_1321] {strides = array<i32>} : memref<3x208x128xf32, #tpu.memory_space<vmem>>, vector<16xf32>,
        %add3A_1323 = arith.addf %add3A_1287, %get3A_1322 : vector<16xf32>
        %add3A_1324 = arith.constant 26 : i32
        %add3A_1325 = arith.addi %mul3A_933, %add3A_1324 : i32
        %add3A_1326 = arith.constant 15 : i32
        %add3A_1327 = arith.addi %add3A_1325, %add3A_1326 : i32
        %get3A_1328 = arith.index_cast %rem3A_616 : i32 to index
        %get3A_1329 = arith.index_cast %add3A_1327 : i32 to index
        %get3A_1330 = arith.index_cast %mul3A_937 : i32 to index
        %get3A_1331 = tpu.vector_load %arg15[%get3A_1328, %get3A_1329, %get3A_1330] {strides = array<i32>} : memref<3x208x128xf32, #tpu.memory_space<vmem>>, vector<16xf32>,
        %add3A_1332 = arith.addf %add3A_1296, %get3A_1331 : vector<16xf32>
        %add3A_1333 = arith.constant 26 : i32
        %add3A_1334 = arith.addi %mul3A_933, %add3A_1333 : i32
        %add3A_1335 = arith.constant 16 : i32
        %add3A_1336 = arith.addi %add3A_1334, %add3A_1335 : i32
        %get3A_1337 = arith.index_cast %rem3A_616 : i32 to index
        %get3A_1338 = arith.index_cast %add3A_1336 : i32 to index
        %get3A_1339 = arith.index_cast %mul3A_937 : i32 to index
        %get3A_1340 = tpu.vector_load %arg15[%get3A_1337, %get3A_1338, %get3A_1339] {strides = array<i32>} : memref<3x208x128xf32, #tpu.memory_space<vmem>>, vector<16xf32>,
        %add3A_1341 = arith.addf %add3A_1305, %get3A_1340 : vector<16xf32>
        %add3A_1342 = arith.constant 26 : i32
        %add3A_1343 = arith.addi %mul3A_933, %add3A_1342 : i32
        %add3A_1344 = arith.constant 17 : i32
        %add3A_1345 = arith.addi %add3A_1343, %add3A_1344 : i32
        %get3A_1346 = arith.index_cast %rem3A_616 : i32 to index
        %get3A_1347 = arith.index_cast %add3A_1345 : i32 to index
        %get3A_1348 = arith.index_cast %mul3A_937 : i32 to index
        %get3A_1349 = tpu.vector_load %arg15[%get3A_1346, %get3A_1347, %get3A_1348] {strides = array<i32>} : memref<3x208x128xf32, #tpu.memory_space<vmem>>, vector<16xf32>,
        %add3A_1350 = arith.addf %add3A_1314, %get3A_1349 : vector<16xf32>
        %add3A_1351 = arith.constant 26 : i32
        %add3A_1352 = arith.addi %mul3A_933, %add3A_1351 : i32
        %add3A_1353 = arith.constant 18 : i32
        %add3A_1354 = arith.addi %add3A_1352, %add3A_1353 : i32
        %get3A_1355 = arith.index_cast %rem3A_616 : i32 to index
        %get3A_1356 = arith.index_cast %add3A_1354 : i32 to index
        %get3A_1357 = arith.index_cast %mul3A_937 : i32 to index
        %get3A_1358 = tpu.vector_load %arg15[%get3A_1355, %get3A_1356, %get3A_1357] {strides = array<i32>} : memref<3x208x128xf32, #tpu.memory_space<vmem>>, vector<16xf32>,
        %add3A_1359 = arith.addf %add3A_1323, %get3A_1358 : vector<16xf32>
        %add3A_1360 = arith.constant 26 : i32
        %add3A_1361 = arith.addi %mul3A_933, %add3A_1360 : i32
        %add3A_1362 = arith.constant 19 : i32
        %add3A_1363 = arith.addi %add3A_1361, %add3A_1362 : i32
        %get3A_1364 = arith.index_cast %rem3A_616 : i32 to index
        %get3A_1365 = arith.index_cast %add3A_1363 : i32 to index
        %get3A_1366 = arith.index_cast %mul3A_937 : i32 to index
        %get3A_1367 = tpu.vector_load %arg15[%get3A_1364, %get3A_1365, %get3A_1366] {strides = array<i32>} : memref<3x208x128xf32, #tpu.memory_space<vmem>>, vector<16xf32>,
        %add3A_1368 = arith.addf %add3A_1332, %get3A_1367 : vector<16xf32>
        %add3A_1369 = arith.constant 26 : i32
        %add3A_1370 = arith.addi %mul3A_933, %add3A_1369 : i32
        %add3A_1371 = arith.constant 20 : i32
        %add3A_1372 = arith.addi %add3A_1370, %add3A_1371 : i32
        %get3A_1373 = arith.index_cast %rem3A_616 : i32 to index
        %get3A_1374 = arith.index_cast %add3A_1372 : i32 to index
        %get3A_1375 = arith.index_cast %mul3A_937 : i32 to index
        %get3A_1376 = tpu.vector_load %arg15[%get3A_1373, %get3A_1374, %get3A_1375] {strides = array<i32>} : memref<3x208x128xf32, #tpu.memory_space<vmem>>, vector<16xf32>,
        %add3A_1377 = arith.addf %add3A_1341, %get3A_1376 : vector<16xf32>
        %add3A_1378 = arith.constant 26 : i32
        %add3A_1379 = arith.addi %mul3A_933, %add3A_1378 : i32
        %add3A_1380 = arith.constant 21 : i32
        %add3A_1381 = arith.addi %add3A_1379, %add3A_1380 : i32
        %get3A_1382 = arith.index_cast %rem3A_616 : i32 to index
        %get3A_1383 = arith.index_cast %add3A_1381 : i32 to index
        %get3A_1384 = arith.index_cast %mul3A_937 : i32 to index
        %get3A_1385 = tpu.vector_load %arg15[%get3A_1382, %get3A_1383, %get3A_1384] {strides = array<i32>} : memref<3x208x128xf32, #tpu.memory_space<vmem>>, vector<16xf32>,
        %add3A_1386 = arith.addf %add3A_1350, %get3A_1385 : vector<16xf32>
        %add3A_1387 = arith.constant 26 : i32
        %add3A_1388 = arith.addi %mul3A_933, %add3A_1387 : i32
        %add3A_1389 = arith.constant 22 : i32
        %add3A_1390 = arith.addi %add3A_1388, %add3A_1389 : i32
        %get3A_1391 = arith.index_cast %rem3A_616 : i32 to index
        %get3A_1392 = arith.index_cast %add3A_1390 : i32 to index
        %get3A_1393 = arith.index_cast %mul3A_937 : i32 to index
        %get3A_1394 = tpu.vector_load %arg15[%get3A_1391, %get3A_1392, %get3A_1393] {strides = array<i32>} : memref<3x208x128xf32, #tpu.memory_space<vmem>>, vector<16xf32>,
        %add3A_1395 = arith.addf %add3A_1359, %get3A_1394 : vector<16xf32>
        %add3A_1396 = arith.constant 26 : i32
        %add3A_1397 = arith.addi %mul3A_933, %add3A_1396 : i32
        %add3A_1398 = arith.constant 23 : i32
        %add3A_1399 = arith.addi %add3A_1397, %add3A_1398 : i32
        %get3A_1400 = arith.index_cast %rem3A_616 : i32 to index
        %get3A_1401 = arith.index_cast %add3A_1399 : i32 to index
        %get3A_1402 = arith.index_cast %mul3A_937 : i32 to index
        %get3A_1403 = tpu.vector_load %arg15[%get3A_1400, %get3A_1401, %get3A_1402] {strides = array<i32>} : memref<3x208x128xf32, #tpu.memory_space<vmem>>, vector<16xf32>,
        %add3A_1404 = arith.addf %add3A_1368, %get3A_1403 : vector<16xf32>
        %add3A_1405 = arith.constant 26 : i32
        %add3A_1406 = arith.addi %mul3A_933, %add3A_1405 : i32
        %add3A_1407 = arith.constant 24 : i32
        %add3A_1408 = arith.addi %add3A_1406, %add3A_1407 : i32
        %get3A_1409 = arith.index_cast %rem3A_616 : i32 to index
        %get3A_1410 = arith.index_cast %add3A_1408 : i32 to index
        %get3A_1411 = arith.index_cast %mul3A_937 : i32 to index
        %get3A_1412 = tpu.vector_load %arg15[%get3A_1409, %get3A_1410, %get3A_1411] {strides = array<i32>} : memref<3x208x128xf32, #tpu.memory_space<vmem>>, vector<16xf32>,
        %add3A_1413 = arith.addf %add3A_1377, %get3A_1412 : vector<16xf32>
        %add3A_1414 = arith.constant 26 : i32
        %add3A_1415 = arith.addi %mul3A_933, %add3A_1414 : i32
        %add3A_1416 = arith.constant 25 : i32
        %add3A_1417 = arith.addi %add3A_1415, %add3A_1416 : i32
        %get3A_1418 = arith.index_cast %rem3A_616 : i32 to index
        %get3A_1419 = arith.index_cast %add3A_1417 : i32 to index
        %get3A_1420 = arith.index_cast %mul3A_937 : i32 to index
        %get3A_1421 = tpu.vector_load %arg15[%get3A_1418, %get3A_1419, %get3A_1420] {strides = array<i32>} : memref<3x208x128xf32, #tpu.memory_space<vmem>>, vector<16xf32>,
        %add3A_1422 = arith.addf %add3A_1386, %get3A_1421 : vector<16xf32>
        %add3A_1423 = arith.addf %add3A_1413, %add3A_1422 : vector<16xf32>
        %add3A_1424 = arith.addf %add3A_1395, %add3A_1404 : vector<16xf32>
        %add3A_1425 = arith.addf %add3A_1423, %add3A_1424 : vector<16xf32>
        %add3A_1426 = arith.addf %add3A_1425, %get3A_907 : vector<16xf32>
        %jit3A_1427 = arith.constant 0.000000e+00 : f32
        %jit3A_1428 = arith.constant 1.000000e+00 : f32
        %max3A_1429 = vector.broadcast %jit3A_1427 : f32 to vector<16xf32>
        %max3A_1430 = arith.maximumf %max3A_1429, %add3A_1426 : vector<16xf32>
        %min3A_1431 = vector.broadcast %jit3A_1428 : f32 to vector<16xf32>
        %min3A_1432 = arith.minimumf %min3A_1431, %max3A_1430 : vector<16xf32>
        %mul3A_1433 = arith.mulf %min3A_1432, %min3A_1432 : vector<16xf32>
        %mul3A_1434 = arith.constant 0.99609375 : f32
        %mul3A_1435 = vector.broadcast %mul3A_1434 : f32 to vector<16xf32>
        %mul3A_1436 = arith.mulf %mul3A_1433, %mul3A_1435 : vector<16xf32>
        %mul3A_1437 = arith.constant 256 : i32
        %mul3A_1438 = vector.broadcast %mul3A_1437 : i32 to vector<16xi32>
        %mul3A_1439 = arith.muli %min3A_729, %mul3A_1438 : vector<16xi32>
        %mul3A_1440 = arith.constant 16 : i32
        %mul3A_1441 = arith.muli %add3A_904, %mul3A_1440 : i32
        %add3A_1442 = vector.broadcast %mul3A_1441 : i32 to vector<16xi32>
        %add3A_1443 = arith.addi %add3A_1442, %iota3A : vector<16xi32>
        %add3A_1444 = arith.addi %mul3A_1439, %add3A_1443 : vector<16xi32>
        %gather3A_1445 = tpu.vector_load_idx %arg12[%add3A_1444] : memref<15360xf32, #tpu.memory_space<vmem>>[vector<16xi32>], vector<16xf32>,
        %mul3A_1446 = arith.mulf %mul3A_1436, %gather3A_1445 : vector<16xf32>
        %add3A_1447 = arith.addf %scan3A_898, %mul3A_1446 : vector<16xf32>
        %add3A_1448 = arith.constant 52 : i32
        %add3A_1449 = arith.addi %mul3A_933, %add3A_1448 : i32
        %add3A_1450 = arith.constant 0 : i32
        %add3A_1451 = arith.addi %add3A_1449, %add3A_1450 : i32
        %get3A_1452 = arith.index_cast %rem3A_616 : i32 to index
        %get3A_1453 = arith.index_cast %add3A_1451 : i32 to index
        %get3A_1454 = arith.index_cast %mul3A_937 : i32 to index
        %get3A_1455 = tpu.vector_load %arg15[%get3A_1452, %get3A_1453, %get3A_1454] {strides = array<i32>} : memref<3x208x128xf32, #tpu.memory_space<vmem>>, vector<16xf32>,
        %add3A_1456 = arith.constant 52 : i32
        %add3A_1457 = arith.addi %mul3A_933, %add3A_1456 : i32
        %add3A_1458 = arith.constant 1 : i32
        %add3A_1459 = arith.addi %add3A_1457, %add3A_1458 : i32
        %get3A_1460 = arith.index_cast %rem3A_616 : i32 to index
        %get3A_1461 = arith.index_cast %add3A_1459 : i32 to index
        %get3A_1462 = arith.index_cast %mul3A_937 : i32 to index
        %get3A_1463 = tpu.vector_load %arg15[%get3A_1460, %get3A_1461, %get3A_1462] {strides = array<i32>} : memref<3x208x128xf32, #tpu.memory_space<vmem>>, vector<16xf32>,
        %add3A_1464 = arith.constant 52 : i32
        %add3A_1465 = arith.addi %mul3A_933, %add3A_1464 : i32
        %add3A_1466 = arith.constant 2 : i32
        %add3A_1467 = arith.addi %add3A_1465, %add3A_1466 : i32
        %get3A_1468 = arith.index_cast %rem3A_616 : i32 to index
        %get3A_1469 = arith.index_cast %add3A_1467 : i32 to index
        %get3A_1470 = arith.index_cast %mul3A_937 : i32 to index
        %get3A_1471 = tpu.vector_load %arg15[%get3A_1468, %get3A_1469, %get3A_1470] {strides = array<i32>} : memref<3x208x128xf32, #tpu.memory_space<vmem>>, vector<16xf32>,
        %add3A_1472 = arith.constant 52 : i32
        %add3A_1473 = arith.addi %mul3A_933, %add3A_1472 : i32
        %add3A_1474 = arith.constant 3 : i32
        %add3A_1475 = arith.addi %add3A_1473, %add3A_1474 : i32
        %get3A_1476 = arith.index_cast %rem3A_616 : i32 to index
        %get3A_1477 = arith.index_cast %add3A_1475 : i32 to index
        %get3A_1478 = arith.index_cast %mul3A_937 : i32 to index
        %get3A_1479 = tpu.vector_load %arg15[%get3A_1476, %get3A_1477, %get3A_1478] {strides = array<i32>} : memref<3x208x128xf32, #tpu.memory_space<vmem>>, vector<16xf32>,
        %add3A_1480 = arith.constant 52 : i32
        %add3A_1481 = arith.addi %mul3A_933, %add3A_1480 : i32
        %add3A_1482 = arith.constant 4 : i32
        %add3A_1483 = arith.addi %add3A_1481, %add3A_1482 : i32
        %get3A_1484 = arith.index_cast %rem3A_616 : i32 to index
        %get3A_1485 = arith.index_cast %add3A_1483 : i32 to index
        %get3A_1486 = arith.index_cast %mul3A_937 : i32 to index
        %get3A_1487 = tpu.vector_load %arg15[%get3A_1484, %get3A_1485, %get3A_1486] {strides = array<i32>} : memref<3x208x128xf32, #tpu.memory_space<vmem>>, vector<16xf32>,
        %add3A_1488 = arith.addf %get3A_1455, %get3A_1487 : vector<16xf32>
        %add3A_1489 = arith.constant 52 : i32
        %add3A_1490 = arith.addi %mul3A_933, %add3A_1489 : i32
        %add3A_1491 = arith.constant 5 : i32
        %add3A_1492 = arith.addi %add3A_1490, %add3A_1491 : i32
        %get3A_1493 = arith.index_cast %rem3A_616 : i32 to index
        %get3A_1494 = arith.index_cast %add3A_1492 : i32 to index
        %get3A_1495 = arith.index_cast %mul3A_937 : i32 to index
        %get3A_1496 = tpu.vector_load %arg15[%get3A_1493, %get3A_1494, %get3A_1495] {strides = array<i32>} : memref<3x208x128xf32, #tpu.memory_space<vmem>>, vector<16xf32>,
        %add3A_1497 = arith.addf %get3A_1463, %get3A_1496 : vector<16xf32>
        %add3A_1498 = arith.constant 52 : i32
        %add3A_1499 = arith.addi %mul3A_933, %add3A_1498 : i32
        %add3A_1500 = arith.constant 6 : i32
        %add3A_1501 = arith.addi %add3A_1499, %add3A_1500 : i32
        %get3A_1502 = arith.index_cast %rem3A_616 : i32 to index
        %get3A_1503 = arith.index_cast %add3A_1501 : i32 to index
        %get3A_1504 = arith.index_cast %mul3A_937 : i32 to index
        %get3A_1505 = tpu.vector_load %arg15[%get3A_1502, %get3A_1503, %get3A_1504] {strides = array<i32>} : memref<3x208x128xf32, #tpu.memory_space<vmem>>, vector<16xf32>,
        %add3A_1506 = arith.addf %get3A_1471, %get3A_1505 : vector<16xf32>
        %add3A_1507 = arith.constant 52 : i32
        %add3A_1508 = arith.addi %mul3A_933, %add3A_1507 : i32
        %add3A_1509 = arith.constant 7 : i32
        %add3A_1510 = arith.addi %add3A_1508, %add3A_1509 : i32
        %get3A_1511 = arith.index_cast %rem3A_616 : i32 to index
        %get3A_1512 = arith.index_cast %add3A_1510 : i32 to index
        %get3A_1513 = arith.index_cast %mul3A_937 : i32 to index
        %get3A_1514 = tpu.vector_load %arg15[%get3A_1511, %get3A_1512, %get3A_1513] {strides = array<i32>} : memref<3x208x128xf32, #tpu.memory_space<vmem>>, vector<16xf32>,
        %add3A_1515 = arith.addf %get3A_1479, %get3A_1514 : vector<16xf32>
        %add3A_1516 = arith.constant 52 : i32
        %add3A_1517 = arith.addi %mul3A_933, %add3A_1516 : i32
        %add3A_1518 = arith.constant 8 : i32
        %add3A_1519 = arith.addi %add3A_1517, %add3A_1518 : i32
        %get3A_1520 = arith.index_cast %rem3A_616 : i32 to index
        %get3A_1521 = arith.index_cast %add3A_1519 : i32 to index
        %get3A_1522 = arith.index_cast %mul3A_937 : i32 to index
        %get3A_1523 = tpu.vector_load %arg15[%get3A_1520, %get3A_1521, %get3A_1522] {strides = array<i32>} : memref<3x208x128xf32, #tpu.memory_space<vmem>>, vector<16xf32>,
        %add3A_1524 = arith.addf %add3A_1488, %get3A_1523 : vector<16xf32>
        %add3A_1525 = arith.constant 52 : i32
        %add3A_1526 = arith.addi %mul3A_933, %add3A_1525 : i32
        %add3A_1527 = arith.constant 9 : i32
        %add3A_1528 = arith.addi %add3A_1526, %add3A_1527 : i32
        %get3A_1529 = arith.index_cast %rem3A_616 : i32 to index
        %get3A_1530 = arith.index_cast %add3A_1528 : i32 to index
        %get3A_1531 = arith.index_cast %mul3A_937 : i32 to index
        %get3A_1532 = tpu.vector_load %arg15[%get3A_1529, %get3A_1530, %get3A_1531] {strides = array<i32>} : memref<3x208x128xf32, #tpu.memory_space<vmem>>, vector<16xf32>,
        %add3A_1533 = arith.addf %add3A_1497, %get3A_1532 : vector<16xf32>
        %add3A_1534 = arith.constant 52 : i32
        %add3A_1535 = arith.addi %mul3A_933, %add3A_1534 : i32
        %add3A_1536 = arith.constant 10 : i32
        %add3A_1537 = arith.addi %add3A_1535, %add3A_1536 : i32
        %get3A_1538 = arith.index_cast %rem3A_616 : i32 to index
        %get3A_1539 = arith.index_cast %add3A_1537 : i32 to index
        %get3A_1540 = arith.index_cast %mul3A_937 : i32 to index
        %get3A_1541 = tpu.vector_load %arg15[%get3A_1538, %get3A_1539, %get3A_1540] {strides = array<i32>} : memref<3x208x128xf32, #tpu.memory_space<vmem>>, vector<16xf32>,
        %add3A_1542 = arith.addf %add3A_1506, %get3A_1541 : vector<16xf32>
        %add3A_1543 = arith.constant 52 : i32
        %add3A_1544 = arith.addi %mul3A_933, %add3A_1543 : i32
        %add3A_1545 = arith.constant 11 : i32
        %add3A_1546 = arith.addi %add3A_1544, %add3A_1545 : i32
        %get3A_1547 = arith.index_cast %rem3A_616 : i32 to index
        %get3A_1548 = arith.index_cast %add3A_1546 : i32 to index
        %get3A_1549 = arith.index_cast %mul3A_937 : i32 to index
        %get3A_1550 = tpu.vector_load %arg15[%get3A_1547, %get3A_1548, %get3A_1549] {strides = array<i32>} : memref<3x208x128xf32, #tpu.memory_space<vmem>>, vector<16xf32>,
        %add3A_1551 = arith.addf %add3A_1515, %get3A_1550 : vector<16xf32>
        %add3A_1552 = arith.constant 52 : i32
        %add3A_1553 = arith.addi %mul3A_933, %add3A_1552 : i32
        %add3A_1554 = arith.constant 12 : i32
        %add3A_1555 = arith.addi %add3A_1553, %add3A_1554 : i32
        %get3A_1556 = arith.index_cast %rem3A_616 : i32 to index
        %get3A_1557 = arith.index_cast %add3A_1555 : i32 to index
        %get3A_1558 = arith.index_cast %mul3A_937 : i32 to index
        %get3A_1559 = tpu.vector_load %arg15[%get3A_1556, %get3A_1557, %get3A_1558] {strides = array<i32>} : memref<3x208x128xf32, #tpu.memory_space<vmem>>, vector<16xf32>,
        %add3A_1560 = arith.addf %add3A_1524, %get3A_1559 : vector<16xf32>
        %add3A_1561 = arith.constant 52 : i32
        %add3A_1562 = arith.addi %mul3A_933, %add3A_1561 : i32
        %add3A_1563 = arith.constant 13 : i32
        %add3A_1564 = arith.addi %add3A_1562, %add3A_1563 : i32
        %get3A_1565 = arith.index_cast %rem3A_616 : i32 to index
        %get3A_1566 = arith.index_cast %add3A_1564 : i32 to index
        %get3A_1567 = arith.index_cast %mul3A_937 : i32 to index
        %get3A_1568 = tpu.vector_load %arg15[%get3A_1565, %get3A_1566, %get3A_1567] {strides = array<i32>} : memref<3x208x128xf32, #tpu.memory_space<vmem>>, vector<16xf32>,
        %add3A_1569 = arith.addf %add3A_1533, %get3A_1568 : vector<16xf32>
        %add3A_1570 = arith.constant 52 : i32
        %add3A_1571 = arith.addi %mul3A_933, %add3A_1570 : i32
        %add3A_1572 = arith.constant 14 : i32
        %add3A_1573 = arith.addi %add3A_1571, %add3A_1572 : i32
        %get3A_1574 = arith.index_cast %rem3A_616 : i32 to index
        %get3A_1575 = arith.index_cast %add3A_1573 : i32 to index
        %get3A_1576 = arith.index_cast %mul3A_937 : i32 to index
        %get3A_1577 = tpu.vector_load %arg15[%get3A_1574, %get3A_1575, %get3A_1576] {strides = array<i32>} : memref<3x208x128xf32, #tpu.memory_space<vmem>>, vector<16xf32>,
        %add3A_1578 = arith.addf %add3A_1542, %get3A_1577 : vector<16xf32>
        %add3A_1579 = arith.constant 52 : i32
        %add3A_1580 = arith.addi %mul3A_933, %add3A_1579 : i32
        %add3A_1581 = arith.constant 15 : i32
        %add3A_1582 = arith.addi %add3A_1580, %add3A_1581 : i32
        %get3A_1583 = arith.index_cast %rem3A_616 : i32 to index
        %get3A_1584 = arith.index_cast %add3A_1582 : i32 to index
        %get3A_1585 = arith.index_cast %mul3A_937 : i32 to index
        %get3A_1586 = tpu.vector_load %arg15[%get3A_1583, %get3A_1584, %get3A_1585] {strides = array<i32>} : memref<3x208x128xf32, #tpu.memory_space<vmem>>, vector<16xf32>,
        %add3A_1587 = arith.addf %add3A_1551, %get3A_1586 : vector<16xf32>
        %add3A_1588 = arith.constant 52 : i32
        %add3A_1589 = arith.addi %mul3A_933, %add3A_1588 : i32
        %add3A_1590 = arith.constant 16 : i32
        %add3A_1591 = arith.addi %add3A_1589, %add3A_1590 : i32
        %get3A_1592 = arith.index_cast %rem3A_616 : i32 to index
        %get3A_1593 = arith.index_cast %add3A_1591 : i32 to index
        %get3A_1594 = arith.index_cast %mul3A_937 : i32 to index
        %get3A_1595 = tpu.vector_load %arg15[%get3A_1592, %get3A_1593, %get3A_1594] {strides = array<i32>} : memref<3x208x128xf32, #tpu.memory_space<vmem>>, vector<16xf32>,
        %add3A_1596 = arith.addf %add3A_1560, %get3A_1595 : vector<16xf32>
        %add3A_1597 = arith.constant 52 : i32
        %add3A_1598 = arith.addi %mul3A_933, %add3A_1597 : i32
        %add3A_1599 = arith.constant 17 : i32
        %add3A_1600 = arith.addi %add3A_1598, %add3A_1599 : i32
        %get3A_1601 = arith.index_cast %rem3A_616 : i32 to index
        %get3A_1602 = arith.index_cast %add3A_1600 : i32 to index
        %get3A_1603 = arith.index_cast %mul3A_937 : i32 to index
        %get3A_1604 = tpu.vector_load %arg15[%get3A_1601, %get3A_1602, %get3A_1603] {strides = array<i32>} : memref<3x208x128xf32, #tpu.memory_space<vmem>>, vector<16xf32>,
        %add3A_1605 = arith.addf %add3A_1569, %get3A_1604 : vector<16xf32>
        %add3A_1606 = arith.constant 52 : i32
        %add3A_1607 = arith.addi %mul3A_933, %add3A_1606 : i32
        %add3A_1608 = arith.constant 18 : i32
        %add3A_1609 = arith.addi %add3A_1607, %add3A_1608 : i32
        %get3A_1610 = arith.index_cast %rem3A_616 : i32 to index
        %get3A_1611 = arith.index_cast %add3A_1609 : i32 to index
        %get3A_1612 = arith.index_cast %mul3A_937 : i32 to index
        %get3A_1613 = tpu.vector_load %arg15[%get3A_1610, %get3A_1611, %get3A_1612] {strides = array<i32>} : memref<3x208x128xf32, #tpu.memory_space<vmem>>, vector<16xf32>,
        %add3A_1614 = arith.addf %add3A_1578, %get3A_1613 : vector<16xf32>
        %add3A_1615 = arith.constant 52 : i32
        %add3A_1616 = arith.addi %mul3A_933, %add3A_1615 : i32
        %add3A_1617 = arith.constant 19 : i32
        %add3A_1618 = arith.addi %add3A_1616, %add3A_1617 : i32
        %get3A_1619 = arith.index_cast %rem3A_616 : i32 to index
        %get3A_1620 = arith.index_cast %add3A_1618 : i32 to index
        %get3A_1621 = arith.index_cast %mul3A_937 : i32 to index
        %get3A_1622 = tpu.vector_load %arg15[%get3A_1619, %get3A_1620, %get3A_1621] {strides = array<i32>} : memref<3x208x128xf32, #tpu.memory_space<vmem>>, vector<16xf32>,
        %add3A_1623 = arith.addf %add3A_1587, %get3A_1622 : vector<16xf32>
        %add3A_1624 = arith.constant 52 : i32
        %add3A_1625 = arith.addi %mul3A_933, %add3A_1624 : i32
        %add3A_1626 = arith.constant 20 : i32
        %add3A_1627 = arith.addi %add3A_1625, %add3A_1626 : i32
        %get3A_1628 = arith.index_cast %rem3A_616 : i32 to index
        %get3A_1629 = arith.index_cast %add3A_1627 : i32 to index
        %get3A_1630 = arith.index_cast %mul3A_937 : i32 to index
        %get3A_1631 = tpu.vector_load %arg15[%get3A_1628, %get3A_1629, %get3A_1630] {strides = array<i32>} : memref<3x208x128xf32, #tpu.memory_space<vmem>>, vector<16xf32>,
        %add3A_1632 = arith.addf %add3A_1596, %get3A_1631 : vector<16xf32>
        %add3A_1633 = arith.constant 52 : i32
        %add3A_1634 = arith.addi %mul3A_933, %add3A_1633 : i32
        %add3A_1635 = arith.constant 21 : i32
        %add3A_1636 = arith.addi %add3A_1634, %add3A_1635 : i32
        %get3A_1637 = arith.index_cast %rem3A_616 : i32 to index
        %get3A_1638 = arith.index_cast %add3A_1636 : i32 to index
        %get3A_1639 = arith.index_cast %mul3A_937 : i32 to index
        %get3A_1640 = tpu.vector_load %arg15[%get3A_1637, %get3A_1638, %get3A_1639] {strides = array<i32>} : memref<3x208x128xf32, #tpu.memory_space<vmem>>, vector<16xf32>,
        %add3A_1641 = arith.addf %add3A_1605, %get3A_1640 : vector<16xf32>
        %add3A_1642 = arith.constant 52 : i32
        %add3A_1643 = arith.addi %mul3A_933, %add3A_1642 : i32
        %add3A_1644 = arith.constant 22 : i32
        %add3A_1645 = arith.addi %add3A_1643, %add3A_1644 : i32
        %get3A_1646 = arith.index_cast %rem3A_616 : i32 to index
        %get3A_1647 = arith.index_cast %add3A_1645 : i32 to index
        %get3A_1648 = arith.index_cast %mul3A_937 : i32 to index
        %get3A_1649 = tpu.vector_load %arg15[%get3A_1646, %get3A_1647, %get3A_1648] {strides = array<i32>} : memref<3x208x128xf32, #tpu.memory_space<vmem>>, vector<16xf32>,
        %add3A_1650 = arith.addf %add3A_1614, %get3A_1649 : vector<16xf32>
        %add3A_1651 = arith.constant 52 : i32
        %add3A_1652 = arith.addi %mul3A_933, %add3A_1651 : i32
        %add3A_1653 = arith.constant 23 : i32
        %add3A_1654 = arith.addi %add3A_1652, %add3A_1653 : i32
        %get3A_1655 = arith.index_cast %rem3A_616 : i32 to index
        %get3A_1656 = arith.index_cast %add3A_1654 : i32 to index
        %get3A_1657 = arith.index_cast %mul3A_937 : i32 to index
        %get3A_1658 = tpu.vector_load %arg15[%get3A_1655, %get3A_1656, %get3A_1657] {strides = array<i32>} : memref<3x208x128xf32, #tpu.memory_space<vmem>>, vector<16xf32>,
        %add3A_1659 = arith.addf %add3A_1623, %get3A_1658 : vector<16xf32>
        %add3A_1660 = arith.constant 52 : i32
        %add3A_1661 = arith.addi %mul3A_933, %add3A_1660 : i32
        %add3A_1662 = arith.constant 24 : i32
        %add3A_1663 = arith.addi %add3A_1661, %add3A_1662 : i32
        %get3A_1664 = arith.index_cast %rem3A_616 : i32 to index
        %get3A_1665 = arith.index_cast %add3A_1663 : i32 to index
        %get3A_1666 = arith.index_cast %mul3A_937 : i32 to index
        %get3A_1667 = tpu.vector_load %arg15[%get3A_1664, %get3A_1665, %get3A_1666] {strides = array<i32>} : memref<3x208x128xf32, #tpu.memory_space<vmem>>, vector<16xf32>,
        %add3A_1668 = arith.addf %add3A_1632, %get3A_1667 : vector<16xf32>
        %add3A_1669 = arith.constant 52 : i32
        %add3A_1670 = arith.addi %mul3A_933, %add3A_1669 : i32
        %add3A_1671 = arith.constant 25 : i32
        %add3A_1672 = arith.addi %add3A_1670, %add3A_1671 : i32
        %get3A_1673 = arith.index_cast %rem3A_616 : i32 to index
        %get3A_1674 = arith.index_cast %add3A_1672 : i32 to index
        %get3A_1675 = arith.index_cast %mul3A_937 : i32 to index
        %get3A_1676 = tpu.vector_load %arg15[%get3A_1673, %get3A_1674, %get3A_1675] {strides = array<i32>} : memref<3x208x128xf32, #tpu.memory_space<vmem>>, vector<16xf32>,
        %add3A_1677 = arith.addf %add3A_1641, %get3A_1676 : vector<16xf32>
        %add3A_1678 = arith.addf %add3A_1668, %add3A_1677 : vector<16xf32>
        %add3A_1679 = arith.addf %add3A_1650, %add3A_1659 : vector<16xf32>
        %add3A_1680 = arith.addf %add3A_1678, %add3A_1679 : vector<16xf32>
        %add3A_1681 = arith.addf %add3A_1680, %get3A_907 : vector<16xf32>
        %jit3A_1682 = arith.constant 0.000000e+00 : f32
        %jit3A_1683 = arith.constant 1.000000e+00 : f32
        %max3A_1684 = vector.broadcast %jit3A_1682 : f32 to vector<16xf32>
        %max3A_1685 = arith.maximumf %max3A_1684, %add3A_1681 : vector<16xf32>
        %min3A_1686 = vector.broadcast %jit3A_1683 : f32 to vector<16xf32>
        %min3A_1687 = arith.minimumf %min3A_1686, %max3A_1685 : vector<16xf32>
        %mul3A_1688 = arith.mulf %min3A_1687, %min3A_1687 : vector<16xf32>
        %mul3A_1689 = arith.constant 0.99609375 : f32
        %mul3A_1690 = vector.broadcast %mul3A_1689 : f32 to vector<16xf32>
        %mul3A_1691 = arith.mulf %mul3A_1688, %mul3A_1690 : vector<16xf32>
        %mul3A_1692 = arith.constant 256 : i32
        %mul3A_1693 = vector.broadcast %mul3A_1692 : i32 to vector<16xi32>
        %mul3A_1694 = arith.muli %min3A_775, %mul3A_1693 : vector<16xi32>
        %mul3A_1695 = arith.constant 16 : i32
        %mul3A_1696 = arith.muli %add3A_904, %mul3A_1695 : i32
        %add3A_1697 = vector.broadcast %mul3A_1696 : i32 to vector<16xi32>
        %add3A_1698 = arith.addi %add3A_1697, %iota3A : vector<16xi32>
        %add3A_1699 = arith.addi %mul3A_1694, %add3A_1698 : vector<16xi32>
        %gather3A_1700 = tpu.vector_load_idx %arg12[%add3A_1699] : memref<15360xf32, #tpu.memory_space<vmem>>[vector<16xi32>], vector<16xf32>,
        %mul3A_1701 = arith.mulf %mul3A_1691, %gather3A_1700 : vector<16xf32>
        %add3A_1702 = arith.addf %scan3A_899, %mul3A_1701 : vector<16xf32>
        %add3A_1703 = arith.constant 78 : i32
        %add3A_1704 = arith.addi %mul3A_933, %add3A_1703 : i32
        %add3A_1705 = arith.constant 0 : i32
        %add3A_1706 = arith.addi %add3A_1704, %add3A_1705 : i32
        %get3A_1707 = arith.index_cast %rem3A_616 : i32 to index
        %get3A_1708 = arith.index_cast %add3A_1706 : i32 to index
        %get3A_1709 = arith.index_cast %mul3A_937 : i32 to index
        %get3A_1710 = tpu.vector_load %arg15[%get3A_1707, %get3A_1708, %get3A_1709] {strides = array<i32>} : memref<3x208x128xf32, #tpu.memory_space<vmem>>, vector<16xf32>,
        %add3A_1711 = arith.constant 78 : i32
        %add3A_1712 = arith.addi %mul3A_933, %add3A_1711 : i32
        %add3A_1713 = arith.constant 1 : i32
        %add3A_1714 = arith.addi %add3A_1712, %add3A_1713 : i32
        %get3A_1715 = arith.index_cast %rem3A_616 : i32 to index
        %get3A_1716 = arith.index_cast %add3A_1714 : i32 to index
        %get3A_1717 = arith.index_cast %mul3A_937 : i32 to index
        %get3A_1718 = tpu.vector_load %arg15[%get3A_1715, %get3A_1716, %get3A_1717] {strides = array<i32>} : memref<3x208x128xf32, #tpu.memory_space<vmem>>, vector<16xf32>,
        %add3A_1719 = arith.constant 78 : i32
        %add3A_1720 = arith.addi %mul3A_933, %add3A_1719 : i32
        %add3A_1721 = arith.constant 2 : i32
        %add3A_1722 = arith.addi %add3A_1720, %add3A_1721 : i32
        %get3A_1723 = arith.index_cast %rem3A_616 : i32 to index
        %get3A_1724 = arith.index_cast %add3A_1722 : i32 to index
        %get3A_1725 = arith.index_cast %mul3A_937 : i32 to index
        %get3A_1726 = tpu.vector_load %arg15[%get3A_1723, %get3A_1724, %get3A_1725] {strides = array<i32>} : memref<3x208x128xf32, #tpu.memory_space<vmem>>, vector<16xf32>,
        %add3A_1727 = arith.constant 78 : i32
        %add3A_1728 = arith.addi %mul3A_933, %add3A_1727 : i32
        %add3A_1729 = arith.constant 3 : i32
        %add3A_1730 = arith.addi %add3A_1728, %add3A_1729 : i32
        %get3A_1731 = arith.index_cast %rem3A_616 : i32 to index
        %get3A_1732 = arith.index_cast %add3A_1730 : i32 to index
        %get3A_1733 = arith.index_cast %mul3A_937 : i32 to index
        %get3A_1734 = tpu.vector_load %arg15[%get3A_1731, %get3A_1732, %get3A_1733] {strides = array<i32>} : memref<3x208x128xf32, #tpu.memory_space<vmem>>, vector<16xf32>,
        %add3A_1735 = arith.constant 78 : i32
        %add3A_1736 = arith.addi %mul3A_933, %add3A_1735 : i32
        %add3A_1737 = arith.constant 4 : i32
        %add3A_1738 = arith.addi %add3A_1736, %add3A_1737 : i32
        %get3A_1739 = arith.index_cast %rem3A_616 : i32 to index
        %get3A_1740 = arith.index_cast %add3A_1738 : i32 to index
        %get3A_1741 = arith.index_cast %mul3A_937 : i32 to index
        %get3A_1742 = tpu.vector_load %arg15[%get3A_1739, %get3A_1740, %get3A_1741] {strides = array<i32>} : memref<3x208x128xf32, #tpu.memory_space<vmem>>, vector<16xf32>,
        %add3A_1743 = arith.addf %get3A_1710, %get3A_1742 : vector<16xf32>
        %add3A_1744 = arith.constant 78 : i32
        %add3A_1745 = arith.addi %mul3A_933, %add3A_1744 : i32
        %add3A_1746 = arith.constant 5 : i32
        %add3A_1747 = arith.addi %add3A_1745, %add3A_1746 : i32
        %get3A_1748 = arith.index_cast %rem3A_616 : i32 to index
        %get3A_1749 = arith.index_cast %add3A_1747 : i32 to index
        %get3A_1750 = arith.index_cast %mul3A_937 : i32 to index
        %get3A_1751 = tpu.vector_load %arg15[%get3A_1748, %get3A_1749, %get3A_1750] {strides = array<i32>} : memref<3x208x128xf32, #tpu.memory_space<vmem>>, vector<16xf32>,
        %add3A_1752 = arith.addf %get3A_1718, %get3A_1751 : vector<16xf32>
        %add3A_1753 = arith.constant 78 : i32
        %add3A_1754 = arith.addi %mul3A_933, %add3A_1753 : i32
        %add3A_1755 = arith.constant 6 : i32
        %add3A_1756 = arith.addi %add3A_1754, %add3A_1755 : i32
        %get3A_1757 = arith.index_cast %rem3A_616 : i32 to index
        %get3A_1758 = arith.index_cast %add3A_1756 : i32 to index
        %get3A_1759 = arith.index_cast %mul3A_937 : i32 to index
        %get3A_1760 = tpu.vector_load %arg15[%get3A_1757, %get3A_1758, %get3A_1759] {strides = array<i32>} : memref<3x208x128xf32, #tpu.memory_space<vmem>>, vector<16xf32>,
        %add3A_1761 = arith.addf %get3A_1726, %get3A_1760 : vector<16xf32>
        %add3A_1762 = arith.constant 78 : i32
        %add3A_1763 = arith.addi %mul3A_933, %add3A_1762 : i32
        %add3A_1764 = arith.constant 7 : i32
        %add3A_1765 = arith.addi %add3A_1763, %add3A_1764 : i32
        %get3A_1766 = arith.index_cast %rem3A_616 : i32 to index
        %get3A_1767 = arith.index_cast %add3A_1765 : i32 to index
        %get3A_1768 = arith.index_cast %mul3A_937 : i32 to index
        %get3A_1769 = tpu.vector_load %arg15[%get3A_1766, %get3A_1767, %get3A_1768] {strides = array<i32>} : memref<3x208x128xf32, #tpu.memory_space<vmem>>, vector<16xf32>,
        %add3A_1770 = arith.addf %get3A_1734, %get3A_1769 : vector<16xf32>
        %add3A_1771 = arith.constant 78 : i32
        %add3A_1772 = arith.addi %mul3A_933, %add3A_1771 : i32
        %add3A_1773 = arith.constant 8 : i32
        %add3A_1774 = arith.addi %add3A_1772, %add3A_1773 : i32
        %get3A_1775 = arith.index_cast %rem3A_616 : i32 to index
        %get3A_1776 = arith.index_cast %add3A_1774 : i32 to index
        %get3A_1777 = arith.index_cast %mul3A_937 : i32 to index
        %get3A_1778 = tpu.vector_load %arg15[%get3A_1775, %get3A_1776, %get3A_1777] {strides = array<i32>} : memref<3x208x128xf32, #tpu.memory_space<vmem>>, vector<16xf32>,
        %add3A_1779 = arith.addf %add3A_1743, %get3A_1778 : vector<16xf32>
        %add3A_1780 = arith.constant 78 : i32
        %add3A_1781 = arith.addi %mul3A_933, %add3A_1780 : i32
        %add3A_1782 = arith.constant 9 : i32
        %add3A_1783 = arith.addi %add3A_1781, %add3A_1782 : i32
        %get3A_1784 = arith.index_cast %rem3A_616 : i32 to index
        %get3A_1785 = arith.index_cast %add3A_1783 : i32 to index
        %get3A_1786 = arith.index_cast %mul3A_937 : i32 to index
        %get3A_1787 = tpu.vector_load %arg15[%get3A_1784, %get3A_1785, %get3A_1786] {strides = array<i32>} : memref<3x208x128xf32, #tpu.memory_space<vmem>>, vector<16xf32>,
        %add3A_1788 = arith.addf %add3A_1752, %get3A_1787 : vector<16xf32>
        %add3A_1789 = arith.constant 78 : i32
        %add3A_1790 = arith.addi %mul3A_933, %add3A_1789 : i32
        %add3A_1791 = arith.constant 10 : i32
        %add3A_1792 = arith.addi %add3A_1790, %add3A_1791 : i32
        %get3A_1793 = arith.index_cast %rem3A_616 : i32 to index
        %get3A_1794 = arith.index_cast %add3A_1792 : i32 to index
        %get3A_1795 = arith.index_cast %mul3A_937 : i32 to index
        %get3A_1796 = tpu.vector_load %arg15[%get3A_1793, %get3A_1794, %get3A_1795] {strides = array<i32>} : memref<3x208x128xf32, #tpu.memory_space<vmem>>, vector<16xf32>,
        %add3A_1797 = arith.addf %add3A_1761, %get3A_1796 : vector<16xf32>
        %add3A_1798 = arith.constant 78 : i32
        %add3A_1799 = arith.addi %mul3A_933, %add3A_1798 : i32
        %add3A_1800 = arith.constant 11 : i32
        %add3A_1801 = arith.addi %add3A_1799, %add3A_1800 : i32
        %get3A_1802 = arith.index_cast %rem3A_616 : i32 to index
        %get3A_1803 = arith.index_cast %add3A_1801 : i32 to index
        %get3A_1804 = arith.index_cast %mul3A_937 : i32 to index
        %get3A_1805 = tpu.vector_load %arg15[%get3A_1802, %get3A_1803, %get3A_1804] {strides = array<i32>} : memref<3x208x128xf32, #tpu.memory_space<vmem>>, vector<16xf32>,
        %add3A_1806 = arith.addf %add3A_1770, %get3A_1805 : vector<16xf32>
        %add3A_1807 = arith.constant 78 : i32
        %add3A_1808 = arith.addi %mul3A_933, %add3A_1807 : i32
        %add3A_1809 = arith.constant 12 : i32
        %add3A_1810 = arith.addi %add3A_1808, %add3A_1809 : i32
        %get3A_1811 = arith.index_cast %rem3A_616 : i32 to index
        %get3A_1812 = arith.index_cast %add3A_1810 : i32 to index
        %get3A_1813 = arith.index_cast %mul3A_937 : i32 to index
        %get3A_1814 = tpu.vector_load %arg15[%get3A_1811, %get3A_1812, %get3A_1813] {strides = array<i32>} : memref<3x208x128xf32, #tpu.memory_space<vmem>>, vector<16xf32>,
        %add3A_1815 = arith.addf %add3A_1779, %get3A_1814 : vector<16xf32>
        %add3A_1816 = arith.constant 78 : i32
        %add3A_1817 = arith.addi %mul3A_933, %add3A_1816 : i32
        %add3A_1818 = arith.constant 13 : i32
        %add3A_1819 = arith.addi %add3A_1817, %add3A_1818 : i32
        %get3A_1820 = arith.index_cast %rem3A_616 : i32 to index
        %get3A_1821 = arith.index_cast %add3A_1819 : i32 to index
        %get3A_1822 = arith.index_cast %mul3A_937 : i32 to index
        %get3A_1823 = tpu.vector_load %arg15[%get3A_1820, %get3A_1821, %get3A_1822] {strides = array<i32>} : memref<3x208x128xf32, #tpu.memory_space<vmem>>, vector<16xf32>,
        %add3A_1824 = arith.addf %add3A_1788, %get3A_1823 : vector<16xf32>
        %add3A_1825 = arith.constant 78 : i32
        %add3A_1826 = arith.addi %mul3A_933, %add3A_1825 : i32
        %add3A_1827 = arith.constant 14 : i32
        %add3A_1828 = arith.addi %add3A_1826, %add3A_1827 : i32
        %get3A_1829 = arith.index_cast %rem3A_616 : i32 to index
        %get3A_1830 = arith.index_cast %add3A_1828 : i32 to index
        %get3A_1831 = arith.index_cast %mul3A_937 : i32 to index
        %get3A_1832 = tpu.vector_load %arg15[%get3A_1829, %get3A_1830, %get3A_1831] {strides = array<i32>} : memref<3x208x128xf32, #tpu.memory_space<vmem>>, vector<16xf32>,
        %add3A_1833 = arith.addf %add3A_1797, %get3A_1832 : vector<16xf32>
        %add3A_1834 = arith.constant 78 : i32
        %add3A_1835 = arith.addi %mul3A_933, %add3A_1834 : i32
        %add3A_1836 = arith.constant 15 : i32
        %add3A_1837 = arith.addi %add3A_1835, %add3A_1836 : i32
        %get3A_1838 = arith.index_cast %rem3A_616 : i32 to index
        %get3A_1839 = arith.index_cast %add3A_1837 : i32 to index
        %get3A_1840 = arith.index_cast %mul3A_937 : i32 to index
        %get3A_1841 = tpu.vector_load %arg15[%get3A_1838, %get3A_1839, %get3A_1840] {strides = array<i32>} : memref<3x208x128xf32, #tpu.memory_space<vmem>>, vector<16xf32>,
        %add3A_1842 = arith.addf %add3A_1806, %get3A_1841 : vector<16xf32>
        %add3A_1843 = arith.constant 78 : i32
        %add3A_1844 = arith.addi %mul3A_933, %add3A_1843 : i32
        %add3A_1845 = arith.constant 16 : i32
        %add3A_1846 = arith.addi %add3A_1844, %add3A_1845 : i32
        %get3A_1847 = arith.index_cast %rem3A_616 : i32 to index
        %get3A_1848 = arith.index_cast %add3A_1846 : i32 to index
        %get3A_1849 = arith.index_cast %mul3A_937 : i32 to index
        %get3A_1850 = tpu.vector_load %arg15[%get3A_1847, %get3A_1848, %get3A_1849] {strides = array<i32>} : memref<3x208x128xf32, #tpu.memory_space<vmem>>, vector<16xf32>,
        %add3A_1851 = arith.addf %add3A_1815, %get3A_1850 : vector<16xf32>
        %add3A_1852 = arith.constant 78 : i32
        %add3A_1853 = arith.addi %mul3A_933, %add3A_1852 : i32
        %add3A_1854 = arith.constant 17 : i32
        %add3A_1855 = arith.addi %add3A_1853, %add3A_1854 : i32
        %get3A_1856 = arith.index_cast %rem3A_616 : i32 to index
        %get3A_1857 = arith.index_cast %add3A_1855 : i32 to index
        %get3A_1858 = arith.index_cast %mul3A_937 : i32 to index
        %get3A_1859 = tpu.vector_load %arg15[%get3A_1856, %get3A_1857, %get3A_1858] {strides = array<i32>} : memref<3x208x128xf32, #tpu.memory_space<vmem>>, vector<16xf32>,
        %add3A_1860 = arith.addf %add3A_1824, %get3A_1859 : vector<16xf32>
        %add3A_1861 = arith.constant 78 : i32
        %add3A_1862 = arith.addi %mul3A_933, %add3A_1861 : i32
        %add3A_1863 = arith.constant 18 : i32
        %add3A_1864 = arith.addi %add3A_1862, %add3A_1863 : i32
        %get3A_1865 = arith.index_cast %rem3A_616 : i32 to index
        %get3A_1866 = arith.index_cast %add3A_1864 : i32 to index
        %get3A_1867 = arith.index_cast %mul3A_937 : i32 to index
        %get3A_1868 = tpu.vector_load %arg15[%get3A_1865, %get3A_1866, %get3A_1867] {strides = array<i32>} : memref<3x208x128xf32, #tpu.memory_space<vmem>>, vector<16xf32>,
        %add3A_1869 = arith.addf %add3A_1833, %get3A_1868 : vector<16xf32>
        %add3A_1870 = arith.constant 78 : i32
        %add3A_1871 = arith.addi %mul3A_933, %add3A_1870 : i32
        %add3A_1872 = arith.constant 19 : i32
        %add3A_1873 = arith.addi %add3A_1871, %add3A_1872 : i32
        %get3A_1874 = arith.index_cast %rem3A_616 : i32 to index
        %get3A_1875 = arith.index_cast %add3A_1873 : i32 to index
        %get3A_1876 = arith.index_cast %mul3A_937 : i32 to index
        %get3A_1877 = tpu.vector_load %arg15[%get3A_1874, %get3A_1875, %get3A_1876] {strides = array<i32>} : memref<3x208x128xf32, #tpu.memory_space<vmem>>, vector<16xf32>,
        %add3A_1878 = arith.addf %add3A_1842, %get3A_1877 : vector<16xf32>
        %add3A_1879 = arith.constant 78 : i32
        %add3A_1880 = arith.addi %mul3A_933, %add3A_1879 : i32
        %add3A_1881 = arith.constant 20 : i32
        %add3A_1882 = arith.addi %add3A_1880, %add3A_1881 : i32
        %get3A_1883 = arith.index_cast %rem3A_616 : i32 to index
        %get3A_1884 = arith.index_cast %add3A_1882 : i32 to index
        %get3A_1885 = arith.index_cast %mul3A_937 : i32 to index
        %get3A_1886 = tpu.vector_load %arg15[%get3A_1883, %get3A_1884, %get3A_1885] {strides = array<i32>} : memref<3x208x128xf32, #tpu.memory_space<vmem>>, vector<16xf32>,
        %add3A_1887 = arith.addf %add3A_1851, %get3A_1886 : vector<16xf32>
        %add3A_1888 = arith.constant 78 : i32
        %add3A_1889 = arith.addi %mul3A_933, %add3A_1888 : i32
        %add3A_1890 = arith.constant 21 : i32
        %add3A_1891 = arith.addi %add3A_1889, %add3A_1890 : i32
        %get3A_1892 = arith.index_cast %rem3A_616 : i32 to index
        %get3A_1893 = arith.index_cast %add3A_1891 : i32 to index
        %get3A_1894 = arith.index_cast %mul3A_937 : i32 to index
        %get3A_1895 = tpu.vector_load %arg15[%get3A_1892, %get3A_1893, %get3A_1894] {strides = array<i32>} : memref<3x208x128xf32, #tpu.memory_space<vmem>>, vector<16xf32>,
        %add3A_1896 = arith.addf %add3A_1860, %get3A_1895 : vector<16xf32>
        %add3A_1897 = arith.constant 78 : i32
        %add3A_1898 = arith.addi %mul3A_933, %add3A_1897 : i32
        %add3A_1899 = arith.constant 22 : i32
        %add3A_1900 = arith.addi %add3A_1898, %add3A_1899 : i32
        %get3A_1901 = arith.index_cast %rem3A_616 : i32 to index
        %get3A_1902 = arith.index_cast %add3A_1900 : i32 to index
        %get3A_1903 = arith.index_cast %mul3A_937 : i32 to index
        %get3A_1904 = tpu.vector_load %arg15[%get3A_1901, %get3A_1902, %get3A_1903] {strides = array<i32>} : memref<3x208x128xf32, #tpu.memory_space<vmem>>, vector<16xf32>,
        %add3A_1905 = arith.addf %add3A_1869, %get3A_1904 : vector<16xf32>
        %add3A_1906 = arith.constant 78 : i32
        %add3A_1907 = arith.addi %mul3A_933, %add3A_1906 : i32
        %add3A_1908 = arith.constant 23 : i32
        %add3A_1909 = arith.addi %add3A_1907, %add3A_1908 : i32
        %get3A_1910 = arith.index_cast %rem3A_616 : i32 to index
        %get3A_1911 = arith.index_cast %add3A_1909 : i32 to index
        %get3A_1912 = arith.index_cast %mul3A_937 : i32 to index
        %get3A_1913 = tpu.vector_load %arg15[%get3A_1910, %get3A_1911, %get3A_1912] {strides = array<i32>} : memref<3x208x128xf32, #tpu.memory_space<vmem>>, vector<16xf32>,
        %add3A_1914 = arith.addf %add3A_1878, %get3A_1913 : vector<16xf32>
        %add3A_1915 = arith.constant 78 : i32
        %add3A_1916 = arith.addi %mul3A_933, %add3A_1915 : i32
        %add3A_1917 = arith.constant 24 : i32
        %add3A_1918 = arith.addi %add3A_1916, %add3A_1917 : i32
        %get3A_1919 = arith.index_cast %rem3A_616 : i32 to index
        %get3A_1920 = arith.index_cast %add3A_1918 : i32 to index
        %get3A_1921 = arith.index_cast %mul3A_937 : i32 to index
        %get3A_1922 = tpu.vector_load %arg15[%get3A_1919, %get3A_1920, %get3A_1921] {strides = array<i32>} : memref<3x208x128xf32, #tpu.memory_space<vmem>>, vector<16xf32>,
        %add3A_1923 = arith.addf %add3A_1887, %get3A_1922 : vector<16xf32>
        %add3A_1924 = arith.constant 78 : i32
        %add3A_1925 = arith.addi %mul3A_933, %add3A_1924 : i32
        %add3A_1926 = arith.constant 25 : i32
        %add3A_1927 = arith.addi %add3A_1925, %add3A_1926 : i32
        %get3A_1928 = arith.index_cast %rem3A_616 : i32 to index
        %get3A_1929 = arith.index_cast %add3A_1927 : i32 to index
        %get3A_1930 = arith.index_cast %mul3A_937 : i32 to index
        %get3A_1931 = tpu.vector_load %arg15[%get3A_1928, %get3A_1929, %get3A_1930] {strides = array<i32>} : memref<3x208x128xf32, #tpu.memory_space<vmem>>, vector<16xf32>,
        %add3A_1932 = arith.addf %add3A_1896, %get3A_1931 : vector<16xf32>
        %add3A_1933 = arith.addf %add3A_1923, %add3A_1932 : vector<16xf32>
        %add3A_1934 = arith.addf %add3A_1905, %add3A_1914 : vector<16xf32>
        %add3A_1935 = arith.addf %add3A_1933, %add3A_1934 : vector<16xf32>
        %add3A_1936 = arith.addf %add3A_1935, %get3A_907 : vector<16xf32>
        %jit3A_1937 = arith.constant 0.000000e+00 : f32
        %jit3A_1938 = arith.constant 1.000000e+00 : f32
        %max3A_1939 = vector.broadcast %jit3A_1937 : f32 to vector<16xf32>
        %max3A_1940 = arith.maximumf %max3A_1939, %add3A_1936 : vector<16xf32>
        %min3A_1941 = vector.broadcast %jit3A_1938 : f32 to vector<16xf32>
        %min3A_1942 = arith.minimumf %min3A_1941, %max3A_1940 : vector<16xf32>
        %mul3A_1943 = arith.mulf %min3A_1942, %min3A_1942 : vector<16xf32>
        %mul3A_1944 = arith.constant 0.99609375 : f32
        %mul3A_1945 = vector.broadcast %mul3A_1944 : f32 to vector<16xf32>
        %mul3A_1946 = arith.mulf %mul3A_1943, %mul3A_1945 : vector<16xf32>
        %mul3A_1947 = arith.constant 256 : i32
        %mul3A_1948 = vector.broadcast %mul3A_1947 : i32 to vector<16xi32>
        %mul3A_1949 = arith.muli %min3A_821, %mul3A_1948 : vector<16xi32>
        %mul3A_1950 = arith.constant 16 : i32
        %mul3A_1951 = arith.muli %add3A_904, %mul3A_1950 : i32
        %add3A_1952 = vector.broadcast %mul3A_1951 : i32 to vector<16xi32>
        %add3A_1953 = arith.addi %add3A_1952, %iota3A : vector<16xi32>
        %add3A_1954 = arith.addi %mul3A_1949, %add3A_1953 : vector<16xi32>
        %gather3A_1955 = tpu.vector_load_idx %arg12[%add3A_1954] : memref<15360xf32, #tpu.memory_space<vmem>>[vector<16xi32>], vector<16xf32>,
        %mul3A_1956 = arith.mulf %mul3A_1946, %gather3A_1955 : vector<16xf32>
        %add3A_1957 = arith.addf %scan3A_900, %mul3A_1956 : vector<16xf32>
        scf.yield %add3A_1192, %add3A_1447, %add3A_1702, %add3A_1957 : vector<16xf32>, vector<16xf32>, vector<16xf32>, vector<16xf32>
      }
      %scan3A_835 = arith.constant 16 : i32
      %broadcast_in_dim3A_836 = arith.constant 0.000000e+00 : f32
      %broadcast_in_dim3A_837 = vector.broadcast %broadcast_in_dim3A_836 : f32 to vector<16xf32>
      %reduce_sum3A = arith.constant true
      %reduce_sum3A_838 = vector.broadcast %reduce_sum3A : i1 to vector<16xi1>
      %reduce_sum3A_839 = tpu.scan <sum>, %scan3A_834#0 masked %reduce_sum3A_838 : vector<16xf32>, vector<16xi1> -> vector<16xf32>
      %reduce_sum3A_840 = vector.extract %reduce_sum3A_839[15] : f32 from vector<16xf32>
      %gather3A_841 = tpu.vector_load_idx %arg14[%min3A_683] : memref<60xf32, #tpu.memory_space<vmem>>[vector<16xi32>], vector<16xf32>,
      %eq3A = arith.constant 0 : i32
      %eq3A_842 = vector.broadcast %eq3A : i32 to vector<16xi32>
      %eq3A_843 = arith.cmpi eq, %iota3A, %eq3A_842 : vector<16xi32>
      %add3A_844 = vector.broadcast %reduce_sum3A_840 : f32 to vector<16xf32>
      %add3A_845 = arith.addf %add3A_844, %gather3A_841 : vector<16xf32>
      %jit3A_846 = arith.constant 0.000000e+00 : f32
      %broadcast_in_dim3A_847 = vector.broadcast %jit3A_846 : f32 to vector<16xf32>
      %select_n3A_848 = arith.select %eq3A_843, %add3A_845, %broadcast_in_dim3A_847 : vector<16xi1>, vector<16xf32>
      %add3A_849 = arith.addf %broadcast_in_dim3A_837, %select_n3A_848 : vector<16xf32>
      %reduce_sum3A_850 = arith.constant true
      %reduce_sum3A_851 = vector.broadcast %reduce_sum3A_850 : i1 to vector<16xi1>
      %reduce_sum3A_852 = tpu.scan <sum>, %scan3A_834#1 masked %reduce_sum3A_851 : vector<16xf32>, vector<16xi1> -> vector<16xf32>
      %reduce_sum3A_853 = vector.extract %reduce_sum3A_852[15] : f32 from vector<16xf32>
      %gather3A_854 = tpu.vector_load_idx %arg14[%min3A_729] : memref<60xf32, #tpu.memory_space<vmem>>[vector<16xi32>], vector<16xf32>,
      %eq3A_855 = arith.constant 1 : i32
      %eq3A_856 = vector.broadcast %eq3A_855 : i32 to vector<16xi32>
      %eq3A_857 = arith.cmpi eq, %iota3A, %eq3A_856 : vector<16xi32>
      %add3A_858 = vector.broadcast %reduce_sum3A_853 : f32 to vector<16xf32>
      %add3A_859 = arith.addf %add3A_858, %gather3A_854 : vector<16xf32>
      %jit3A_860 = arith.constant 0.000000e+00 : f32
      %broadcast_in_dim3A_861 = vector.broadcast %jit3A_860 : f32 to vector<16xf32>
      %select_n3A_862 = arith.select %eq3A_857, %add3A_859, %broadcast_in_dim3A_861 : vector<16xi1>, vector<16xf32>
      %add3A_863 = arith.addf %add3A_849, %select_n3A_862 : vector<16xf32>
      %reduce_sum3A_864 = arith.constant true
      %reduce_sum3A_865 = vector.broadcast %reduce_sum3A_864 : i1 to vector<16xi1>
      %reduce_sum3A_866 = tpu.scan <sum>, %scan3A_834#2 masked %reduce_sum3A_865 : vector<16xf32>, vector<16xi1> -> vector<16xf32>
      %reduce_sum3A_867 = vector.extract %reduce_sum3A_866[15] : f32 from vector<16xf32>
      %gather3A_868 = tpu.vector_load_idx %arg14[%min3A_775] : memref<60xf32, #tpu.memory_space<vmem>>[vector<16xi32>], vector<16xf32>,
      %eq3A_869 = arith.constant 2 : i32
      %eq3A_870 = vector.broadcast %eq3A_869 : i32 to vector<16xi32>
      %eq3A_871 = arith.cmpi eq, %iota3A, %eq3A_870 : vector<16xi32>
      %add3A_872 = vector.broadcast %reduce_sum3A_867 : f32 to vector<16xf32>
      %add3A_873 = arith.addf %add3A_872, %gather3A_868 : vector<16xf32>
      %jit3A_874 = arith.constant 0.000000e+00 : f32
      %broadcast_in_dim3A_875 = vector.broadcast %jit3A_874 : f32 to vector<16xf32>
      %select_n3A_876 = arith.select %eq3A_871, %add3A_873, %broadcast_in_dim3A_875 : vector<16xi1>, vector<16xf32>
      %add3A_877 = arith.addf %add3A_863, %select_n3A_876 : vector<16xf32>
      %reduce_sum3A_878 = arith.constant true
      %reduce_sum3A_879 = vector.broadcast %reduce_sum3A_878 : i1 to vector<16xi1>
      %reduce_sum3A_880 = tpu.scan <sum>, %scan3A_834#3 masked %reduce_sum3A_879 : vector<16xf32>, vector<16xi1> -> vector<16xf32>
      %reduce_sum3A_881 = vector.extract %reduce_sum3A_880[15] : f32 from vector<16xf32>
      %gather3A_882 = tpu.vector_load_idx %arg14[%min3A_821] : memref<60xf32, #tpu.memory_space<vmem>>[vector<16xi32>], vector<16xf32>,
      %eq3A_883 = arith.constant 3 : i32
      %eq3A_884 = vector.broadcast %eq3A_883 : i32 to vector<16xi32>
      %eq3A_885 = arith.cmpi eq, %iota3A, %eq3A_884 : vector<16xi32>
      %add3A_886 = vector.broadcast %reduce_sum3A_881 : f32 to vector<16xf32>
      %add3A_887 = arith.addf %add3A_886, %gather3A_882 : vector<16xf32>
      %jit3A_888 = arith.constant 0.000000e+00 : f32
      %broadcast_in_dim3A_889 = vector.broadcast %jit3A_888 : f32 to vector<16xf32>
      %select_n3A_890 = arith.select %eq3A_885, %add3A_887, %broadcast_in_dim3A_889 : vector<16xi1>, vector<16xf32>
      %add3A_891 = arith.addf %add3A_877, %select_n3A_890 : vector<16xf32>
      %mul3A_892 = arith.constant 4 : i32
      %mul3A_893 = arith.muli %add3A_614, %mul3A_892 : i32
      %swap3A_894 = arith.index_cast %mul3A_893 : i32 to index
      %swap3A_895 = tpu.vector_load %arg16[%swap3A_894] {strides = array<i32>} : memref<528xf32, #tpu.memory_space<vmem>>, vector<16xf32>,
      tpu.vector_store %arg16[%swap3A_894], %add3A_891 {strides = array<i32>} : memref<528xf32, #tpu.memory_space<vmem>>, vector<16xf32>,
    }
    %scan3A_607 = arith.constant 128 : i32
    %mul3A_608 = arith.constant 512 : i32
    %mul3A_609 = arith.muli %add3A, %mul3A_608 : i32
    "tpu.region"() ({
      %run_scoped3A = tpu.sem_alloc : memref<!tpu.dma_semaphore, #tpu.memory_space<semaphore_mem>>
      %dma_start3A_610 = arith.constant 0 : i32
      %dma_start3A_611 = tpu.memref_slice %arg16[%dma_start3A_610] : memref<528xf32, #tpu.memory_space<vmem>> -> memref<512xf32, #tpu.memory_space<vmem>>
      %dma_start3A_612 = tpu.memref_slice %arg8[%mul3A_609] : memref<16384xf32, #tpu.memory_space<hbm>> -> memref<512xf32, #tpu.memory_space<hbm>>
      %dma_start3A_613 = tpu.memref_slice %arg8[%mul3A_609] : memref<16384xf32, #tpu.memory_space<hbm>> -> memref<512xf32, #tpu.memory_space<hbm>>
      %dma_start3A_614 = arith.constant 0 : i32
      %dma_start3A_615 = tpu.memref_slice %arg16[%dma_start3A_614] : memref<528xf32, #tpu.memory_space<vmem>> -> memref<512xf32, #tpu.memory_space<vmem>>
      tpu.enqueue_dma source(%dma_start3A_615 : memref<512xf32, #tpu.memory_space<vmem>>) target(%dma_start3A_613 : memref<512xf32, #tpu.memory_space<hbm>>) target_semaphore(%run_scoped3A : memref<!tpu.dma_semaphore, #tpu.memory_space<semaphore_mem>>)
      %dma_wait3A = arith.constant 0 : i32
      %dma_wait3A_616 = tpu.memref_slice %arg16[%dma_wait3A] : memref<528xf32, #tpu.memory_space<vmem>> -> memref<512xf32, #tpu.memory_space<vmem>>
      %dma_wait3A_617 = tpu.memref_slice %arg8[%mul3A_609] : memref<16384xf32, #tpu.memory_space<hbm>> -> memref<512xf32, #tpu.memory_space<hbm>>
      %dma_wait3A_618 = tpu.memref_slice %arg8[%mul3A_609] : memref<16384xf32, #tpu.memory_space<hbm>> -> memref<512xf32, #tpu.memory_space<hbm>>
      %dma_wait3A_619 = arith.constant 0 : i32
      %dma_wait3A_620 = tpu.memref_slice %arg16[%dma_wait3A_619] : memref<528xf32, #tpu.memory_space<vmem>> -> memref<512xf32, #tpu.memory_space<vmem>>
      tpu.wait_dma2 semaphore(%run_scoped3A : memref<!tpu.dma_semaphore, #tpu.memory_space<semaphore_mem>>) src(%dma_wait3A_620 : memref<512xf32, #tpu.memory_space<vmem>>) dst(%dma_wait3A_618 : memref<512xf32, #tpu.memory_space<hbm>>)
      tpu.yield
    }) : () -> ()
    return
  }
}

</mosaic_0001>

<sc_bundles>
// kernel: kernel.3.cloned.1.call-start
scs
__scs_entry_jumppad:
0x0: {  	(pc) =	sbr.rel $0x88, $3  }
0x1: {  	(tag) =	ssettag $0x0;
	lr =	simm.s32 $0x1  }
0x2: {  	[smem:$0x3F9B] =	sst lr;
	_ =	strace $0xD0000000  }
0x3: {  	_ = 	snop  }
0x4: {  	_ = 	snop  }
0x5: {  	_ = 	snop  }
0x6: {  	_ = 	snop  }
0x7: {  	_ = 	snop  }
__scs_overlays_trampoline_lowered:
0x8: {  	[smem:$0x3FAA] =	sst s0  }
0x9: {  	[smem:$0x3FAB] =	sst s1  }
0xa: {  	[smem:$0x3FAC] =	sst s2  }
0xb: {  	[smem:$0x3FAD] =	sst s3  }
0xc: {  	[smem:$0x3FAE] =	sst s4  }
0xd: {  	[smem:$0x3FAF] =	sst s5  }
0xe: {  	[smem:$0x3FB0] =	sst s6  }
0xf: {  	[smem:$0x3FB1] =	sst s7  }
0x10: {  	[smem:$0x3FB2] =	sst s8  }
0x11: {  	[smem:$0x3FB3] =	sst s9;
	s0 =	simm.s32 @!p0 $0x0  }
0x12: {  	s1 =	sld [smem:$0x3F99];
	s0 =	simm.s32 @p0 $0x1  }
0x13: {  	[smem:$0x3FB4] =	sst s0;
	s0 =	simm.s32 @!p1 $0x0  }
0x14: {  	s2 =	sld [smem:$0x3F98];
	s0 =	simm.s32 @p1 $0x1  }
0x15: {  	[smem:$0x3FB5] =	sst s0;
	s0 =	simm.s32 @!p2 $0x0  }
0x16: {  	s3 =	sld [smem:$0x3FDB];
	s0 =	simm.s32 @p2 $0x1  }
0x17: {  	s4 =	simm.s32 $0x1BF5;
	[smem:$0x3FB7] =	sst s0  }
0x18: {  	s0 =	sld [smem:$0x3F9A];
	_ =	swait.ge [sflag:s4], $0x0  }
0x19: {  	s7 =	sld [smem:$0x3F9B]  }
0x1a: {  	s8 =	sadd.s32 $0xFFFFE003, lr  }
0x1b: {  	s9 =	sadd.s32 $0xFFFFFEF7, lr;
	s5 =	simm.s32 $0xFFFFFFFF;
	p2 =	slt.u32 s8, $0xFFFFF086  }
0x1c: {  	p1 =	slt.u32 s9, $0xF7A;
	s5 =	simm.s32 @!p2 $0x0  }
0x1d: {  	s5 =	simm.s32 @p1 $0x1;
	p0 =	seq.s32 s7, s2  }
0x1e: {  	s7 =	smul.u32 @!p0 $0xF7A, s2;
	p2 =	seq.s32 @!p0 s5, $0x0  }
0x1f: {  	s9 =	smul.u32 $0xF7A, s1;
	s8 =	simm.s32 @!p0 $0x1BF5;
	p2 =	por !p2, p0  }
0x20: {  	[sflag:s8] =	ssyncset.s32 @!p0 $0xFFFFF086;
	s6 =	sadd.s32 @!p0 s3, s7;
	s7 =	simm.s32 @!p0 $0x108  }
0x21: {  	s3 =	sadd.s32 s3, s9;
	s6 =	sadd.s32 @!p0 $0x88, s6;
	s7 =	simm.s32 @p2 $0x1082  }
0x22: {  	[simem:s7], [sflag:s8] =	dma.local @!p0 [hbm:s6], $0xF7A  }
0x23: {  	s9 =	sor.u32 $0xD0000000, s2;
	s6 =	simm.s32 $0x108;
	_ =	swait.ge @!p0 [sflag:s8], $0x0  }
0x24: {  	s3 =	sadd.s32 $0x88, s3;
	s6 =	simm.s32 @!p1 $0x1082;
	[sflag:s4] =	ssyncset.s32 $0xFFFFF086  }
0x25: {  	[simem:s6], [sflag:s4] =	dma.local [hbm:s3], $0xF7A  }
0x26: {  	[smem:$0x3F9B] =	sst s1;
	(tag) =	ssettag s2;
	_ =	strace s9  }
0x27: {  	s1 =	sld [smem:$0x3FAB]  }
0x28: {  	s2 =	sld [smem:$0x3FAC]  }
0x29: {  	s4 =	sld [smem:$0x3FAE]  }
0x2a: {  	p0 =	seq.s32 s5, $0x0;
	s5 =	sld [smem:$0x3FAF]  }
0x2b: {  	s6 =	sld [smem:$0x3FB0]  }
0x2c: {  	s7 =	sld [smem:$0x3FB1]  }
0x2d: {  	s3 =	simm.s32 $0x108;
	s8 =	sld [smem:$0x3FB2]  }
0x2e: {  	s3 =	simm.s32 @!p0 $0x1082;
	s9 =	sld [smem:$0x3FB3]  }
0x2f: {  	lr =	sadd.s32 s0, s3;
	s0 =	sld [smem:$0x3FAA]  }
0x30: {  	s3 =	sld [smem:$0x3FAD]  }
0x31: {  	[smem:$0x3FB6] =	sst s10  }
0x32: {  	s10 =	sld [smem:$0x3FB4];
	_ =	sdelay $0x3  }
0x33: {  	p0 =	seq.s32 s10, $0x1;
	s10 =	sld [smem:$0x3FB6];
	_ =	sdelay $0x3  }
0x34: {  	[smem:$0x3FB6] =	sst s10  }
0x35: {  	s10 =	sld [smem:$0x3FB5];
	_ =	sdelay $0x3  }
0x36: {  	p1 =	seq.s32 s10, $0x1;
	s10 =	sld [smem:$0x3FB6];
	_ =	sdelay $0x3  }
0x37: {  	[smem:$0x3FB6] =	sst s10  }
0x38: {  	s10 =	sld [smem:$0x3FB7]  }
0x39: {  	_ = 	snop;
	(pc) =	sbr.ind lr, $3  }
0x3a: {  	_ = 	snop  }
0x3b: {  	_ = 	snop  }
0x3c: {  	p2 =	seq.s32 s10, $0x1;
	s10 =	sld [smem:$0x3FB6]  }
0x3d: {  	_ =	shalt  }
0x3e: {  	_ =	shalt  }
0x3f: {  	_ =	shalt  }
0x40: {  	_ =	shalt  }
0x41: {  	_ =	shalt  }
0x42: {  	_ =	shalt  }
0x43: {  	_ =	shalt  }
0x44: {  	_ =	shalt  }
0x45: {  	_ =	shalt  }
0x46: {  	_ =	shalt  }
0x47: {  	_ =	shalt  }
0x48: {  	_ =	shalt  }
0x49: {  	_ =	shalt  }
0x4a: {  	_ =	shalt  }
0x4b: {  	_ =	shalt  }
0x4c: {  	_ =	shalt  }
0x4d: {  	_ =	shalt  }
0x4e: {  	_ =	shalt  }
0x4f: {  	_ =	shalt  }
0x50: {  	_ =	shalt  }
0x51: {  	_ =	shalt  }
0x52: {  	_ =	shalt  }
0x53: {  	_ =	shalt  }
0x54: {  	_ =	shalt  }
0x55: {  	_ =	shalt  }
0x56: {  	_ =	shalt  }
0x57: {  	_ =	shalt  }
0x58: {  	_ =	shalt  }
0x59: {  	_ =	shalt  }
0x5a: {  	_ =	shalt  }
0x5b: {  	_ =	shalt  }
0x5c: {  	_ =	shalt  }
0x5d: {  	_ =	shalt  }
0x5e: {  	_ =	shalt  }
0x5f: {  	_ =	shalt  }
0x60: {  	_ =	shalt  }
0x61: {  	_ =	shalt  }
0x62: {  	_ =	shalt  }
0x63: {  	_ =	shalt  }
0x64: {  	_ =	shalt  }
0x65: {  	_ =	shalt  }
0x66: {  	_ =	shalt  }
0x67: {  	_ =	shalt  }
0x68: {  	_ =	shalt  }
0x69: {  	_ =	shalt  }
0x6a: {  	_ =	shalt  }
0x6b: {  	_ =	shalt  }
0x6c: {  	_ =	shalt  }
0x6d: {  	_ =	shalt  }
0x6e: {  	_ =	shalt  }
0x6f: {  	_ =	shalt  }
0x70: {  	_ =	shalt  }
0x71: {  	_ =	shalt  }
0x72: {  	_ =	shalt  }
0x73: {  	_ =	shalt  }
0x74: {  	_ =	shalt  }
0x75: {  	_ =	shalt  }
0x76: {  	_ =	shalt  }
0x77: {  	_ =	shalt  }
0x78: {  	_ =	shalt  }
0x79: {  	_ =	shalt  }
0x7a: {  	_ =	shalt  }
0x7b: {  	_ =	shalt  }
0x7c: {  	_ =	shalt  }
0x7d: {  	_ =	shalt  }
0x7e: {  	_ =	shalt  }
0x7f: {  	_ =	shalt  }
0x80: {  	_ =	shalt  }
0x81: {  	_ =	shalt  }
0x82: {  	_ =	shalt  }
0x83: {  	_ =	shalt  }
0x84: {  	_ =	shalt  }
0x85: {  	_ =	shalt  }
0x86: {  	_ =	shalt  }
0x87: {  	_ =	shalt  }
.Lfunc_end0:
.L_simem_size_0:
called_computation_lowered:
.L_overlay_start_0:
0x88: {  	s2 =	sld [smem:$0x3FD9]  }
0x89: {  	s3 =	sld [smem:$0x3FFE];
	_ =	sdelay $0x1  }
0x8a: {  	s1 =	srdreg.scid  }
0x8b: {  	s0 =	sand.u32 $0x1, s1  }
0x8c: {  	s17 =	sshll.u32 s0, $0xA;
	s2 =	sadd.s32 s3, s2  }
0x8d: {  	s2 =	sadd.s32 s2, s17  }
0x8e: {  	[smem:$0x3FC2] =	sst s2  }
0x8f: {  	_ = 	snop  }
0x90: {  	s2 =	sld [smem:$0x3FC8]  }
0x91: {  	s18 =	sld [smem:$0x3FC7]  }
0x92: {  	s4 =	sld [smem:$0x3FC6]  }
0x93: {  	s5 =	sld [smem:$0x3FC4]  }
0x94: {  	s6 =	sld [smem:$0x3FD0];
	(tm) =	ssettm $0x1  }
0x95: {  	s7 =	sld [smem:$0x3FFB];
	_ =	sdelay $0x3  }
0x96: {  	_ =	strace s7  }
0x97: {  	s7 =	sld [smem:$0x3FFC];
	_ =	sdelay $0x3  }
0x98: {  	_ =	strace s7  }
0x99: {  	s7 =	sld [smem:$0x3FFD];
	_ =	sdelay $0x3  }
0x9a: {  	_ =	strace s7  }
0x9b: {  	_ =	strace $0x8FFFFFFF  }
0x9c: {  	s19 =	sld [smem:$0x3FDB];
	_ =	sdelay $0x1  }
0x9d: {  	s8 =	simm.s32 $_scs_section_size  }
0x9e: {  	s9 =	simm.s32 $_size__tile_overlayer_lowered;
	s10 =	simm.s32 $_tile_overlayer_lowered  }
0x9f: {  	s22 =	simm.s32 $0x1BFF;
	s21 =	sshll.u32 s10, $0x1;
	s7 =	sadd.s32 s8, s19  }
0xa0: {  	s11 =	simm.s32 $0x0;
	s20 =	sshll.u32 s9, $0x1;
	s9 =	sadd.s32 s21, s7  }
0xa1: {  	[timem:s11], [sflag:s22] =	dma.local [hbm:s9], s20  }
0xa2: {  	_ =	swait.ge [sflag:s22], s20  }
0xa3: {  	s8 =	ssub.s32 $0x0, s20;
	[sflag:s22] =	ssyncset.done $0x0  }
0xa4: {  	[sflag:s22] =	ssyncadd.s32 s8;
	_ =	sdelay $0x1  }
0xa5: {  	s23 =	simm.s32 $0x1B8B  }
0xa6: {  	_ =	swait.ge [sflag:s23], $0x1  }
0xa7: {  	[sflag:s23] =	ssyncset.done $0x0  }
0xa8: {  	s25 =	simm.s32 $0x1B8E;
	s24 =	sld [smem:$0x3FFE];
	[sflag:s23] =	ssyncadd.s32 $0xFFFFFFFF  }
0xa9: {  	s26 =	simm.s32 $execute0_lowered;
	[smem:$0x3FD2] =	sst s25  }
0xaa: {  	s9 =	sshll.u32 s26, $0x1;
	_ =	strace $0x80000046;
	[dreg:$0x1] =	wrdreg $0xFFFFFFFF  }
0xab: {  	s28 =	simm.s32 $_size_execute0_lowered;
	s7 =	sadd.s32 s7, s9;
	[dreg:$0x0] =	wrdreg $0x0  }
0xac: {  	s9 =	sshll.u32 s28, $0x1;
	[dreg:$0x2] =	wrdreg s7  }
0xad: {  	[dreg:$0x3] =	wrdreg s9  }
0xae: {  	[dreg:$0x4] =	wrdreg $0xC0  }
0xaf: {  	_ =	task [dreg:s11], $0x5FFFF  }
0xb0: {  	[dreg:$0x1] =	wrdreg $0xFFFFFFFF  }
0xb1: {  	[dreg:$0x0] =	wrdreg $0x60  }
0xb2: {  	[dreg:$0x2] =	wrdreg s24  }
0xb3: {  	[dreg:$0x3] =	wrdreg s2  }
0xb4: {  	[dreg:$0x4] =	wrdreg s18  }
0xb5: {  	[dreg:$0x5] =	wrdreg s4  }
0xb6: {  	[dreg:$0x6] =	wrdreg s5  }
0xb7: {  	[dreg:$0x7] =	wrdreg s6  }
0xb8: {  	[dreg:$0x8] =	wrdreg $0x9  }
0xb9: {  	_ =	task.clear_ibuf [dreg:s11], $0x9FFFF;
	_ =	strace $0x90000046  }
0xba: {  	s29 =	simm.s32 $0x9;
	_ =	strace $0x80000048  }
0xbb: {  	_ =	swait.ge [sflag:s29], $0x1  }
0xbc: {  	[sflag:s29] =	ssyncadd.s32 $0xFFFFFFFF  }
0xbd: {  	_ =	strace $0x90000048  }
0xbe: {  	_ =	sfence  }
0xbf: {  	s30 =	sld [smem:$0x0];
	_ =	sdelay $0x2  }
0xc0: {  	s31 =	sshll.u32 s1, $0xD;
	s1 =	sshrl.u32 s1, $0x2  }
0xc1: {  	s3 =	sand.u32 $0x4000, s31;
	s1 =	sadd.s32 s1, s30  }
0xc2: {  	s0 =	sor.u32 s3, s0;
	s1 =	sshll.u32 s1, $0x11  }
0xc3: {  	s0 =	sor.u32 s1, s0  }
0xc4: {  	s0 =	sadd.s32 $0x8F2B, s0  }
0xc5: {  	[sflag:s0] =	ssyncadd.remote.s32 $0x1  }
0xc6: {  	_ =	sfence.sel $0xFFFF  }
0xc7: {  	[dreg:$0x0] =	wrdreg $0xFFFFFFFF;
	(pc) =	sbr.abs _section_cstart, $3  }
0xc8: {  	[dreg:$0x1] =	wrdreg $0xFFFFFFFF  }
0xc9: {  	_ =	task.clear_ibuf [dreg:s11], $0x2FFFF;
	_ =	strace $0x9FFFFFFF  }
0xca: {  	(tm) =	ssettm $0x7FFFFFFF  }
0xcb: {  	_ =	shalt  }
tec
execute0_lowered:
.L_overlay_start_1:
0x0: {  	(tag) =	ssettag $0x1  }
0x1: {  	s0 =	rddreg [dreg:$0x0]  }
0x2: {  	s2 =	rddreg [dreg:$0x1]  }
0x3: {  	s1 =	rddreg [dreg:$0x2];
	s5 =	simm.s32 $0x0;
	v0 =	vlaneseq.u32  }
0x4: {  	[smem:$0x7FF] =	sst s5;
	v1 =	vor.u32 $0x10, v0  }
0x5: {  	s9 =	rddreg [dreg:$0x5];
	v52 =	vor.u32 $0x20, v0;
	_ =	strace $0x80000047;
	[tilespmem:$0x1FF20] =	vst v1  }
0x6: {  	v53 =	vor.u32 $0x30, v0;
	[tilespmem:$0x1FF30] =	vst v52  }
0x7: {  	v54 =	vor.u32 $0x40, v0;
	[tilespmem:$0x1FF40] =	vst v53  }
0x8: {  	s3 =	srdreg.scid;
	s4 =	stileid.u32;
	v55 =	vor.u32 $0x50, v0;
	[tilespmem:$0x1FF50] =	vst v54  }
0x9: {  	s11 =	simm.s32 $0x2;
	s12 =	simm.s32 $0x36A0;
	s13 =	simm.s32 $0x38A0;
	v56 =	vor.u32 $0x60, v0;
	[tilespmem:$0x1FF60] =	vst v55  }
0xa: {  	s15 =	simm.s32 $0x75A0;
	s16 =	simm.s32 $0x68;
	s17 =	simm.s32 $0x3400;
	v57 =	vadd.s32 $0x68, v0;
	[tilespmem:$0x1FF70] =	vst v56  }
0xb: {  	s18 =	simm.s32 $0x75E0;
	s19 =	simm.s32 $0x3470;
	s20 =	simm.s32 $0xA9E0;
	v58 =	vadd.s32 $0x78, v0;
	[tilespmem:$0x1FF80] =	vst v57  }
0xc: {  	s21 =	simm.s32 $0x34E0;
	s22 =	simm.s32 $0xDDE0;
	s23 =	simm.s32 $0x3550;
	v59 =	vadd.s32 $0x88, v0;
	[tilespmem:$0x1FF90] =	vst v58  }
0xd: {  	s24 =	simm.s32 $0x111E0;
	s3 =	sand.u32 $0x1, s3;
	s4 =	sshll.u32 s4, $0x1;
	v60 =	vadd.s32 $0x98, v0;
	[tilespmem:$0x1FFA0] =	vst v59  }
0xe: {  	s25 =	simm.s32 $0x1;
	v61 =	vadd.s32 $0xA8, v0;
	s4 =	sor.u32 s3, s4;
	s3 =	ssub.s32 $0x2, s3;
	[tilespmem:$0x1FFB0] =	vst v60  }
0xf: {  	s26 =	simm.s32 $0x1ADE0;
	v62 =	vadd.s32 $0xB8, v0;
	[tilespmem:$0x1FFC0] =	vst v61;
	s6 =	smul.u32 $0x680, s4;
	s8 =	sshrl.u32 s3, $0x1  }
0x10: {  	s28 =	simm.s32 $0x0;
	v63 =	vadd.s32 $0xC8, v0;
	[tilespmem:$0x1FFD0] =	vst v62;
	s31 =	sshll.u32 s4, $0x6;
	s30 =	ssub.s32 s3, s8  }
0x11: {  	vm0 =	vmmov $0x1;
	v0 =	vand.u32 $0x7, v0;
	[tilespmem:$0x1FFE0] =	vst v63;
	s8 =	sadd.s32 s2, s31;
	s9 =	sadd.s32 s9, s31;
	s7 =	sadd.s32 s6, s0  }
0x12: {  	vm1 =	vcmask $0x308;
	vm2 =	vcmask $0x70C;
	vm3 =	vcmask $0xB10;
	[tilespmem:$0x1FFF0] =	vst v0;
	s6 =	sadd.s32 $0xD600, s0;
	s10 =	smax.u32 s30, $0x1;
	s7 =	sadd.s32 $0x600, s7  }
.LBB2_1:
0x13: {  	[tilespmem:s5], [sflag:$0x2] =	stream.linear.gather [hbm4b:s7+s5], $0x3400, $0x38;
	[tilespmem:$0x1AFF0] =	vst v63  }
0x14: {  	_ =	swait.ge [sflag:s11], $0x3400  }
0x15: {  	[sflag:s11] =	ssyncset.done $0x0  }
0x16: {  	[sflag:s11] =	ssyncadd.s32 $0xFFFFCC00  }
0x17: {  	[tilespmem:s12], [sflag:$0x2] =	stream.linear.gather [hbm4b:s8+s5], $0x200, $0x38;
	[tilespmem:$0x1AFF0] =	vst v63  }
0x18: {  	_ =	swait.ge [sflag:s11], $0x200  }
0x19: {  	[sflag:s11] =	ssyncset.done $0x0  }
0x1a: {  	[sflag:s11] =	ssyncadd.s32 $0xFFFFFE00  }
0x1b: {  	[tilespmem:s13], [sflag:$0x2] =	stream.linear.gather [hbm4b:s6+s5], $0x3C00, $0x38;
	[tilespmem:$0x1AFF0] =	vst v63  }
0x1c: {  	_ =	swait.ge [sflag:s11], $0x3C00  }
0x1d: {  	[sflag:s11] =	ssyncset.done $0x0  }
0x1e: {  	[sflag:s11] =	ssyncadd.s32 $0xFFFFC400  }
0x1f: {  	s2 =	simm.s32 $0x74A0;
	s0 =	rddreg [dreg:$0x3]  }
0x20: {  	[tilespmem:s2], [sflag:$0x2] =	stream.linear.gather [hbm4b:s0+s5], $0x100, $0x38;
	[tilespmem:$0x1AFF0] =	vst v63  }
0x21: {  	_ =	swait.ge [sflag:s11], $0x100  }
0x22: {  	[sflag:s11] =	ssyncset.done $0x0  }
0x23: {  	[sflag:s11] =	ssyncadd.s32 $0xFFFFFF00  }
0x24: {  	v0 =	vlaneseq.u32;
	s31 =	rddreg [dreg:$0x4]  }
0x25: {  	[tilespmem:s15], [sflag:$0x2] =	stream.linear.gather [hbm4b:s31+s5], $0x40, $0x38;
	[tilespmem:$0x1AFF0] =	vst v63  }
0x26: {  	_ =	swait.ge [sflag:s11], $0x40  }
0x27: {  	[sflag:s11] =	ssyncset.done $0x0  }
0x28: {  	[sflag:s11] =	ssyncadd.s32 $0xFFFFFFC0  }
0x29: {  	v15 =	vld.idx.msk [tilespmem:v0+s5+$0x0], $0xffff;
	_ =	sdelay $0x1  }
0x2a: {  	v38 =	vld [tilespmem:$0x1FF20];
	_ =	sdelay $0x2  }
0x2b: {  	v16 =	vshll.u32 v15, $0x1  }
0x2c: {  	v15 =	vand.u32 $0x7, v15;
	v16 =	vand.u32 $0xFFFFFFF0, v16  }
0x2d: {  	v15 =	vor.u32 v15, v16  }
0x2e: {  	[tilespmem:$0x3400] =	vst v15;
	v15 =	vor.u32 $0x8, v15  }
0x2f: {  	[tilespmem:$0x3470] =	vst v15  }
0x30: {  	v15 =	vld.idx.msk [tilespmem:v38+s5+$0x0], $0xffff;
	_ =	sdelay $0x1  }
0x31: {  	v40 =	vld [tilespmem:$0x1FF30];
	_ =	sdelay $0x2  }
0x32: {  	v39 =	vshll.u32 v15, $0x1  }
0x33: {  	v15 =	vand.u32 $0x7, v15;
	v16 =	vand.u32 $0xFFFFFFF0, v39  }
0x34: {  	v15 =	vor.u32 v15, v16  }
0x35: {  	[tilespmem:$0x3410] =	vst v15;
	v15 =	vor.u32 $0x8, v15  }
0x36: {  	[tilespmem:$0x3480] =	vst v15  }
0x37: {  	v15 =	vld.idx.msk [tilespmem:v40+s5+$0x0], $0xffff;
	_ =	sdelay $0x1  }
0x38: {  	v42 =	vld [tilespmem:$0x1FF40];
	_ =	sdelay $0x2  }
0x39: {  	v41 =	vshll.u32 v15, $0x1  }
0x3a: {  	v15 =	vand.u32 $0x7, v15;
	v16 =	vand.u32 $0xFFFFFFF0, v41  }
0x3b: {  	v15 =	vor.u32 v15, v16  }
0x3c: {  	[tilespmem:$0x3420] =	vst v15;
	v15 =	vor.u32 $0x8, v15  }
0x3d: {  	[tilespmem:$0x3490] =	vst v15  }
0x3e: {  	v15 =	vld.idx.msk [tilespmem:v42+s5+$0x0], $0xffff;
	_ =	sdelay $0x1  }
0x3f: {  	v44 =	vld [tilespmem:$0x1FF50];
	_ =	sdelay $0x2  }
0x40: {  	v43 =	vshll.u32 v15, $0x1  }
0x41: {  	v15 =	vand.u32 $0x7, v15;
	v16 =	vand.u32 $0xFFFFFFF0, v43  }
0x42: {  	v15 =	vor.u32 v15, v16  }
0x43: {  	[tilespmem:$0x3430] =	vst v15;
	v15 =	vor.u32 $0x8, v15  }
0x44: {  	[tilespmem:$0x34A0] =	vst v15  }
0x45: {  	v15 =	vld.idx.msk [tilespmem:v44+s5+$0x0], $0xffff;
	_ =	sdelay $0x1  }
0x46: {  	v46 =	vld [tilespmem:$0x1FF60];
	_ =	sdelay $0x2  }
0x47: {  	v45 =	vshll.u32 v15, $0x1  }
0x48: {  	v15 =	vand.u32 $0x7, v15;
	v16 =	vand.u32 $0xFFFFFFF0, v45  }
0x49: {  	v15 =	vor.u32 v15, v16  }
0x4a: {  	[tilespmem:$0x3440] =	vst v15;
	v15 =	vor.u32 $0x8, v15  }
0x4b: {  	[tilespmem:$0x34B0] =	vst v15  }
0x4c: {  	v15 =	vld.idx.msk [tilespmem:v46+s5+$0x0], $0xffff;
	_ =	sdelay $0x1  }
0x4d: {  	v48 =	vld [tilespmem:$0x1FF70];
	_ =	sdelay $0x2  }
0x4e: {  	v47 =	vshll.u32 v15, $0x1  }
0x4f: {  	v15 =	vand.u32 $0x7, v15;
	v16 =	vand.u32 $0xFFFFFFF0, v47  }
0x50: {  	v15 =	vor.u32 v15, v16  }
0x51: {  	[tilespmem:$0x3450] =	vst v15;
	v15 =	vor.u32 $0x8, v15  }
0x52: {  	[tilespmem:$0x34C0] =	vst v15  }
0x53: {  	v15 =	vld.idx.msk [tilespmem:v48+s5+$0x0], $0xffff;
	_ =	sdelay $0x4  }
0x54: {  	v50 =	vld [tilespmem:$0x1FF80];
	v49 =	vshll.u32 v15, $0x1  }
0x55: {  	v15 =	vand.u32 $0x7, v15;
	v16 =	vand.u32 $0xFFFFFFF0, v49  }
0x56: {  	v15 =	vor.u32 v15, v16  }
0x57: {  	[tilespmem:$0x3460] =	vst v15;
	v15 =	vor.u32 $0x8, v15  }
0x58: {  	[tilespmem:$0x34D0] =	vst v15  }
0x59: {  	[tilespmem:s18], [sflag:$0x1] =	stream.indirect.gather [hbm4b:s1+s16], $0x80, s17, s16, $0xb8;
	[tilespmem:$0x1AFF0] =	vst v63  }
0x5a: {  	_ = 	snop  }
0x5b: {  	[tilespmem:s20], [sflag:$0x1] =	stream.indirect.gather [hbm4b:s1+s16], $0x80, s19, s16, $0xb8;
	[tilespmem:$0x1AFF0] =	vst v63  }
0x5c: {  	v15 =	vld.idx.msk [tilespmem:v50+s5+$0x0], $0xffff;
	_ =	sdelay $0x1  }
0x5d: {  	v52 =	vld [tilespmem:$0x1FF90];
	_ =	sdelay $0x2  }
0x5e: {  	v51 =	vshll.u32 v15, $0x1  }
0x5f: {  	v15 =	vand.u32 $0x7, v15;
	v16 =	vand.u32 $0xFFFFFFF0, v51  }
0x60: {  	v15 =	vor.u32 v15, v16  }
0x61: {  	[tilespmem:$0x34E0] =	vst v15;
	v15 =	vor.u32 $0x8, v15  }
0x62: {  	[tilespmem:$0x3550] =	vst v15  }
0x63: {  	v15 =	vld.idx.msk [tilespmem:v52+s5+$0x0], $0xffff;
	_ =	sdelay $0x1  }
0x64: {  	v54 =	vld [tilespmem:$0x1FFA0];
	_ =	sdelay $0x2  }
0x65: {  	v53 =	vshll.u32 v15, $0x1  }
0x66: {  	v15 =	vand.u32 $0x7, v15;
	v16 =	vand.u32 $0xFFFFFFF0, v53  }
0x67: {  	v15 =	vor.u32 v15, v16  }
0x68: {  	[tilespmem:$0x34F0] =	vst v15;
	v15 =	vor.u32 $0x8, v15  }
0x69: {  	[tilespmem:$0x3560] =	vst v15  }
0x6a: {  	v15 =	vld.idx.msk [tilespmem:v54+s5+$0x0], $0xffff;
	_ =	sdelay $0x1  }
0x6b: {  	v56 =	vld [tilespmem:$0x1FFB0];
	_ =	sdelay $0x2  }
0x6c: {  	v55 =	vshll.u32 v15, $0x1  }
0x6d: {  	v15 =	vand.u32 $0x7, v15;
	v16 =	vand.u32 $0xFFFFFFF0, v55  }
0x6e: {  	v15 =	vor.u32 v15, v16  }
0x6f: {  	[tilespmem:$0x3500] =	vst v15;
	v15 =	vor.u32 $0x8, v15  }
0x70: {  	[tilespmem:$0x3570] =	vst v15  }
0x71: {  	v15 =	vld.idx.msk [tilespmem:v56+s5+$0x0], $0xffff;
	_ =	sdelay $0x1  }
0x72: {  	v58 =	vld [tilespmem:$0x1FFC0];
	_ =	sdelay $0x2  }
0x73: {  	v57 =	vshll.u32 v15, $0x1  }
0x74: {  	v15 =	vand.u32 $0x7, v15;
	v16 =	vand.u32 $0xFFFFFFF0, v57  }
0x75: {  	v15 =	vor.u32 v15, v16  }
0x76: {  	[tilespmem:$0x3510] =	vst v15;
	v15 =	vor.u32 $0x8, v15  }
0x77: {  	[tilespmem:$0x3580] =	vst v15  }
0x78: {  	v15 =	vld.idx.msk [tilespmem:v58+s5+$0x0], $0xffff;
	_ =	sdelay $0x1  }
0x79: {  	v60 =	vld [tilespmem:$0x1FFD0];
	_ =	sdelay $0x2  }
0x7a: {  	v59 =	vshll.u32 v15, $0x1  }
0x7b: {  	v15 =	vand.u32 $0x7, v15;
	v16 =	vand.u32 $0xFFFFFFF0, v59  }
0x7c: {  	v15 =	vor.u32 v15, v16  }
0x7d: {  	[tilespmem:$0x3520] =	vst v15;
	v15 =	vor.u32 $0x8, v15  }
0x7e: {  	[tilespmem:$0x3590] =	vst v15  }
0x7f: {  	v15 =	vld.idx.msk [tilespmem:v60+s5+$0x0], $0xffff;
	_ =	sdelay $0x1  }
0x80: {  	v62 =	vld [tilespmem:$0x1FFE0];
	_ =	sdelay $0x2  }
0x81: {  	v61 =	vshll.u32 v15, $0x1  }
0x82: {  	v15 =	vand.u32 $0x7, v15;
	v16 =	vand.u32 $0xFFFFFFF0, v61  }
0x83: {  	v15 =	vor.u32 v15, v16  }
0x84: {  	[tilespmem:$0x3530] =	vst v15;
	v15 =	vor.u32 $0x8, v15  }
0x85: {  	[tilespmem:$0x35A0] =	vst v15  }
0x86: {  	v15 =	vld.idx.msk [tilespmem:v62+s5+$0x0], $0xffff;
	_ =	sdelay $0x4  }
0x87: {  	v63 =	vshll.u32 v15, $0x1  }
0x88: {  	v15 =	vand.u32 $0x7, v15;
	v16 =	vand.u32 $0xFFFFFFF0, v63  }
0x89: {  	v15 =	vor.u32 v15, v16  }
0x8a: {  	[tilespmem:$0x3540] =	vst v15;
	v15 =	vor.u32 $0x8, v15  }
0x8b: {  	[tilespmem:$0x35B0] =	vst v15  }
0x8c: {  	[tilespmem:s22], [sflag:$0x1] =	stream.indirect.gather [hbm4b:s1+s16], $0x80, s21, s16, $0xb8;
	[tilespmem:$0x1AFF0] =	vst v63  }
0x8d: {  	s29 =	simm.s32 $0x0  }
0x8e: {  	[tilespmem:s24], [sflag:$0x1] =	stream.indirect.gather [hbm4b:s1+s16], $0x80, s23, s16, $0xb8;
	[tilespmem:$0x1AFF0] =	vst v63  }
.LBB2_2:
0x8f: {  	_ =	swait.ge [sflag:s25], $0x3400;
	p0 =	sgt.u32 s29, $0x7D  }
.Ltmp0:
0x90: {  	[sflag:s25] =	ssyncset.done $0x0;
	(pc) =	sbr.rel @p0 .LBB2_4-.Ltmp0, $4  }
0x91: {  	[sflag:s25] =	ssyncadd.s32 $0xFFFFCC00  }
0x92: {  	_ =	swait.ge [sflag:s25], $0x3400  }
0x93: {  	[sflag:s25] =	ssyncset.done $0x0  }
0x94: {  	[sflag:s25] =	ssyncadd.s32 $0xFFFFCC00  }
0x95: {  	s0 =	sadd.s32 $0x2, s29  }
0x96: {  	s4 =	smul.u32 $0x68, s0  }
0x97: {  	v0 =	vlaneseq.u32  }
0x98: {  	v15 =	vadd.s32 s4, v0  }
0x99: {  	vm4 =	vlt.s32 v15, $0x33FF  }
0x9a: {  	v15 =	vnsel vm4, $0x33FF, v15  }
0x9b: {  	s2 =	smul.u32 $0xAB, s0;
	_ =	sdelay $0x1  }
0x9c: {  	v48 =	vld [tilespmem:$0x1FF20];
	s2 =	sshrl.u32 s2, $0x9  }
0x9d: {  	s2 =	sand.u32 $0x7F, s2  }
0x9e: {  	s2 =	smul.u32 $0x3, s2;
	v15 =	vld.idx.msk [tilespmem:v15+s5+$0x0], $0xffff;
	_ =	sdelay $0x1  }
0x9f: {  	s0 =	ssub.s32 s0, s2  }
0xa0: {  	v16 =	vadd.s32 s4, v48;
	s0 =	sand.u32 $0xFF, s0  }
0xa1: {  	vm4 =	vlt.s32 v16, $0x33FF;
	s30 =	smul.u32 $0x380, s0  }
0xa2: {  	v16 =	vnsel vm4, $0x33FF, v16;
	v17 =	vshll.u32 v15, $0x1  }
0xa3: {  	s2 =	sshrl.u32 s30, $0x2;
	v15 =	vand.u32 $0x7, v15;
	v17 =	vand.u32 $0xFFFFFFF0, v17  }
0xa4: {  	s3 =	sor.u32 $0x3400, s2;
	v15 =	vor.u32 v15, v17  }
0xa5: {  	v49 =	vld [tilespmem:$0x1FF30];
	[tilespmem:s3+$0x0] =	vst v15;
	v15 =	vor.u32 $0x8, v15  }
0xa6: {  	[tilespmem:s2+$0x3470] =	vst v15  }
0xa7: {  	v15 =	vld.idx.msk [tilespmem:v16+s5+$0x0], $0xffff;
	_ =	sdelay $0x2  }
0xa8: {  	v50 =	vadd.s32 s4, v49  }
0xa9: {  	vm4 =	vlt.s32 v50, $0x33FF  }
0xaa: {  	v16 =	vnsel vm4, $0x33FF, v50;
	v51 =	vshll.u32 v15, $0x1  }
0xab: {  	v15 =	vand.u32 $0x7, v15;
	v17 =	vand.u32 $0xFFFFFFF0, v51  }
0xac: {  	s30 =	sor.u32 $0x3410, s2;
	v15 =	vor.u32 v15, v17  }
0xad: {  	v52 =	vld [tilespmem:$0x1FF40];
	[tilespmem:s30+$0x0] =	vst v15;
	v15 =	vor.u32 $0x8, v15  }
0xae: {  	[tilespmem:s2+$0x3480] =	vst v15  }
0xaf: {  	v15 =	vld.idx.msk [tilespmem:v16+s5+$0x0], $0xffff;
	_ =	sdelay $0x2  }
0xb0: {  	v53 =	vadd.s32 s4, v52  }
0xb1: {  	vm4 =	vlt.s32 v53, $0x33FF  }
0xb2: {  	v16 =	vnsel vm4, $0x33FF, v53;
	v54 =	vshll.u32 v15, $0x1  }
0xb3: {  	v15 =	vand.u32 $0x7, v15;
	v17 =	vand.u32 $0xFFFFFFF0, v54  }
0xb4: {  	v15 =	vor.u32 v15, v17  }
0xb5: {  	v55 =	vld [tilespmem:$0x1FF50];
	[tilespmem:s2+$0x3420] =	vst v15;
	v15 =	vor.u32 $0x8, v15  }
0xb6: {  	[tilespmem:s2+$0x3490] =	vst v15  }
0xb7: {  	v15 =	vld.idx.msk [tilespmem:v16+s5+$0x0], $0xffff;
	_ =	sdelay $0x2  }
0xb8: {  	v56 =	vadd.s32 s4, v55  }
0xb9: {  	vm4 =	vlt.s32 v56, $0x33FF  }
0xba: {  	v16 =	vnsel vm4, $0x33FF, v56;
	v57 =	vshll.u32 v15, $0x1  }
0xbb: {  	v15 =	vand.u32 $0x7, v15;
	v17 =	vand.u32 $0xFFFFFFF0, v57  }
0xbc: {  	v15 =	vor.u32 v15, v17  }
0xbd: {  	v58 =	vld [tilespmem:$0x1FF60];
	[tilespmem:s2+$0x3430] =	vst v15;
	v15 =	vor.u32 $0x8, v15  }
0xbe: {  	[tilespmem:s2+$0x34A0] =	vst v15  }
0xbf: {  	v15 =	vld.idx.msk [tilespmem:v16+s5+$0x0], $0xffff;
	_ =	sdelay $0x2  }
0xc0: {  	v59 =	vadd.s32 s4, v58  }
0xc1: {  	vm4 =	vlt.s32 v59, $0x33FF  }
0xc2: {  	v16 =	vnsel vm4, $0x33FF, v59;
	v60 =	vshll.u32 v15, $0x1  }
0xc3: {  	v15 =	vand.u32 $0x7, v15;
	v17 =	vand.u32 $0xFFFFFFF0, v60  }
0xc4: {  	v15 =	vor.u32 v15, v17  }
0xc5: {  	v61 =	vld [tilespmem:$0x1FF70];
	[tilespmem:s2+$0x3440] =	vst v15;
	v15 =	vor.u32 $0x8, v15  }
0xc6: {  	[tilespmem:s2+$0x34B0] =	vst v15  }
0xc7: {  	v15 =	vld.idx.msk [tilespmem:v16+s5+$0x0], $0xffff;
	_ =	sdelay $0x2  }
0xc8: {  	v62 =	vadd.s32 s4, v61  }
0xc9: {  	vm4 =	vlt.s32 v62, $0x33FF  }
0xca: {  	v16 =	vnsel vm4, $0x33FF, v62;
	v63 =	vshll.u32 v15, $0x1  }
0xcb: {  	v15 =	vand.u32 $0x7, v15;
	v17 =	vand.u32 $0xFFFFFFF0, v63  }
0xcc: {  	v15 =	vor.u32 v15, v17  }
0xcd: {  	[tilespmem:s2+$0x3450] =	vst v15;
	v15 =	vor.u32 $0x8, v15  }
0xce: {  	[tilespmem:s2+$0x34C0] =	vst v15  }
0xcf: {  	v15 =	vld.idx.msk [tilespmem:v16+s5+$0x0], $0xffff;
	_ =	sdelay $0x4  }
0xd0: {  	v16 =	vshll.u32 v15, $0x1  }
0xd1: {  	s0 =	smul.u32 $0x1A000, s0;
	v15 =	vand.u32 $0x7, v15;
	v16 =	vand.u32 $0xFFFFFFF0, v16  }
0xd2: {  	v15 =	vor.u32 v15, v16  }
0xd3: {  	s0 =	sshrl.u32 s0, $0x2;
	[tilespmem:s2+$0x3460] =	vst v15;
	v15 =	vor.u32 $0x8, v15  }
0xd4: {  	s31 =	sadd.s32 $0x75E0, s0;
	[tilespmem:s2+$0x34D0] =	vst v15  }
0xd5: {  	[tilespmem:s31], [sflag:$0x1] =	stream.indirect.gather [hbm4b:s1+s16], $0x80, s3, s16, $0xb8;
	[tilespmem:$0x1AFF0] =	vst v63  }
0xd6: {  	s0 =	sadd.s32 $0xA9E0, s0;
	s2 =	sadd.s32 $0x3470, s2  }
0xd7: {  	[tilespmem:s0], [sflag:$0x1] =	stream.indirect.gather [hbm4b:s1+s16], $0x80, s2, s16, $0xb8;
	[tilespmem:$0x1AFF0] =	vst v63  }
.LBB2_4:
0xd8: {  	s0 =	smul.u32 $0xAB, s29;
	_ =	sdelay $0x1  }
0xd9: {  	s30 =	sshll.u32 s29, $0x2;
	s0 =	sshrl.u32 s0, $0x9  }
0xda: {  	v15 =	vmov s30;
	s0 =	sand.u32 $0x7F, s0  }
0xdb: {  	s2 =	sor.u32 $0x1, s30;
	v15 =	vbroadcast v15, $0x0;
	s0 =	smul.u32 $0x3, s0  }
0xdc: {  	s4 =	sshllo.u32 s29, $0x2;
	s3 =	sor.u32 $0x2, s30;
	v16 =	vmov s2  }
0xdd: {  	v21 =	vmov s4;
	v17 =	vmov s3;
	v16 =	vbroadcast v16, $0x0;
	s0 =	ssub.s32 s29, s0  }
0xde: {  	v17 =	vbroadcast v17, $0x0;
	s0 =	sand.u32 $0xFF, s0  }
0xdf: {  	s14 =	simm.s32 $0x0;
	s31 =	simm.s32 $0x74A0;
	v18 =	vld [tilespmem:$0x1FFF0];
	s0 =	smul.u32 $0x1A000, s0  }
0xe0: {  	v24 =	vld [tilespmem:s31+$0x0];
	s2 =	smul.u32 $0xD000, s14  }
0xe1: {  	v20 =	vld.idx.msk [tilespmem:v15+s12+$0x0], $0xffff;
	s0 =	sshrl.u32 s0, $0x2  }
0xe2: {  	s4 =	simm.s32 $0x0;
	s2 =	sshra.s32 s2, $0x2;
	v15 =	vld.idx.msk [tilespmem:v21+s12+$0x0], $0xffff;
	s3 =	sadd.s32 $0x75E0, s0  }
0xe3: {  	s14 =	sand.u32 $0x70, s4;
	v19 =	vld.idx.msk [tilespmem:v16+s12+$0x0], $0xffff;
	s0 =	sadd.s32 s2, s3  }
0xe4: {  	v0 =	vld.idx.msk [tilespmem:v17+s12+$0x0], $0xffff;
	s0 =	sadd.s32 s14, s0  }
0xe5: {  	v21 =	vld [tilespmem:s0+$0x3200]  }
0xe6: {  	v22 =	vld [tilespmem:s0+$0x3280]  }
0xe7: {  	v23 =	vld [tilespmem:s0+$0x3000]  }
0xe8: {  	v27 =	vld [tilespmem:s0+$0x3080]  }
0xe9: {  	v28 =	vld [tilespmem:s0+$0x2E00]  }
0xea: {  	v29 =	vld [tilespmem:s0+$0x2E80]  }
0xeb: {  	v30 =	vld [tilespmem:s0+$0x2C00]  }
0xec: {  	v31 =	vld [tilespmem:s0+$0x2C80]  }
0xed: {  	v32 =	vld [tilespmem:s0+$0x2800]  }
0xee: {  	v33 =	vld [tilespmem:s0+$0x2880]  }
0xef: {  	v34 =	vld [tilespmem:s0+$0x2A00]  }
0xf0: {  	v35 =	vld [tilespmem:s0+$0x2A80]  }
0xf1: {  	v36 =	vld [tilespmem:s0+$0x2700]  }
0xf2: {  	v37 =	vld [tilespmem:s0+$0x2780]  }
0xf3: {  	v38 =	vld [tilespmem:s0+$0x2900]  }
0xf4: {  	v39 =	vld [tilespmem:s0+$0x2980]  }
0xf5: {  	v40 =	vld [tilespmem:s0+$0x2B00]  }
0xf6: {  	v41 =	vld [tilespmem:s0+$0x2B80]  }
0xf7: {  	v42 =	vld [tilespmem:s0+$0x2D00]  }
0xf8: {  	v43 =	vld [tilespmem:s0+$0x2D80]  }
0xf9: {  	v44 =	vld [tilespmem:s0+$0x2F00]  }
0xfa: {  	v45 =	vld [tilespmem:s0+$0x2F80]  }
0xfb: {  	v46 =	vld [tilespmem:s0+$0x3100]  }
0xfc: {  	v47 =	vld [tilespmem:s0+$0x3180]  }
0xfd: {  	v48 =	vld [tilespmem:s0+$0x3300]  }
0xfe: {  	v49 =	vld [tilespmem:s0+$0x3380]  }
0xff: {  	v50 =	vld [tilespmem:s0+$0x0]  }
0x100: {  	v51 =	vld [tilespmem:s0+$0x80]  }
0x101: {  	v52 =	vld [tilespmem:s0+$0x200]  }
0x102: {  	v53 =	vld [tilespmem:s0+$0x280]  }
0x103: {  	v54 =	vld [tilespmem:s0+$0xD00]  }
0x104: {  	v55 =	vld [tilespmem:s0+$0xD80]  }
0x105: {  	v56 =	vld [tilespmem:s0+$0xF00]  }
0x106: {  	v57 =	vld [tilespmem:s0+$0xF80]  }
0x107: {  	v58 =	vld [tilespmem:s0+$0x1A00]  }
0x108: {  	v59 =	vld [tilespmem:s0+$0x1A80]  }
0x109: {  	v60 =	vld [tilespmem:s0+$0x1C00]  }
0x10a: {  	v61 =	vld [tilespmem:s0+$0x1C80]  }
0x10b: {  	v62 =	vld [tilespmem:s0+$0x100]  }
0x10c: {  	v63 =	vld [tilespmem:s0+$0x180]  }
0x10d: {  	v7 =	vld [tilespmem:s0+$0x300]  }
0x10e: {  	v8 =	vld [tilespmem:s0+$0x380]  }
0x10f: {  	v9 =	vld [tilespmem:s0+$0x400]  }
0x110: {  	v10 =	vld [tilespmem:s0+$0x480]  }
0x111: {  	v11 =	vld [tilespmem:s0+$0xE00]  }
0x112: {  	v13 =	vlaneseq.u32;
	v12 =	vld [tilespmem:s0+$0xE80]  }
0x113: {  	v16 =	vshrl.u32 v13, $0x3;
	v13 =	vld [tilespmem:s0+$0x1000]  }
0x114: {  	v1 =	vld [tilespmem:s0+$0x1080]  }
0x115: {  	v2 =	vld [tilespmem:s0+$0x1100]  }
0x116: {  	v3 =	vld [tilespmem:s0+$0x1180]  }
0x117: {  	v4 =	vld [tilespmem:s0+$0x1B00]  }
0x118: {  	v5 =	vld [tilespmem:s0+$0x1B80]  }
0x119: {  	vm4 =	vgt.s32 v15, $0x0;
	v6 =	vld [tilespmem:s0+$0x1D00]  }
0x11a: {  	[tilespmem:$0x1FEE0] =	vst v0;
	v15 =	vnsel vm4, $0x0, v15;
	v0 =	vld [tilespmem:s0+$0x1D80]  }
0x11b: {  	v14 =	vmin.u32 v15, $0x3B;
	v15 =	vld [tilespmem:s0+$0x1E80]  }
0x11c: {  	v17 =	vmul.u32 $0x8, v16;
	[tilespmem:$0x1FED0] =	vst v14;
	v16 =	vshll.u32 v14, $0x8;
	v14 =	vld [tilespmem:s0+$0x1E00]  }
0x11d: {  	v36 =	vadd.f32 v38, v36;
	v38 =	vld [tilespmem:s0+$0x500]  }
0x11e: {  	v32 =	vadd.f32 v34, v32;
	v34 =	vld [tilespmem:s0+$0x580]  }
0x11f: {  	v33 =	vadd.f32 v35, v33;
	v35 =	vld [tilespmem:s0+$0x1300]  }
0x120: {  	v37 =	vadd.f32 v39, v37;
	v39 =	vld [tilespmem:s0+$0x2080]  }
0x121: {  	v7 =	vadd.f32 v7, v62;
	v62 =	vld [tilespmem:s0+$0x2180]  }
0x122: {  	v41 =	vadd.f32 v41, v37;
	v37 =	vld [tilespmem:s0+$0x600]  }
0x123: {  	v30 =	vadd.f32 v30, v32;
	v32 =	vld [tilespmem:s0+$0x680]  }
0x124: {  	v40 =	vadd.f32 v40, v36;
	v36 =	vld [tilespmem:s0+$0x1200]  }
0x125: {  	v31 =	vadd.f32 v31, v33;
	v33 =	vld [tilespmem:s0+$0x1F00]  }
0x126: {  	v28 =	vadd.f32 v28, v30;
	v30 =	vld [tilespmem:s0+$0x1280]  }
0x127: {  	v8 =	vadd.f32 v8, v63;
	v42 =	vadd.f32 v42, v40;
	v40 =	vld [tilespmem:s0+$0x780]  }
0x128: {  	v43 =	vadd.f32 v43, v41;
	v23 =	vadd.f32 v23, v28;
	v28 =	vld [tilespmem:s0+$0x1380]  }
0x129: {  	v29 =	vadd.f32 v29, v31;
	v31 =	vadd.f32 v44, v42;
	v42 =	vld [tilespmem:s0+$0x2280]  }
0x12a: {  	v11 =	vadd.f32 v13, v11;
	v45 =	vadd.f32 v45, v43;
	v43 =	vld [tilespmem:s0+$0x900]  }
0x12b: {  	v27 =	vadd.f32 v27, v29;
	v21 =	vadd.f32 v21, v23;
	v23 =	vld [tilespmem:s0+$0x1F80]  }
0x12c: {  	v29 =	vadd.f32 v46, v31;
	v31 =	vadd.f32 v47, v45;
	v45 =	vld [tilespmem:s0+$0x1680]  }
0x12d: {  	v1 =	vadd.f32 v1, v12;
	v4 =	vadd.f32 v6, v4;
	v46 =	vld [tilespmem:s0+$0x1780]  }
0x12e: {  	v0 =	vadd.f32 v0, v5;
	v7 =	vadd.f32 v38, v7;
	v47 =	vld [tilespmem:s0+$0x2300]  }
0x12f: {  	v22 =	vadd.f32 v22, v27;
	v1 =	vadd.f32 v30, v1;
	v30 =	vld [tilespmem:s0+$0x980]  }
0x130: {  	v27 =	vadd.f32 v48, v29;
	v29 =	vadd.f32 v49, v31;
	v31 =	vld [tilespmem:s0+$0x2000]  }
0x131: {  	vm4 =	vgt.s32 v20, $0x0;
	v8 =	vadd.f32 v34, v8;
	v21 =	vadd.f32 v22, v21;
	v22 =	vld [tilespmem:s0+$0x700]  }
0x132: {  	v48 =	vld [tilespmem:s0+$0x2380];
	v49 =	vnsel vm4, $0x0, v20;
	vm4 =	vgt.s32 v19, $0x0;
	v27 =	vadd.f32 v29, v27  }
0x133: {  	v20 =	vnsel vm4, $0x0, v19;
	v19 =	vld [tilespmem:$0x1FEE0];
	v29 =	vadd.f32 v52, v50;
	v52 =	vadd.f32 v53, v51  }
0x134: {  	v53 =	vadd.f32 v56, v54;
	v54 =	vadd.f32 v57, v55;
	v55 =	vld [tilespmem:s0+$0x880]  }
0x135: {  	v11 =	vadd.f32 v36, v11;
	v56 =	vadd.f32 v60, v58;
	v58 =	vld [tilespmem:s0+$0x1400]  }
0x136: {  	v4 =	vadd.f32 v33, v4;
	v57 =	vadd.f32 v61, v59;
	v59 =	vld [tilespmem:s0+$0x1480]  }
0x137: {  	v8 =	vadd.f32 v40, v8;
	v60 =	vld [tilespmem:s0+$0x1580];
	v0 =	vadd.f32 v23, v0  }
0x138: {  	v61 =	vld [tilespmem:s0+$0x2100];
	v27 =	vadd.f32 v27, v21;
	v9 =	vadd.f32 v9, v29  }
0x139: {  	v51 =	vld [tilespmem:s0+$0xB80];
	v10 =	vadd.f32 v10, v52;
	v2 =	vadd.f32 v2, v53  }
0x13a: {  	v23 =	vld [tilespmem:s0+$0xA80];
	v3 =	vadd.f32 v3, v54;
	v63 =	vadd.f32 v14, v56  }
0x13b: {  	v21 =	vld [tilespmem:s0+$0x800];
	v41 =	vadd.f32 v15, v57;
	v8 =	vadd.f32 v30, v8  }
0x13c: {  	v29 =	vld [tilespmem:s0+$0x1500];
	v7 =	vadd.f32 v22, v7;
	v0 =	vadd.f32 v62, v0  }
0x13d: {  	v15 =	vld [tilespmem:s0+$0x2200];
	v9 =	vadd.f32 v37, v9;
	v10 =	vadd.f32 v32, v10  }
0x13e: {  	v30 =	vld [tilespmem:s0+$0xB00];
	v2 =	vadd.f32 v35, v2;
	v3 =	vadd.f32 v28, v3  }
0x13f: {  	v52 =	vld [tilespmem:s0+$0x1800];
	v6 =	vadd.f32 v31, v63;
	v14 =	vadd.f32 v39, v41  }
0x140: {  	v26 =	vor.u32 s4, v17;
	v54 =	vld [tilespmem:s0+$0x1880];
	v27 =	vadd.f32 v27, v24;
	v11 =	vadd.f32 v58, v11  }
0x141: {  	v16 =	vor.u32 v18, v16;
	v28 =	vld [tilespmem:s0+$0xA00];
	v1 =	vadd.f32 v59, v1;
	v4 =	vadd.f32 v61, v4  }
0x142: {  	v25 =	vadd.s32 v16, v26;
	v31 =	vld [tilespmem:s0+$0x1600];
	v7 =	vadd.f32 v43, v7;
	v0 =	vadd.f32 v48, v0  }
0x143: {  	v50 =	vmin.u32 v49, $0x3B;
	v8 =	vadd.f32 v51, v8;
	v58 =	vld [tilespmem:s0+$0x2600];
	v10 =	vadd.f32 v55, v10  }
0x144: {  	vm4 =	vgt.s32 v19, $0x0;
	v9 =	vadd.f32 v21, v9;
	v6 =	vadd.f32 v15, v6;
	v15 =	vld [tilespmem:s0+$0x2400]  }
0x145: {  	v22 =	vnsel vm4, $0x0, v19;
	v3 =	vadd.f32 v60, v3;
	v2 =	vadd.f32 v29, v2;
	v29 =	vld [tilespmem:s0+$0x2480]  }
0x146: {  	v19 =	vmin.u32 v20, $0x3B;
	v14 =	vadd.f32 v42, v14;
	v9 =	vadd.f32 v28, v9;
	v28 =	vld [tilespmem:s0+$0xC00]  }
0x147: {  	v20 =	vmin.u32 v22, $0x3B;
	v1 =	vadd.f32 v45, v1;
	v11 =	vadd.f32 v31, v11;
	v31 =	vld [tilespmem:s0+$0xC80]  }
0x148: {  	v21 =	vld [tilespmem:s0+$0x1700];
	v7 =	vadd.f32 v30, v7;
	v10 =	vadd.f32 v23, v10;
	v23 =	vshll.u32 v50, $0x8  }
0x149: {  	v4 =	vadd.f32 v47, v4;
	v30 =	vld [tilespmem:s0+$0x2580];
	v3 =	vadd.f32 v46, v3;
	v22 =	vor.u32 v18, v23  }
0x14a: {  	s4 =	simm.s32 $0x0;
	v55 =	vld [tilespmem:s0+$0x1900];
	v7 =	vadd.f32 v8, v7;
	v6 =	vadd.f32 v15, v6;
	v15 =	vadd.s32 v22, v26  }
0x14b: {  	s2 =	smul.u32 $0xD000, s4;
	v1 =	vadd.f32 v54, v1;
	v14 =	vadd.f32 v29, v14;
	v29 =	vld [tilespmem:s0+$0x1980]  }
0x14c: {  	v59 =	vld [tilespmem:s0+$0x2680];
	v9 =	vadd.f32 v28, v9;
	v10 =	vadd.f32 v31, v10  }
0x14d: {  	s2 =	sshra.s32 s2, $0x2;
	v61 =	vmax.f32 v27, $0.0e+00;
	v57 =	vadd.f32 v52, v11;
	v2 =	vadd.f32 v21, v2;
	v28 =	vld [tilespmem:s0+$0x2500];
	s0 =	simm.s32 $0x10  }
0x14e: {  	s2 =	sadd.s32 s2, s3;
	v25 =	vld.idx.msk [tilespmem:v25+s13+$0x0], $0xffff;
	v53 =	vshll.u32 v20, $0x8;
	v0 =	vadd.f32 v30, v0;
	s14 =	sand.u32 $0x70, s0;
	v9 =	vadd.f32 v10, v9  }
0x14f: {  	v21 =	vshll.u32 v19, $0x8;
	v1 =	vadd.f32 v1, v57;
	v2 =	vadd.f32 v55, v2;
	s2 =	sadd.s32 s14, s2;
	v60 =	vld.idx.msk [tilespmem:v15+s13+$0x0], $0xffff  }
0x150: {  	v23 =	vor.u32 v18, v21;
	v3 =	vadd.f32 v29, v3;
	v31 =	vld [tilespmem:s2+$0x3200];
	v7 =	vadd.f32 v9, v7  }
0x151: {  	v21 =	vor.u32 v18, v53;
	v6 =	vadd.f32 v58, v6;
	v5 =	vadd.f32 v59, v14;
	v32 =	vld [tilespmem:s2+$0x3280]  }
0x152: {  	v56 =	vadd.s32 v23, v26;
	v34 =	vld [tilespmem:s2+$0x3000];
	v2 =	vadd.f32 v3, v2;
	v7 =	vadd.f32 v7, v24  }
0x153: {  	v26 =	vadd.s32 v21, v26;
	v63 =	vadd.f32 v5, v6;
	v35 =	vld [tilespmem:s2+$0x3080];
	v4 =	vadd.f32 v28, v4  }
0x154: {  	v36 =	vld [tilespmem:s2+$0x2E00];
	v3 =	vmin.f32 v61, $1.000000000e+00;
	v1 =	vadd.f32 v2, v1;
	v7 =	vmax.f32 v7, $0.0e+00  }
0x155: {  	v37 =	vld [tilespmem:s2+$0x2E80];
	v3 =	vmul.f32 v3, v3;
	v0 =	vadd.f32 v0, v4;
	v62 =	vmin.f32 v7, $1.000000000e+00  }
0x156: {  	v38 =	vld [tilespmem:s2+$0x2C00];
	v1 =	vadd.f32 v1, v24;
	v2 =	vmul.f32 v62, v62  }
0x157: {  	v39 =	vld [tilespmem:s2+$0x2C80];
	v3 =	vmul.f32 $9.960937500e-01, v3;
	v0 =	vadd.f32 v63, v0  }
0x158: {  	v27 =	vimm.f32 $0.0e+00;
	v40 =	vld [tilespmem:s2+$0x2800];
	v1 =	vmax.f32 v1, $0.0e+00;
	v2 =	vmul.f32 $9.960937500e-01, v2  }
0x159: {  	[tilespmem:$0x1FEF0] =	vst v50;
	v29 =	vld.idx.msk [tilespmem:v56+s13+$0x0], $0xffff;
	v3 =	vmul.f32 v3, v25;
	v0 =	vadd.f32 v0, v24;
	v1 =	vmin.f32 v1, $1.000000000e+00  }
0x15a: {  	[tilespmem:$0x1FF00] =	vst v19;
	v28 =	vld.idx.msk [tilespmem:v26+s13+$0x0], $0xffff;
	v26 =	vimm.f32 $0.0e+00;
	v30 =	vmul.f32 v1, v1;
	v42 =	vmul.f32 v2, v60  }
0x15b: {  	s4 =	simm.s32 $0x2;
	[tilespmem:$0x1FF10] =	vst v20;
	v41 =	vld [tilespmem:s2+$0x2880];
	v25 =	vimm.f32 $0.0e+00;
	v24 =	vadd.f32 v3, v27;
	v33 =	vmax.f32 v0, $0.0e+00  }
.LBB2_5:
0x15c: {  	p0 =	sne.s32 s4, $0xF;
	v0 =	vld [tilespmem:s2+$0x2A00];
	v27 =	vadd.f32 v42, v27;
	v1 =	vmul.f32 $9.960937500e-01, v30;
	v2 =	vmin.f32 v33, $1.000000000e+00  }
0x15d: {  	v3 =	vld [tilespmem:s2+$0x2A80];
	v2 =	vmul.f32 v2, v2  }
0x15e: {  	v4 =	vld [tilespmem:s2+$0x2700];
	v1 =	vmul.f32 v1, v29  }
0x15f: {  	v5 =	vld [tilespmem:s2+$0x2780];
	v2 =	vmul.f32 $9.960937500e-01, v2  }
0x160: {  	v6 =	vld [tilespmem:s2+$0x2900];
	v26 =	vadd.f32 v1, v26  }
0x161: {  	v1 =	vld [tilespmem:s2+$0x2980];
	v2 =	vmul.f32 v2, v28  }
0x162: {  	v7 =	vld [tilespmem:s2+$0x2B00]  }
0x163: {  	v8 =	vld [tilespmem:s2+$0x2B80];
	v25 =	vadd.f32 v2, v25  }
0x164: {  	v2 =	vld [tilespmem:s2+$0x2D00]  }
0x165: {  	v9 =	vld [tilespmem:s2+$0x2D80]  }
0x166: {  	v4 =	vadd.f32 v6, v4;
	v1 =	vadd.f32 v1, v5;
	v5 =	vld [tilespmem:s2+$0x2F00]  }
0x167: {  	v0 =	vadd.f32 v0, v40;
	v3 =	vadd.f32 v3, v41;
	v6 =	vld [tilespmem:s2+$0x2F80]  }
0x168: {  	v4 =	vadd.f32 v7, v4;
	v1 =	vadd.f32 v8, v1;
	v7 =	vld [tilespmem:s2+$0x3100]  }
0x169: {  	v0 =	vadd.f32 v38, v0;
	v3 =	vadd.f32 v39, v3;
	v8 =	vld [tilespmem:s2+$0x3180]  }
0x16a: {  	v2 =	vadd.f32 v2, v4;
	v1 =	vadd.f32 v9, v1;
	v4 =	vld [tilespmem:s2+$0x3300]  }
0x16b: {  	v0 =	vadd.f32 v36, v0;
	v3 =	vadd.f32 v37, v3;
	v9 =	vld [tilespmem:s2+$0x3380]  }
0x16c: {  	v2 =	vadd.f32 v5, v2;
	v10 =	vld [tilespmem:s2+$0x0];
	v1 =	vadd.f32 v6, v1  }
0x16d: {  	v0 =	vadd.f32 v34, v0;
	v3 =	vadd.f32 v35, v3;
	v5 =	vld [tilespmem:s2+$0x80]  }
0x16e: {  	v2 =	vadd.f32 v7, v2;
	v6 =	vld [tilespmem:s2+$0x200];
	v1 =	vadd.f32 v8, v1  }
0x16f: {  	v0 =	vadd.f32 v31, v0;
	v3 =	vadd.f32 v32, v3;
	v7 =	vld [tilespmem:s2+$0x280]  }
0x170: {  	s31 =	sadd.s32 $0x10, s31;
	v2 =	vadd.f32 v4, v2;
	v8 =	vld [tilespmem:s2+$0xD00];
	v1 =	vadd.f32 v9, v1  }
0x171: {  	v30 =	vld [tilespmem:s31+$0x0]  }
0x172: {  	v0 =	vadd.f32 v3, v0;
	v4 =	vor.u32 s0, v17;
	v9 =	vld [tilespmem:s2+$0xD80];
	v1 =	vadd.f32 v1, v2  }
0x173: {  	v31 =	vadd.s32 v22, v4;
	v2 =	vadd.f32 v6, v10;
	v3 =	vld [tilespmem:s2+$0xF00];
	v6 =	vadd.s32 v16, v4  }
0x174: {  	v29 =	vadd.s32 v23, v4;
	v5 =	vadd.f32 v7, v5;
	v7 =	vld [tilespmem:s2+$0xF80];
	v0 =	vadd.f32 v1, v0  }
0x175: {  	v28 =	vadd.s32 v21, v4;
	v1 =	vld [tilespmem:s2+$0x1A00]  }
0x176: {  	v4 =	vld [tilespmem:s2+$0x1A80];
	v0 =	vadd.f32 v0, v30  }
0x177: {  	v10 =	vld [tilespmem:s2+$0x1C00]  }
0x178: {  	v3 =	vadd.f32 v3, v8;
	v0 =	vmax.f32 v0, $0.0e+00;
	v6 =	vld.idx.msk [tilespmem:v6+s13+$0x0], $0xffff  }
0x179: {  	v7 =	vadd.f32 v7, v9;
	v8 =	vld [tilespmem:s2+$0x1C80];
	v0 =	vmin.f32 v0, $1.000000000e+00  }
0x17a: {  	v9 =	vld [tilespmem:s2+$0x100];
	v0 =	vmul.f32 v0, v0  }
0x17b: {  	v11 =	vld [tilespmem:s2+$0x180]  }
0x17c: {  	v12 =	vld [tilespmem:s2+$0x300];
	v1 =	vadd.f32 v10, v1;
	v0 =	vmul.f32 $9.960937500e-01, v0  }
0x17d: {  	v10 =	vld [tilespmem:s2+$0x380]  }
0x17e: {  	v13 =	vld [tilespmem:s2+$0x400];
	v4 =	vadd.f32 v8, v4;
	v0 =	vmul.f32 v0, v6  }
0x17f: {  	v6 =	vld [tilespmem:s2+$0x480]  }
0x180: {  	v8 =	vld [tilespmem:s2+$0xE00];
	v24 =	vadd.f32 v0, v24  }
0x181: {  	v0 =	vadd.f32 v12, v9;
	v9 =	vld [tilespmem:s2+$0xE80]  }
0x182: {  	v10 =	vadd.f32 v10, v11;
	v11 =	vld [tilespmem:s2+$0x1000]  }
0x183: {  	v2 =	vadd.f32 v13, v2;
	v12 =	vld [tilespmem:s2+$0x1080]  }
0x184: {  	v5 =	vadd.f32 v6, v5;
	v6 =	vld [tilespmem:s2+$0x1100]  }
0x185: {  	v13 =	vld [tilespmem:s2+$0x1180]  }
0x186: {  	v14 =	vld [tilespmem:s2+$0x1B00]  }
0x187: {  	v8 =	vadd.f32 v11, v8;
	v11 =	vld [tilespmem:s2+$0x1B80]  }
0x188: {  	v9 =	vadd.f32 v12, v9;
	v12 =	vld [tilespmem:s2+$0x1D00]  }
0x189: {  	v3 =	vadd.f32 v6, v3;
	v6 =	vld [tilespmem:s2+$0x1D80]  }
0x18a: {  	v7 =	vadd.f32 v13, v7;
	v13 =	vld [tilespmem:s2+$0x1E00]  }
0x18b: {  	v15 =	vld [tilespmem:s2+$0x1E80]  }
0x18c: {  	v32 =	vld [tilespmem:s2+$0x500]  }
0x18d: {  	v33 =	vld [tilespmem:s2+$0x580];
	v12 =	vadd.f32 v12, v14  }
0x18e: {  	v14 =	vld [tilespmem:s2+$0x600];
	v6 =	vadd.f32 v6, v11  }
0x18f: {  	v11 =	vld [tilespmem:s2+$0x680];
	v1 =	vadd.f32 v13, v1  }
0x190: {  	v13 =	vld [tilespmem:s2+$0x1200];
	v4 =	vadd.f32 v15, v4  }
0x191: {  	v0 =	vadd.f32 v32, v0;
	v15 =	vld [tilespmem:s2+$0x1280]  }
0x192: {  	v10 =	vadd.f32 v33, v10;
	v32 =	vld [tilespmem:s2+$0x1300]  }
0x193: {  	v2 =	vadd.f32 v14, v2;
	v14 =	vld [tilespmem:s2+$0x1380]  }
0x194: {  	v5 =	vadd.f32 v11, v5;
	v11 =	vld [tilespmem:s2+$0x1F00]  }
0x195: {  	v8 =	vadd.f32 v13, v8;
	v13 =	vld [tilespmem:s2+$0x1F80]  }
0x196: {  	v9 =	vadd.f32 v15, v9;
	v15 =	vld [tilespmem:s2+$0x2000]  }
0x197: {  	v3 =	vadd.f32 v32, v3;
	v32 =	vld [tilespmem:s2+$0x2080]  }
0x198: {  	v33 =	vld [tilespmem:s2+$0x700];
	v7 =	vadd.f32 v14, v7  }
0x199: {  	v14 =	vld [tilespmem:s2+$0x780];
	v11 =	vadd.f32 v11, v12  }
0x19a: {  	v12 =	vld [tilespmem:s2+$0x800];
	v6 =	vadd.f32 v13, v6  }
0x19b: {  	v13 =	vld [tilespmem:s2+$0x880];
	v1 =	vadd.f32 v15, v1  }
0x19c: {  	v15 =	vld [tilespmem:s2+$0x1400];
	v4 =	vadd.f32 v32, v4  }
0x19d: {  	v0 =	vadd.f32 v33, v0;
	v32 =	vld [tilespmem:s2+$0x1480]  }
0x19e: {  	v10 =	vadd.f32 v14, v10;
	v14 =	vld [tilespmem:s2+$0x1500]  }
0x19f: {  	v2 =	vadd.f32 v12, v2;
	v12 =	vld [tilespmem:s2+$0x1580]  }
0x1a0: {  	v5 =	vadd.f32 v13, v5;
	v13 =	vld [tilespmem:s2+$0x2100]  }
0x1a1: {  	v8 =	vadd.f32 v15, v8;
	v15 =	vld [tilespmem:s2+$0x2180]  }
0x1a2: {  	v9 =	vadd.f32 v32, v9;
	v32 =	vld [tilespmem:s2+$0x2200]  }
0x1a3: {  	v3 =	vadd.f32 v14, v3;
	v14 =	vld [tilespmem:s2+$0x2280]  }
0x1a4: {  	v33 =	vld [tilespmem:s2+$0x900];
	v7 =	vadd.f32 v12, v7  }
0x1a5: {  	v12 =	vld [tilespmem:s2+$0x980];
	v11 =	vadd.f32 v13, v11  }
0x1a6: {  	v13 =	vld [tilespmem:s2+$0xA00];
	v6 =	vadd.f32 v15, v6  }
0x1a7: {  	v15 =	vld [tilespmem:s2+$0xA80];
	v1 =	vadd.f32 v32, v1  }
0x1a8: {  	v32 =	vld [tilespmem:s2+$0x1600];
	v4 =	vadd.f32 v14, v4  }
0x1a9: {  	v0 =	vadd.f32 v33, v0;
	v14 =	vld [tilespmem:s2+$0x1680]  }
0x1aa: {  	v10 =	vadd.f32 v12, v10;
	v12 =	vld [tilespmem:s2+$0x1700]  }
0x1ab: {  	v2 =	vadd.f32 v13, v2;
	v13 =	vld [tilespmem:s2+$0x1780]  }
0x1ac: {  	v5 =	vadd.f32 v15, v5;
	v15 =	vld [tilespmem:s2+$0x2300]  }
0x1ad: {  	v8 =	vadd.f32 v32, v8;
	v32 =	vld [tilespmem:s2+$0x2380]  }
0x1ae: {  	v9 =	vadd.f32 v14, v9;
	v14 =	vld [tilespmem:s2+$0x2400]  }
0x1af: {  	v3 =	vadd.f32 v12, v3;
	v12 =	vld [tilespmem:s2+$0x2480]  }
0x1b0: {  	v33 =	vld [tilespmem:s2+$0xB00];
	v7 =	vadd.f32 v13, v7  }
0x1b1: {  	v13 =	vld [tilespmem:s2+$0xB80];
	v11 =	vadd.f32 v15, v11  }
0x1b2: {  	v15 =	vld [tilespmem:s2+$0xC00];
	v6 =	vadd.f32 v32, v6  }
0x1b3: {  	v32 =	vld [tilespmem:s2+$0xC80];
	v1 =	vadd.f32 v14, v1  }
0x1b4: {  	v14 =	vld [tilespmem:s2+$0x1800];
	v4 =	vadd.f32 v12, v4  }
0x1b5: {  	v0 =	vadd.f32 v33, v0;
	v12 =	vld [tilespmem:s2+$0x1880]  }
0x1b6: {  	v10 =	vadd.f32 v13, v10;
	v13 =	vld [tilespmem:s2+$0x1900]  }
0x1b7: {  	v2 =	vadd.f32 v15, v2;
	v15 =	vld [tilespmem:s2+$0x1980]  }
0x1b8: {  	v5 =	vadd.f32 v32, v5;
	v0 =	vadd.f32 v10, v0;
	v10 =	vld [tilespmem:s2+$0x2500]  }
0x1b9: {  	s14 =	sshrl.u32 s4, $0x3;
	v8 =	vadd.f32 v14, v8;
	v14 =	vld [tilespmem:s2+$0x2580]  }
0x1ba: {  	s14 =	smul.u32 $0xD000, s14;
	v2 =	vadd.f32 v5, v2;
	v5 =	vadd.f32 v12, v9;
	v9 =	vld [tilespmem:s2+$0x2600]  }
0x1bb: {  	v3 =	vadd.f32 v13, v3;
	v12 =	vld [tilespmem:s2+$0x2680]  }
0x1bc: {  	s0 =	sadd.s32 $0x10, s0;
	s2 =	sshra.s32 s14, $0x2;
	v13 =	vld.idx.msk [tilespmem:v31+s13+$0x0], $0xffff;
	v7 =	vadd.f32 v15, v7;
	v5 =	vadd.f32 v5, v8  }
0x1bd: {  	s14 =	sand.u32 $0x70, s0;
	s2 =	sadd.s32 s2, s3;
	v0 =	vadd.f32 v2, v0;
	v29 =	vld.idx.msk [tilespmem:v29+s13+$0x0], $0xffff;
	v2 =	vadd.f32 v10, v11  }
0x1be: {  	s2 =	sadd.s32 s14, s2;
	v3 =	vadd.f32 v7, v3;
	v6 =	vadd.f32 v14, v6;
	v28 =	vld.idx.msk [tilespmem:v28+s13+$0x0], $0xffff  }
0x1bf: {  	v0 =	vadd.f32 v0, v30;
	v31 =	vld [tilespmem:s2+$0x3200];
	v1 =	vadd.f32 v9, v1  }
0x1c0: {  	v32 =	vld [tilespmem:s2+$0x3280];
	v4 =	vadd.f32 v12, v4;
	v2 =	vadd.f32 v6, v2  }
0x1c1: {  	v0 =	vmax.f32 v0, $0.0e+00;
	v3 =	vadd.f32 v3, v5;
	v34 =	vld [tilespmem:s2+$0x3000]  }
0x1c2: {  	v0 =	vmin.f32 v0, $1.000000000e+00;
	v35 =	vld [tilespmem:s2+$0x3080];
	v1 =	vadd.f32 v4, v1  }
0x1c3: {  	v0 =	vmul.f32 v0, v0;
	v3 =	vadd.f32 v3, v30;
	v36 =	vld [tilespmem:s2+$0x2E00]  }
.Ltmp1:
0x1c4: {  	v37 =	vld [tilespmem:s2+$0x2E80];
	v1 =	vadd.f32 v1, v2;
	(pc) =	sbr.rel @p0 .LBB2_5-.Ltmp1, $4  }
0x1c5: {  	v0 =	vmul.f32 $9.960937500e-01, v0;
	v2 =	vmax.f32 v3, $0.0e+00;
	v38 =	vld [tilespmem:s2+$0x2C00]  }
0x1c6: {  	v2 =	vmin.f32 v2, $1.000000000e+00;
	v39 =	vld [tilespmem:s2+$0x2C80];
	v1 =	vadd.f32 v1, v30  }
0x1c7: {  	v42 =	vmul.f32 v0, v13;
	v30 =	vmul.f32 v2, v2;
	v40 =	vld [tilespmem:s2+$0x2800]  }
0x1c8: {  	s4 =	sadd.s32 $0x1, s4;
	v41 =	vld [tilespmem:s2+$0x2880];
	v33 =	vmax.f32 v1, $0.0e+00  }
0x1c9: {  	v0 =	vld [tilespmem:s2+$0x2A00]  }
0x1ca: {  	v1 =	vld [tilespmem:s2+$0x2A80]  }
0x1cb: {  	v2 =	vld [tilespmem:s2+$0x2700]  }
0x1cc: {  	v3 =	vld [tilespmem:s2+$0x2780]  }
0x1cd: {  	v4 =	vld [tilespmem:s2+$0x2900]  }
0x1ce: {  	v5 =	vld [tilespmem:s2+$0x2980]  }
0x1cf: {  	v6 =	vld [tilespmem:s2+$0x2B00]  }
0x1d0: {  	v7 =	vld [tilespmem:s2+$0x2B80]  }
0x1d1: {  	v8 =	vld [tilespmem:s2+$0x2D00]  }
0x1d2: {  	v9 =	vld [tilespmem:s2+$0x2D80]  }
0x1d3: {  	v10 =	vld [tilespmem:s2+$0x2F00]  }
0x1d4: {  	v11 =	vld [tilespmem:s2+$0x2F80]  }
0x1d5: {  	v12 =	vld [tilespmem:s2+$0x3100]  }
0x1d6: {  	v13 =	vld [tilespmem:s2+$0x3180]  }
0x1d7: {  	v14 =	vld [tilespmem:s2+$0x3300]  }
0x1d8: {  	v15 =	vld [tilespmem:s2+$0x3380]  }
0x1d9: {  	v18 =	vld [tilespmem:s2+$0x0]  }
0x1da: {  	v57 =	vld [tilespmem:s2+$0x80]  }
0x1db: {  	v58 =	vld [tilespmem:s2+$0x200]  }
0x1dc: {  	v59 =	vld [tilespmem:s2+$0x280]  }
0x1dd: {  	v60 =	vld [tilespmem:s2+$0xD00]  }
0x1de: {  	v61 =	vld [tilespmem:s2+$0xD80]  }
0x1df: {  	v49 =	vld [tilespmem:s2+$0xF00]  }
0x1e0: {  	v50 =	vld [tilespmem:s2+$0xF80]  }
0x1e1: {  	v62 =	vld [tilespmem:s2+$0x1A00]  }
0x1e2: {  	v63 =	vld [tilespmem:s2+$0x1A80]  }
0x1e3: {  	v53 =	vld [tilespmem:s2+$0x1C00]  }
0x1e4: {  	v54 =	vld [tilespmem:s2+$0x1C80]  }
0x1e5: {  	v55 =	vld [tilespmem:s2+$0x100]  }
0x1e6: {  	v56 =	vld [tilespmem:s2+$0x180]  }
0x1e7: {  	v43 =	vld [tilespmem:s2+$0x1100]  }
0x1e8: {  	v44 =	vld [tilespmem:s2+$0x1180]  }
0x1e9: {  	v19 =	vld [tilespmem:s2+$0x1B00]  }
0x1ea: {  	v48 =	vld [tilespmem:s2+$0x1B80]  }
0x1eb: {  	v20 =	vld [tilespmem:s2+$0x1D80]  }
0x1ec: {  	v45 =	vld [tilespmem:s2+$0x1E00]  }
0x1ed: {  	v46 =	vld [tilespmem:s2+$0x1E80]  }
0x1ee: {  	v51 =	vld [tilespmem:s2+$0x500]  }
0x1ef: {  	v52 =	vld [tilespmem:s2+$0x580]  }
0x1f0: {  	v47 =	vld [tilespmem:s2+$0x600]  }
0x1f1: {  	[tilespmem:$0x1FE40] =	vst v57;
	v57 =	vld [tilespmem:s2+$0x300]  }
0x1f2: {  	[tilespmem:$0x1FE30] =	vst v58;
	v58 =	vld [tilespmem:s2+$0x380]  }
0x1f3: {  	[tilespmem:$0x1FE50] =	vst v59;
	v59 =	vld [tilespmem:s2+$0x400]  }
0x1f4: {  	[tilespmem:$0x1FE60] =	vst v60;
	v60 =	vld [tilespmem:s2+$0x480]  }
0x1f5: {  	[tilespmem:$0x1FE70] =	vst v61;
	v61 =	vld [tilespmem:s2+$0xE00]  }
0x1f6: {  	[tilespmem:$0x1FE80] =	vst v62;
	v62 =	vld [tilespmem:s2+$0xE80]  }
0x1f7: {  	[tilespmem:$0x1FE90] =	vst v63;
	v63 =	vld [tilespmem:s2+$0x1000]  }
0x1f8: {  	[tilespmem:$0x1FE20] =	vst v18;
	v18 =	vld [tilespmem:s2+$0x1080]  }
0x1f9: {  	[tilespmem:$0x1FEA0] =	vst v19;
	v19 =	vld [tilespmem:s2+$0x1D00]  }
0x1fa: {  	[tilespmem:$0x1FEB0] =	vst v47;
	v47 =	vld [tilespmem:s2+$0x680]  }
0x1fb: {  	v2 =	vadd.f32 v4, v2;
	v4 =	vld [tilespmem:s2+$0x1200]  }
0x1fc: {  	v3 =	vadd.f32 v5, v3;
	v5 =	vld [tilespmem:s2+$0x1280]  }
0x1fd: {  	v0 =	vadd.f32 v0, v40;
	v40 =	vld [tilespmem:$0x1FE30]  }
0x1fe: {  	v1 =	vadd.f32 v1, v41;
	v41 =	vld [tilespmem:$0x1FE40]  }
0x1ff: {  	v27 =	vadd.f32 v42, v27;
	v42 =	vld [tilespmem:$0x1FE50]  }
0x200: {  	v2 =	vadd.f32 v6, v2;
	v6 =	vld [tilespmem:s2+$0x1300]  }
0x201: {  	v3 =	vadd.f32 v7, v3;
	v7 =	vld [tilespmem:s2+$0x1380]  }
0x202: {  	v1 =	vadd.f32 v39, v1;
	v39 =	vld [tilespmem:$0x1FE20]  }
0x203: {  	v2 =	vadd.f32 v8, v2;
	v8 =	vld [tilespmem:s2+$0x1F00]  }
0x204: {  	v3 =	vadd.f32 v9, v3;
	v9 =	vld [tilespmem:s2+$0x1F80]  }
0x205: {  	v1 =	vadd.f32 v37, v1;
	v37 =	vld [tilespmem:s2+$0x1500]  }
0x206: {  	[tilespmem:$0x1FEC0] =	vst v47;
	v47 =	vld [tilespmem:$0x1FE60]  }
0x207: {  	v61 =	vadd.f32 v63, v61;
	v63 =	vld [tilespmem:$0x1FEA0]  }
0x208: {  	v57 =	vadd.f32 v57, v55;
	v55 =	vld [tilespmem:s2+$0x980]  }
0x209: {  	v0 =	vadd.f32 v38, v0;
	v58 =	vadd.f32 v58, v56;
	v56 =	vld [tilespmem:$0x1FEB0]  }
0x20a: {  	v18 =	vadd.f32 v18, v62;
	v62 =	vld [tilespmem:s2+$0x1780]  }
0x20b: {  	v0 =	vadd.f32 v36, v0;
	v2 =	vadd.f32 v10, v2;
	v10 =	vld [tilespmem:s2+$0x2000]  }
0x20c: {  	v3 =	vadd.f32 v11, v3;
	v11 =	vld [tilespmem:s2+$0x2080]  }
0x20d: {  	v0 =	vadd.f32 v34, v0;
	v34 =	vld [tilespmem:s2+$0x1480]  }
0x20e: {  	v4 =	vadd.f32 v4, v61;
	v61 =	vld [tilespmem:s2+$0x1700]  }
0x20f: {  	v1 =	vadd.f32 v35, v1;
	v2 =	vadd.f32 v12, v2;
	v12 =	vld [tilespmem:s2+$0x700]  }
0x210: {  	v3 =	vadd.f32 v13, v3;
	v13 =	vld [tilespmem:s2+$0x780];
	v0 =	vadd.f32 v31, v0  }
0x211: {  	v1 =	vadd.f32 v32, v1;
	v31 =	vadd.f32 v40, v39;
	v40 =	vld [tilespmem:s2+$0x1580]  }
0x212: {  	v32 =	vadd.f32 v42, v41;
	v41 =	vadd.f32 v51, v57;
	v57 =	vld [tilespmem:$0x1FEC0]  }
0x213: {  	v42 =	vadd.f32 v52, v58;
	v58 =	vld [tilespmem:s2+$0xA80]  }
0x214: {  	v51 =	vld [tilespmem:s2+$0x2400]  }
0x215: {  	v2 =	vadd.f32 v14, v2;
	v14 =	vld [tilespmem:s2+$0x800]  }
0x216: {  	v20 =	vadd.f32 v20, v48;
	v3 =	vadd.f32 v15, v3;
	v15 =	vld [tilespmem:s2+$0x880]  }
0x217: {  	v5 =	vadd.f32 v5, v18;
	v35 =	vadd.f32 v49, v47;
	v49 =	vld [tilespmem:$0x1FE70]  }
0x218: {  	v9 =	vadd.f32 v9, v20;
	v31 =	vadd.f32 v59, v31;
	v59 =	vld [tilespmem:s2+$0x1600]  }
0x219: {  	v32 =	vadd.f32 v60, v32;
	v19 =	vadd.f32 v19, v63;
	v60 =	vld [tilespmem:s2+$0x1680]  }
0x21a: {  	v63 =	vld [tilespmem:s2+$0x2300];
	v0 =	vadd.f32 v1, v0;
	v48 =	vadd.f32 v34, v5  }
0x21b: {  	v2 =	vadd.f32 v3, v2;
	v3 =	vld [tilespmem:s2+$0x1400];
	v35 =	vadd.f32 v43, v35  }
0x21c: {  	v43 =	vld [tilespmem:s2+$0x2280];
	v31 =	vadd.f32 v56, v31;
	v8 =	vadd.f32 v8, v19  }
0x21d: {  	v56 =	vld [tilespmem:s2+$0xC80];
	v32 =	vadd.f32 v57, v32;
	v12 =	vadd.f32 v12, v41  }
0x21e: {  	v13 =	vadd.f32 v13, v42;
	v36 =	vadd.f32 v50, v49;
	v50 =	vld [tilespmem:$0x1FE80]  }
0x21f: {  	v42 =	vld [tilespmem:s2+$0x2380];
	v6 =	vadd.f32 v6, v35;
	v0 =	vadd.f32 v2, v0  }
0x220: {  	v57 =	vld [tilespmem:s2+$0x1800];
	v14 =	vadd.f32 v14, v31;
	v15 =	vadd.f32 v15, v32  }
0x221: {  	v49 =	vld [tilespmem:s2+$0x2100];
	v13 =	vadd.f32 v55, v13;
	v6 =	vadd.f32 v37, v6  }
0x222: {  	v36 =	vadd.f32 v44, v36;
	v44 =	vld [tilespmem:s2+$0x900];
	v3 =	vadd.f32 v3, v4  }
0x223: {  	v15 =	vadd.f32 v58, v15;
	v38 =	vadd.f32 v53, v50;
	v53 =	vld [tilespmem:$0x1FE90]  }
0x224: {  	v4 =	vadd.f32 v60, v48;
	v58 =	vld [tilespmem:s2+$0x1880];
	v6 =	vadd.f32 v61, v6  }
0x225: {  	v61 =	vld [tilespmem:s2+$0x1980];
	v7 =	vadd.f32 v7, v36;
	v3 =	vadd.f32 v59, v3  }
0x226: {  	v59 =	vld [tilespmem:s2+$0x1900];
	v15 =	vadd.f32 v56, v15;
	v8 =	vadd.f32 v49, v8  }
0x227: {  	v50 =	vld [tilespmem:s2+$0x2180];
	v7 =	vadd.f32 v40, v7;
	v3 =	vadd.f32 v57, v3  }
0x228: {  	v38 =	vadd.f32 v45, v38;
	v39 =	vadd.f32 v54, v53;
	v54 =	vld [tilespmem:s2+$0x2200]  }
0x229: {  	v55 =	vld [tilespmem:s2+$0xC00];
	v12 =	vadd.f32 v44, v12;
	v8 =	vadd.f32 v63, v8  }
0x22a: {  	v4 =	vadd.f32 v58, v4;
	v7 =	vadd.f32 v62, v7;
	v62 =	vld [tilespmem:s2+$0x2500]  }
0x22b: {  	v10 =	vadd.f32 v10, v38;
	v39 =	vadd.f32 v46, v39;
	v46 =	vld [tilespmem:s2+$0xA00]  }
0x22c: {  	v6 =	vadd.f32 v59, v6;
	v9 =	vadd.f32 v50, v9;
	v53 =	vld [tilespmem:s2+$0xB00]  }
0x22d: {  	v7 =	vadd.f32 v61, v7;
	v10 =	vadd.f32 v54, v10;
	v54 =	vld [tilespmem:s2+$0xB80]  }
0x22e: {  	v52 =	vld [tilespmem:s2+$0x2480];
	v3 =	vadd.f32 v4, v3;
	v9 =	vadd.f32 v42, v9  }
0x22f: {  	v36 =	vld [tilespmem:s2+$0x2600];
	v6 =	vadd.f32 v7, v6;
	v11 =	vadd.f32 v11, v39  }
0x230: {  	v63 =	vld [tilespmem:s2+$0x2580];
	v8 =	vadd.f32 v62, v8;
	v14 =	vadd.f32 v46, v14  }
0x231: {  	v37 =	vld [tilespmem:s2+$0x2680];
	v12 =	vadd.f32 v53, v12;
	v11 =	vadd.f32 v43, v11  }
0x232: {  	s3 =	sadd.s32 $0x10, s31;
	v14 =	vadd.f32 v55, v14;
	v13 =	vadd.f32 v54, v13  }
0x233: {  	v38 =	vld [tilespmem:s3+$0x0];
	v5 =	vadd.f32 v51, v10;
	v60 =	vadd.f32 v52, v11  }
0x234: {  	v41 =	vor.u32 s0, v17;
	v14 =	vadd.f32 v15, v14;
	v12 =	vadd.f32 v13, v12  }
0x235: {  	v17 =	vadd.s32 v22, v41;
	v42 =	vadd.f32 v63, v9;
	v5 =	vadd.f32 v36, v5  }
0x236: {  	v49 =	vadd.s32 v16, v41;
	v10 =	vadd.f32 v37, v60;
	v39 =	vadd.f32 v14, v12  }
0x237: {  	v40 =	vmul.f32 $9.960937500e-01, v30;
	v3 =	vadd.f32 v6, v3;
	v7 =	vadd.f32 v42, v8  }
0x238: {  	v44 =	vadd.s32 v23, v41;
	v5 =	vadd.f32 v10, v5;
	v4 =	vadd.f32 v39, v38  }
0x239: {  	v45 =	vadd.s32 v21, v41;
	v47 =	vmul.f32 v40, v29;
	v3 =	vadd.f32 v3, v38  }
0x23a: {  	v0 =	vadd.f32 v0, v38;
	v5 =	vadd.f32 v5, v7;
	v4 =	vmax.f32 v4, $0.0e+00  }
0x23b: {  	v43 =	vmin.f32 v33, $1.000000000e+00;
	v46 =	vld.idx.msk [tilespmem:v17+s13+$0x0], $0xffff;
	v3 =	vmax.f32 v3, $0.0e+00;
	v4 =	vmin.f32 v4, $1.000000000e+00  }
0x23c: {  	v3 =	vmin.f32 v3, $1.000000000e+00;
	v5 =	vadd.f32 v5, v38;
	v48 =	vmul.f32 v4, v4  }
0x23d: {  	v8 =	vld.idx.msk [tilespmem:v44+s13+$0x0], $0xffff;
	v9 =	vmul.f32 v43, v43;
	v3 =	vmul.f32 v3, v3  }
0x23e: {  	v0 =	vmax.f32 v0, $0.0e+00;
	v5 =	vmax.f32 v5, $0.0e+00;
	v2 =	vmul.f32 $9.960937500e-01, v48  }
0x23f: {  	v1 =	vld.idx.msk [tilespmem:v45+s13+$0x0], $0xffff;
	v9 =	vmul.f32 $9.960937500e-01, v9;
	v3 =	vmul.f32 $9.960937500e-01, v3;
	v5 =	vmin.f32 v5, $1.000000000e+00  }
0x240: {  	v0 =	vmin.f32 v0, $1.000000000e+00;
	v5 =	vmul.f32 v5, v5;
	v2 =	vmul.f32 v2, v46  }
0x241: {  	v50 =	vadd.f32 v47, v26;
	v0 =	vmul.f32 v0, v0;
	v51 =	vmul.f32 v9, v28;
	v4 =	vld.idx.msk [tilespmem:v49+s13+$0x0], $0xffff  }
0x242: {  	v3 =	vmul.f32 v3, v8;
	v5 =	vmul.f32 $9.960937500e-01, v5;
	v2 =	vadd.f32 v2, v27  }
0x243: {  	v0 =	vmul.f32 $9.960937500e-01, v0  }
0x244: {  	v52 =	vld [tilespmem:$0x1FEF0];
	v7 =	vadd.f32 v51, v25;
	v3 =	vadd.f32 v3, v50;
	v1 =	vmul.f32 v5, v1;
	(xrf2) =	vadd.scan.msk.f32 $0xffff, v2;
	_ =	sdelay $0x1  }
0x245: {  	v54 =	vld [tilespmem:$0x1FF00];
	v0 =	vmul.f32 v0, v4;
	v1 =	vadd.f32 v1, v7;
	(xrf2) =	vadd.scan.msk.f32 $0xffff, v3;
	_ =	sdelay $0x1  }
0x246: {  	v55 =	vld [tilespmem:$0x1FF10];
	v0 =	vadd.f32 v0, v24;
	(xrf2) =	vadd.scan.msk.f32 $0xffff, v1;
	_ =	sdelay $0x1  }
0x247: {  	v58 =	vld [tilespmem:$0x1FED0];
	(xrf2) =	vadd.scan.msk.f32 $0xffff, v0;
	_ =	sdelay $0x1  }
0x248: {  	v0 =	vld.idx.msk [tilespmem:v52+s15+$0x0], $0xffff;
	_ =	sdelay $0x1  }
0x249: {  	v2 =	vld.idx.msk [tilespmem:v54+s15+$0x0], $0xffff;
	v53, _, _ =	vpop (xrf2)  }
0x24a: {  	v1 =	vbroadcast v53, $0xF  }
0x24b: {  	v4 =	vld.idx.msk [tilespmem:v55+s15+$0x0], $0xffff;
	v3, _, _ =	vpop (xrf2)  }
0x24c: {  	v56 =	vbroadcast v3, $0xF;
	v0 =	vadd.f32 v0, v1  }
0x24d: {  	v5 =	vld.idx.msk [tilespmem:v58+s15+$0x0], $0xffff;
	v57, _, _ =	vpop (xrf2)  }
0x24e: {  	v59 =	vbroadcast v57, $0xF;
	v1 =	vadd.f32 v2, v56;
	v0 =	vnsel vm0, $0x0, v0  }
0x24f: {  	v60, _, _ =	vpop (xrf2);
	v0 =	vadd.f32 $0.0e+00, v0  }
0x250: {  	v3 =	vbroadcast v60, $0xF;
	v2 =	vadd.f32 v4, v59;
	v1 =	vsel vm1, $0x0, v1  }
0x251: {  	s29 =	sadd.s32 $0x1, s29;
	v0 =	vadd.f32 v1, v0  }
0x252: {  	p0 =	sne.s32 s29, $0x80;
	v62 =	vadd.f32 v5, v3;
	v61 =	vsel vm2, $0x0, v2  }
.Ltmp2:
0x253: {  	v0 =	vadd.f32 v61, v0;
	(pc) =	sbr.rel @p0 .LBB2_2-.Ltmp2, $3  }
0x254: {  	v63 =	vsel vm3, $0x0, v62  }
0x255: {  	v0 =	vadd.f32 v63, v0;
	_ =	sdelay $0x1  }
0x256: {  	[tilespmem:s30+$0x1ADE0] =	vst v0  }
0x257: {  	s28 =	sadd.s32 $0x1, s28  }
0x258: {  	p0 =	sne.s32 s28, s10  }
.Ltmp3:
0x259: {  	_ = 	snop;
	(pc) =	sbr.rel @p0 .LBB2_1-.Ltmp3, $4  }
0x25a: {  	[hbm4b:s9+s5] =	stream.linear.scatter [tilespmem:s26], [sflag:$0x2], $0x200, $0x38;
	[tilespmem:$0x1AFF0] =	vst v63  }
0x25b: {  	_ =	swait.ge [sflag:s11], $0x200  }
0x25c: {  	[sflag:s11] =	ssyncset.done $0x0  }
0x25d: {  	[sflag:s11] =	ssyncadd.s32 $0xFFFFFE00  }
0x25e: {  	_ =	sfence.sel $0x180000  }
0x25f: {  	[bflag:$0x0] =	sbarrier.arrive $0xFFFF  }
0x260: {  	_ =	strace $0x90000047  }
0x261: {  	s0 =	stileid.u32;
	[bflag:$0x2] =	sbarrier.arrive $0xFFFF  }
0x262: {  	p0 =	sne.s32 s0, $0x0;
	s0 =	rddreg [dreg:$0x6]  }
0x263: {  	s0 =	sadd.s32 @!p0 $0x100000, s0  }
0x264: {  	[sflag:s0] =	ssyncadd.tile.s32 @!p0 $0x1;
	_ =	shalt  }
.Lfunc_end2:
_tile_overlayer_lowered:
.L_overlay_start_2:
0x265: {  	(tag) =	ssettag $0x2  }
0x266: {  	s0 =	rddreg [dreg:$0x0];
	s2 =	stileid.u32  }
0x267: {  	s1 =	rddreg [dreg:$0x1];
	p0 =	sne.s32 s2, $0x0  }
0x268: {  	s3 =	rddreg [dreg:$0x2];
	[bflag:$0x3] =	sbarrier.arrive $0xFFFF;
	s2 =	simm.s32 @!p0 $0x1C02  }
0x269: {  	[timem:s3], [sflag:s2] =	dma.local @!p0 [hbm:s0], s1  }
0x26a: {  	s0 =	simm.s32 @!p0 $0x2  }
0x26b: {  	_ =	swait.ge @!p0 [sflag:s0], s1  }
0x26c: {  	s1 =	ssub.s32 @!p0 $0x0, s1;
	[sflag:s0] =	ssyncset.done @!p0 $0x0  }
0x26d: {  	[sflag:s0] =	ssyncadd.s32 @!p0 s1  }
0x26e: {  	[bflag:$0x3] =	sbarrier.arrive $0xFFFF  }
0x26f: {  	_ =	shalt  }

</sc_bundles>
